<compile_context>
chip_gen: v7x
topology: tpu7x:2x2x1
jax: 0.10.2.dev20260603
libtpu: 0.0.44.dev20260713+nightly
codegen_flags: <defaults>
</compile_context>

<pallas_src>
import functools

import jax
import jax.numpy as jnp
from jax import lax
from jax.experimental import pallas as pl
from jax.experimental.pallas import tpu as pltpu
from jax.experimental.pallas import tpu_sc as plsc

B, C, V_LVL, V_PREV, PATCH = 8, 128, 40962, 10242, 7
ROWS = B * C
NW = 32
PW = 321
G = 7
NBATCH = 46
NIDX = G * PATCH
QLEN = NBATCH * NIDX
QPAD = 2256
FLAT_P = V_PREV * PATCH
PB_CAP = V_PREV - G


@functools.partial(
    pl.kernel,
    out_type=jax.ShapeDtypeStruct((V_PREV, B, C), jnp.float32),
    mesh=plsc.VectorSubcoreMesh(core_axis_name="c", subcore_axis_name="s"),
    compiler_params=pltpu.CompilerParams(
        needs_layout_passes=False, skip_device_barrier=True),
    scratch_types=[
        pltpu.VMEM((2, NIDX, B, C), jnp.float32),
        pltpu.VMEM((2, G, B, C), jnp.float32),
        pltpu.VMEM((NBATCH, NIDX), jnp.int32),
        pltpu.VMEM((QPAD,), jnp.int32),
        pltpu.VMEM((QPAD,), jnp.int32),
        pltpu.SemaphoreType.DMA,
        pltpu.SemaphoreType.DMA,
        pltpu.SemaphoreType.DMA,
        pltpu.SemaphoreType.DMA,
        pltpu.SemaphoreType.DMA,
    ],
)
def _sc_maxpool(x_hbm, v2p_hbm, patches_hbm, out_hbm,
                rows_v, obuf_v, comb_v, qbuf_v, vbuf_v,
                sg0, sg1, so0, so1, sc0):
    wid = lax.axis_index("s") * 2 + lax.axis_index("c")
    p0 = wid * PW
    lane = lax.iota(jnp.int32, 16)

    def pb_of(bi):
        return jnp.minimum(jnp.minimum(p0 + G * bi, p0 + (PW - G)), PB_CAP)

    def fire_gather(slot, sem, bi):
        pltpu.make_async_copy(
            x_hbm.at[comb_v.at[bi]], rows_v.at[slot], sem).start()

    def gather_done(slot, sem):
        pltpu.make_async_copy(
            x_hbm.at[comb_v.at[0]], rows_v.at[slot], sem).wait()

    def fire_out(slot, sem, bi):
        pltpu.make_async_copy(
            obuf_v.at[slot], out_hbm.at[pl.ds(pb_of(bi), G)], sem).start()

    def out_done(slot, sem):
        pltpu.make_async_copy(
            obuf_v.at[slot], out_hbm.at[pl.ds(0, G)], sem).wait()

    def build_q(i, carry):
        f = i * 16 + lane
        bi = f // NIDX
        t = f - bi * NIDX
        p_ = t // PATCH
        j = t - p_ * PATCH
        pb = jnp.minimum(jnp.minimum(p0 + G * bi, p0 + (PW - G)), PB_CAP)
        q = jnp.minimum(j * V_PREV + pb + p_, FLAT_P - 1)
        qbuf_v[pl.ds(i * 16, 16)] = q
        return carry

    lax.fori_loop(0, QPAD // 16, build_q, 0)
    pltpu.make_async_copy(patches_hbm.at[qbuf_v], vbuf_v, sc0).start()
    pltpu.make_async_copy(patches_hbm.at[qbuf_v], vbuf_v, sc0).wait()
    pltpu.make_async_copy(v2p_hbm.at[vbuf_v], qbuf_v, sc0).start()
    pltpu.make_async_copy(v2p_hbm.at[vbuf_v], qbuf_v, sc0).wait()

    def scatter_comb(i, carry):
        f = i * 16 + lane
        bi = f // NIDX
        t = f - bi * NIDX
        v = qbuf_v[pl.ds(i * 16, 16)]
        mask = f < QLEN
        plsc.store_scatter(comb_v, [bi, t], v, mask=mask)
        return carry

    lax.fori_loop(0, (QLEN + 15) // 16, scatter_comb, 0)
    fire_gather(0, sg0, 0)
    fire_gather(1, sg1, 1)

    def compute(slot):
        @plsc.parallel_loop(0, 64, unroll=2)
        def kbody(k):
            kb = k // 8
            c0 = (k - kb * 8) * 16
            for p_ in range(G):
                m = rows_v[slot, PATCH * p_, kb, pl.ds(c0, 16)]
                for j in range(1, PATCH):
                    m = jnp.maximum(
                        m, rows_v[slot, PATCH * p_ + j, kb, pl.ds(c0, 16)])
                obuf_v[slot, p_, kb, pl.ds(c0, 16)] = m

    def step(gg, carry):
        for slot in range(2):
            bi = gg * 2 + slot
            sem = sg0 if slot == 0 else sg1
            osem = so0 if slot == 0 else so1
            gather_done(slot, sem)

            @pl.when(bi >= 2)
            def _():
                out_done(slot, osem)

            compute(slot)

            @pl.when(bi + 2 < NBATCH)
            def _():
                fire_gather(slot, sem, bi + 2)

            fire_out(slot, osem, bi)
        return carry

    lax.fori_loop(0, NBATCH // 2, step, 0)
    out_done(0, so0)
    out_done(1, so1)


def kernel(x, vertices_to_prev_lvl, neihboring_patches):
    x_t = x.transpose(2, 0, 1)
    patches_flat = neihboring_patches.T.reshape(-1)
    out_t = _sc_maxpool(x_t, vertices_to_prev_lvl, patches_flat)
    return out_t.transpose(1, 2, 0)

# --- scband reference (transcript-rebuilt; emitter-appended) ---
"""Pipeline reference for scband-max-pool-74698071212039 (READ-ONLY COPY).

The authoritative reference and input builder live on the scoring server;
editing this copy changes nothing except your own understanding.
"""

import jax, jax.numpy as jnp
import numpy as np

B, C = 8, 128
V_LVL = 40962      # icosphere level-6 vertex count: 10*4**6 + 2
V_PREV = 10242     # icosphere level-5 vertex count: 10*4**5 + 2
PATCH = 7          # 1-ring neighborhood patch size (vertex + 6 neighbors)


def setup_inputs(seed: int = 0) -> dict:
    key = jax.random.key(seed)
    k1, k2, k3 = jax.random.split(key, 3)
    x = jax.random.normal(k1, (B, C, V_LVL), dtype=jnp.float32)
    # mesh connectivity buffers (loaded from .npy files in the torch module);
    # synthesized here with in-range indices
    vertices_to_prev_lvl = jax.random.randint(k2, (V_LVL,), 0, V_LVL, dtype=jnp.int32)
    neihboring_patches = jax.random.randint(k3, (V_PREV, PATCH), 0, V_LVL, dtype=jnp.int32)
    return {
        "x": x,
        "vertices_to_prev_lvl": vertices_to_prev_lvl,
        "neihboring_patches": neihboring_patches,
    }


def reference(x, vertices_to_prev_lvl, neihboring_patches):
    # tmp = x[..., self.vertices_to_prev_lvl]
    tmp = jnp.take(x, vertices_to_prev_lvl, axis=-1)            # [B, C, V_LVL]
    # out, indices = torch.max(tmp[:, :, self.neihboring_patches], -1)
    gathered = jnp.take(tmp, neihboring_patches, axis=2)        # [B, C, V_PREV, PATCH]
    out = jnp.max(gathered, axis=-1)                            # [B, C, V_PREV]
    return out

if __name__ == "__main__":
    import jax
    _d = setup_inputs()
    print(jax.jit(kernel)(*tuple(_d.values())))

</pallas_src>

<mosaic_0001>
#map = affine_map<(d0, d1) -> (0, 0, 0)>
#map1 = affine_map<(d0, d1) -> (0)>
module attributes {stable_mosaic.version = 14 : i64} {
  func.func @_sc_maxpool(%arg0: i32, %arg1: i32, %arg2: memref<40962x8x128xf32, #tpu.memory_space<hbm>>, %arg3: memref<40962xi32, #tpu.memory_space<hbm>>, %arg4: memref<71694xi32, #tpu.memory_space<hbm>>, %arg5: memref<10242x8x128xf32, #tpu.memory_space<hbm>>, %arg6: memref<2x49x8x128xf32, #tpu.memory_space<vmem>>, %arg7: memref<2x7x8x128xf32, #tpu.memory_space<vmem>>, %arg8: memref<46x49xi32, #tpu.memory_space<vmem>>, %arg9: memref<2256xi32, #tpu.memory_space<vmem>>, %arg10: memref<2256xi32, #tpu.memory_space<vmem>>, %arg11: memref<!tpu.dma_semaphore, #tpu.memory_space<semaphore_mem>>, %arg12: memref<!tpu.dma_semaphore, #tpu.memory_space<semaphore_mem>>, %arg13: memref<!tpu.dma_semaphore, #tpu.memory_space<semaphore_mem>>, %arg14: memref<!tpu.dma_semaphore, #tpu.memory_space<semaphore_mem>>, %arg15: memref<!tpu.dma_semaphore, #tpu.memory_space<semaphore_mem>>) attributes {dimension_semantics = [#tpu.dimension_semantics<core_parallel>, #tpu.dimension_semantics<subcore_parallel>], iteration_bounds = array<i64: 2, 16>, scalar_prefetch = 0 : i64, scratch_operands = 10 : i64, tpu.core_type = #tpu.core_type<sc_vector_subcore>, window_params = [{transform_indices = #map}, {transform_indices = #map1}, {transform_indices = #map1}, {transform_indices = #map}]} {
    %mul3A = arith.constant 2 : i32
    %mul3A_0 = arith.muli %arg1, %mul3A : i32
    %add3A = arith.addi %mul3A_0, %arg0 : i32
    %mul3A_1 = arith.constant 321 : i32
    %mul3A_2 = arith.muli %add3A, %mul3A_1 : i32
    %iota3A = tpu.iota {dimensions = array<i32: 0>} : vector<16xi32>
    %scan3A = arith.constant 0 : i32
    %scan3A_3 = arith.constant 0 : i32
    %scan3A_4 = arith.constant 141 : i32
    %scan3A_5 = arith.addi %scan3A_3, %scan3A_4 : i32
    %scan3A_6 = arith.constant 1 : i32
    scf.for %scan3A_92 = %scan3A_3 to %scan3A_5 step %scan3A_6  : i32 {
      %mul3A_93 = arith.constant 16 : i32
      %mul3A_94 = arith.muli %scan3A_92, %mul3A_93 : i32
      %add3A_95 = vector.broadcast %mul3A_94 : i32 to vector<16xi32>
      %add3A_96 = arith.addi %add3A_95, %iota3A : vector<16xi32>
      %jit3A = arith.constant 49 : i32
      %div3A = vector.broadcast %jit3A : i32 to vector<16xi32>
      %div3A_97 = arith.divsi %add3A_96, %div3A : vector<16xi32>
      %sign3A = arith.constant 0 : i32
      %sign3A_98 = vector.broadcast %sign3A : i32 to vector<16xi32>
      %sign3A_99 = arith.cmpi sgt, %add3A_96, %sign3A_98 : vector<16xi32>
      %sign3A_100 = arith.extui %sign3A_99 : vector<16xi1> to vector<16xi32>
      %sign3A_101 = arith.constant 0 : i32
      %sign3A_102 = vector.broadcast %sign3A_101 : i32 to vector<16xi32>
      %sign3A_103 = arith.cmpi slt, %add3A_96, %sign3A_102 : vector<16xi32>
      %sign3A_104 = arith.extui %sign3A_103 : vector<16xi1> to vector<16xi32>
      %sign3A_105 = arith.subi %sign3A_100, %sign3A_104 : vector<16xi32>
      %sign3A_106 = arith.constant 0 : i32
      %sign3A_107 = arith.cmpi sgt, %jit3A, %sign3A_106 : i32
      %sign3A_108 = arith.extui %sign3A_107 : i1 to i32
      %sign3A_109 = arith.constant 0 : i32
      %sign3A_110 = arith.cmpi slt, %jit3A, %sign3A_109 : i32
      %sign3A_111 = arith.extui %sign3A_110 : i1 to i32
      %sign3A_112 = arith.subi %sign3A_108, %sign3A_111 : i32
      %ne3A = vector.broadcast %sign3A_112 : i32 to vector<16xi32>
      %ne3A_113 = arith.cmpi ne, %sign3A_105, %ne3A : vector<16xi32>
      %rem3A = vector.broadcast %jit3A : i32 to vector<16xi32>
      %rem3A_114 = arith.remsi %add3A_96, %rem3A : vector<16xi32>
      %ne3A_115 = arith.constant 0 : i32
      %ne3A_116 = vector.broadcast %ne3A_115 : i32 to vector<16xi32>
      %ne3A_117 = arith.cmpi ne, %rem3A_114, %ne3A_116 : vector<16xi32>
      %and3A = arith.andi %ne3A_113, %ne3A_117 : vector<16xi1>
      %sub3A = arith.constant 1 : i32
      %sub3A_118 = vector.broadcast %sub3A : i32 to vector<16xi32>
      %sub3A_119 = arith.subi %div3A_97, %sub3A_118 : vector<16xi32>
      %select_n3A = arith.select %and3A, %sub3A_119, %div3A_97 : vector<16xi1>, vector<16xi32>
      %mul3A_120 = arith.constant 49 : i32
      %mul3A_121 = vector.broadcast %mul3A_120 : i32 to vector<16xi32>
      %mul3A_122 = arith.muli %select_n3A, %mul3A_121 : vector<16xi32>
      %sub3A_123 = arith.subi %add3A_96, %mul3A_122 : vector<16xi32>
      %jit3A_124 = arith.constant 7 : i32
      %div3A_125 = vector.broadcast %jit3A_124 : i32 to vector<16xi32>
      %div3A_126 = arith.divsi %sub3A_123, %div3A_125 : vector<16xi32>
      %sign3A_127 = arith.constant 0 : i32
      %sign3A_128 = vector.broadcast %sign3A_127 : i32 to vector<16xi32>
      %sign3A_129 = arith.cmpi sgt, %sub3A_123, %sign3A_128 : vector<16xi32>
      %sign3A_130 = arith.extui %sign3A_129 : vector<16xi1> to vector<16xi32>
      %sign3A_131 = arith.constant 0 : i32
      %sign3A_132 = vector.broadcast %sign3A_131 : i32 to vector<16xi32>
      %sign3A_133 = arith.cmpi slt, %sub3A_123, %sign3A_132 : vector<16xi32>
      %sign3A_134 = arith.extui %sign3A_133 : vector<16xi1> to vector<16xi32>
      %sign3A_135 = arith.subi %sign3A_130, %sign3A_134 : vector<16xi32>
      %sign3A_136 = arith.constant 0 : i32
      %sign3A_137 = arith.cmpi sgt, %jit3A_124, %sign3A_136 : i32
      %sign3A_138 = arith.extui %sign3A_137 : i1 to i32
      %sign3A_139 = arith.constant 0 : i32
      %sign3A_140 = arith.cmpi slt, %jit3A_124, %sign3A_139 : i32
      %sign3A_141 = arith.extui %sign3A_140 : i1 to i32
      %sign3A_142 = arith.subi %sign3A_138, %sign3A_141 : i32
      %ne3A_143 = vector.broadcast %sign3A_142 : i32 to vector<16xi32>
      %ne3A_144 = arith.cmpi ne, %sign3A_135, %ne3A_143 : vector<16xi32>
      %rem3A_145 = vector.broadcast %jit3A_124 : i32 to vector<16xi32>
      %rem3A_146 = arith.remsi %sub3A_123, %rem3A_145 : vector<16xi32>
      %ne3A_147 = arith.constant 0 : i32
      %ne3A_148 = vector.broadcast %ne3A_147 : i32 to vector<16xi32>
      %ne3A_149 = arith.cmpi ne, %rem3A_146, %ne3A_148 : vector<16xi32>
      %and3A_150 = arith.andi %ne3A_144, %ne3A_149 : vector<16xi1>
      %sub3A_151 = arith.constant 1 : i32
      %sub3A_152 = vector.broadcast %sub3A_151 : i32 to vector<16xi32>
      %sub3A_153 = arith.subi %div3A_126, %sub3A_152 : vector<16xi32>
      %select_n3A_154 = arith.select %and3A_150, %sub3A_153, %div3A_126 : vector<16xi1>, vector<16xi32>
      %mul3A_155 = arith.constant 7 : i32
      %mul3A_156 = vector.broadcast %mul3A_155 : i32 to vector<16xi32>
      %mul3A_157 = arith.muli %select_n3A_154, %mul3A_156 : vector<16xi32>
      %sub3A_158 = arith.subi %sub3A_123, %mul3A_157 : vector<16xi32>
      %mul3A_159 = arith.constant 7 : i32
      %mul3A_160 = vector.broadcast %mul3A_159 : i32 to vector<16xi32>
      %mul3A_161 = arith.muli %mul3A_160, %select_n3A : vector<16xi32>
      %add3A_162 = vector.broadcast %mul3A_2 : i32 to vector<16xi32>
      %add3A_163 = arith.addi %add3A_162, %mul3A_161 : vector<16xi32>
      %add3A_164 = arith.constant 314 : i32
      %add3A_165 = arith.addi %mul3A_2, %add3A_164 : i32
      %min3A = vector.broadcast %add3A_165 : i32 to vector<16xi32>
      %min3A_166 = arith.minsi %add3A_163, %min3A : vector<16xi32>
      %min3A_167 = arith.constant 10235 : i32
      %min3A_168 = vector.broadcast %min3A_167 : i32 to vector<16xi32>
      %min3A_169 = arith.minsi %min3A_166, %min3A_168 : vector<16xi32>
      %mul3A_170 = arith.constant 10242 : i32
      %mul3A_171 = vector.broadcast %mul3A_170 : i32 to vector<16xi32>
      %mul3A_172 = arith.muli %sub3A_158, %mul3A_171 : vector<16xi32>
      %add3A_173 = arith.addi %mul3A_172, %min3A_169 : vector<16xi32>
      %add3A_174 = arith.addi %add3A_173, %select_n3A_154 : vector<16xi32>
      %min3A_175 = arith.constant 71693 : i32
      %min3A_176 = vector.broadcast %min3A_175 : i32 to vector<16xi32>
      %min3A_177 = arith.minsi %add3A_174, %min3A_176 : vector<16xi32>
      %mul3A_178 = arith.constant 16 : i32
      %mul3A_179 = arith.muli %scan3A_92, %mul3A_178 : i32
      %swap3A = arith.index_cast %mul3A_179 : i32 to index
      %swap3A_180 = tpu.vector_load %arg9[%swap3A] {strides = array<i32>} : memref<2256xi32, #tpu.memory_space<vmem>>, vector<16xi32>,
      tpu.vector_store %arg9[%swap3A], %min3A_177 {strides = array<i32>} : memref<2256xi32, #tpu.memory_space<vmem>>, vector<16xi32>,
    }
    %scan3A_7 = arith.constant 141 : i32
    %dma_start3A = arith.constant 0 : i32
    %dma_start3A_8 = tpu.memref_slice %arg4[%dma_start3A] : memref<71694xi32, #tpu.memory_space<hbm>> -> memref<71694xi32, #tpu.memory_space<hbm>>
    tpu.enqueue_indirect_dma source(%dma_start3A_8 : memref<71694xi32, #tpu.memory_space<hbm>>) target(%arg10 : memref<2256xi32, #tpu.memory_space<vmem>>) offsets(%arg9 : memref<2256xi32, #tpu.memory_space<vmem>>) semaphore(%arg15 : memref<!tpu.dma_semaphore, #tpu.memory_space<semaphore_mem>>)
    %dma_wait3A = arith.constant 0 : i32
    %dma_wait3A_9 = tpu.memref_slice %arg4[%dma_wait3A] : memref<71694xi32, #tpu.memory_space<hbm>> -> memref<71694xi32, #tpu.memory_space<hbm>>
    tpu.wait_indirect_dma semaphore(%arg15 : memref<!tpu.dma_semaphore, #tpu.memory_space<semaphore_mem>>) src(%dma_wait3A_9 : memref<71694xi32, #tpu.memory_space<hbm>>) dst(%arg10 : memref<2256xi32, #tpu.memory_space<vmem>>)
    %dma_start3A_10 = arith.constant 0 : i32
    %dma_start3A_11 = tpu.memref_slice %arg3[%dma_start3A_10] : memref<40962xi32, #tpu.memory_space<hbm>> -> memref<40962xi32, #tpu.memory_space<hbm>>
    tpu.enqueue_indirect_dma source(%dma_start3A_11 : memref<40962xi32, #tpu.memory_space<hbm>>) target(%arg9 : memref<2256xi32, #tpu.memory_space<vmem>>) offsets(%arg10 : memref<2256xi32, #tpu.memory_space<vmem>>) semaphore(%arg15 : memref<!tpu.dma_semaphore, #tpu.memory_space<semaphore_mem>>)
    %dma_wait3A_12 = arith.constant 0 : i32
    %dma_wait3A_13 = tpu.memref_slice %arg3[%dma_wait3A_12] : memref<40962xi32, #tpu.memory_space<hbm>> -> memref<40962xi32, #tpu.memory_space<hbm>>
    tpu.wait_indirect_dma semaphore(%arg15 : memref<!tpu.dma_semaphore, #tpu.memory_space<semaphore_mem>>) src(%dma_wait3A_13 : memref<40962xi32, #tpu.memory_space<hbm>>) dst(%arg9 : memref<2256xi32, #tpu.memory_space<vmem>>)
    %scan3A_14 = arith.constant 0 : i32
    %scan3A_15 = arith.constant 0 : i32
    %scan3A_16 = arith.constant 141 : i32
    %scan3A_17 = arith.addi %scan3A_15, %scan3A_16 : i32
    %scan3A_18 = arith.constant 1 : i32
    scf.for %scan3A_92 = %scan3A_15 to %scan3A_17 step %scan3A_18  : i32 {
      %mul3A_93 = arith.constant 16 : i32
      %mul3A_94 = arith.muli %scan3A_92, %mul3A_93 : i32
      %add3A_95 = vector.broadcast %mul3A_94 : i32 to vector<16xi32>
      %add3A_96 = arith.addi %add3A_95, %iota3A : vector<16xi32>
      %jit3A = arith.constant 49 : i32
      %div3A = vector.broadcast %jit3A : i32 to vector<16xi32>
      %div3A_97 = arith.divsi %add3A_96, %div3A : vector<16xi32>
      %sign3A = arith.constant 0 : i32
      %sign3A_98 = vector.broadcast %sign3A : i32 to vector<16xi32>
      %sign3A_99 = arith.cmpi sgt, %add3A_96, %sign3A_98 : vector<16xi32>
      %sign3A_100 = arith.extui %sign3A_99 : vector<16xi1> to vector<16xi32>
      %sign3A_101 = arith.constant 0 : i32
      %sign3A_102 = vector.broadcast %sign3A_101 : i32 to vector<16xi32>
      %sign3A_103 = arith.cmpi slt, %add3A_96, %sign3A_102 : vector<16xi32>
      %sign3A_104 = arith.extui %sign3A_103 : vector<16xi1> to vector<16xi32>
      %sign3A_105 = arith.subi %sign3A_100, %sign3A_104 : vector<16xi32>
      %sign3A_106 = arith.constant 0 : i32
      %sign3A_107 = arith.cmpi sgt, %jit3A, %sign3A_106 : i32
      %sign3A_108 = arith.extui %sign3A_107 : i1 to i32
      %sign3A_109 = arith.constant 0 : i32
      %sign3A_110 = arith.cmpi slt, %jit3A, %sign3A_109 : i32
      %sign3A_111 = arith.extui %sign3A_110 : i1 to i32
      %sign3A_112 = arith.subi %sign3A_108, %sign3A_111 : i32
      %ne3A = vector.broadcast %sign3A_112 : i32 to vector<16xi32>
      %ne3A_113 = arith.cmpi ne, %sign3A_105, %ne3A : vector<16xi32>
      %rem3A = vector.broadcast %jit3A : i32 to vector<16xi32>
      %rem3A_114 = arith.remsi %add3A_96, %rem3A : vector<16xi32>
      %ne3A_115 = arith.constant 0 : i32
      %ne3A_116 = vector.broadcast %ne3A_115 : i32 to vector<16xi32>
      %ne3A_117 = arith.cmpi ne, %rem3A_114, %ne3A_116 : vector<16xi32>
      %and3A = arith.andi %ne3A_113, %ne3A_117 : vector<16xi1>
      %sub3A = arith.constant 1 : i32
      %sub3A_118 = vector.broadcast %sub3A : i32 to vector<16xi32>
      %sub3A_119 = arith.subi %div3A_97, %sub3A_118 : vector<16xi32>
      %select_n3A = arith.select %and3A, %sub3A_119, %div3A_97 : vector<16xi1>, vector<16xi32>
      %mul3A_120 = arith.constant 49 : i32
      %mul3A_121 = vector.broadcast %mul3A_120 : i32 to vector<16xi32>
      %mul3A_122 = arith.muli %select_n3A, %mul3A_121 : vector<16xi32>
      %sub3A_123 = arith.subi %add3A_96, %mul3A_122 : vector<16xi32>
      %mul3A_124 = arith.constant 16 : i32
      %mul3A_125 = arith.muli %scan3A_92, %mul3A_124 : i32
      %get3A = arith.index_cast %mul3A_125 : i32 to index
      %get3A_126 = tpu.vector_load %arg9[%get3A] {strides = array<i32>} : memref<2256xi32, #tpu.memory_space<vmem>>, vector<16xi32>,
      %lt3A = arith.constant 2254 : i32
      %lt3A_127 = vector.broadcast %lt3A : i32 to vector<16xi32>
      %lt3A_128 = arith.cmpi slt, %add3A_96, %lt3A_127 : vector<16xi32>
      tpu.vector_store_idx %arg8[%select_n3A, %sub3A_123], %get3A_126 masked %lt3A_128 : memref<46x49xi32, #tpu.memory_space<vmem>>[vector<16xi32>, vector<16xi32>], vector<16xi32>, vector<16xi1>
    }
    %scan3A_19 = arith.constant 141 : i32
    %dma_start3A_20 = arith.constant 0 : i32
    %dma_start3A_21 = arith.constant 0 : i32
    %dma_start3A_22 = arith.constant 0 : i32
    %dma_start3A_23 = arith.constant 0 : i32
    %dma_start3A_24 = arith.constant 0 : i32
    %dma_start3A_25 = tpu.memref_slice %arg6[%dma_start3A_21, %dma_start3A_22, %dma_start3A_23, %dma_start3A_24] : memref<2x49x8x128xf32, #tpu.memory_space<vmem>> -> memref<1x49x8x128xf32, #tpu.memory_space<vmem>>
    %dma_start3A_26 = tpu.memref_squeeze %dma_start3A_25 : memref<1x49x8x128xf32, #tpu.memory_space<vmem>> -> memref<49x8x128xf32, #tpu.memory_space<vmem>>
    %dma_start3A_27 = arith.constant 0 : i32
    %dma_start3A_28 = tpu.memref_slice %arg8[%dma_start3A_20, %dma_start3A_27] : memref<46x49xi32, #tpu.memory_space<vmem>> -> memref<1x49xi32, #tpu.memory_space<vmem>>
    %dma_start3A_29 = tpu.memref_squeeze %dma_start3A_28 : memref<1x49xi32, #tpu.memory_space<vmem>> -> memref<49xi32, #tpu.memory_space<vmem>>
    %dma_start3A_30 = arith.constant 0 : i32
    %dma_start3A_31 = arith.constant 0 : i32
    %dma_start3A_32 = arith.constant 0 : i32
    %dma_start3A_33 = tpu.memref_slice %arg2[%dma_start3A_30, %dma_start3A_31, %dma_start3A_32] : memref<40962x8x128xf32, #tpu.memory_space<hbm>> -> memref<40962x8x128xf32, #tpu.memory_space<hbm>>
    tpu.enqueue_indirect_dma source(%dma_start3A_33 : memref<40962x8x128xf32, #tpu.memory_space<hbm>>) target(%dma_start3A_26 : memref<49x8x128xf32, #tpu.memory_space<vmem>>) offsets(%dma_start3A_29 : memref<49xi32, #tpu.memory_space<vmem>>) semaphore(%arg11 : memref<!tpu.dma_semaphore, #tpu.memory_space<semaphore_mem>>)
    %dma_start3A_34 = arith.constant 1 : i32
    %dma_start3A_35 = arith.constant 1 : i32
    %dma_start3A_36 = arith.constant 0 : i32
    %dma_start3A_37 = arith.constant 0 : i32
    %dma_start3A_38 = arith.constant 0 : i32
    %dma_start3A_39 = tpu.memref_slice %arg6[%dma_start3A_35, %dma_start3A_36, %dma_start3A_37, %dma_start3A_38] : memref<2x49x8x128xf32, #tpu.memory_space<vmem>> -> memref<1x49x8x128xf32, #tpu.memory_space<vmem>>
    %dma_start3A_40 = tpu.memref_squeeze %dma_start3A_39 : memref<1x49x8x128xf32, #tpu.memory_space<vmem>> -> memref<49x8x128xf32, #tpu.memory_space<vmem>>
    %dma_start3A_41 = arith.constant 0 : i32
    %dma_start3A_42 = tpu.memref_slice %arg8[%dma_start3A_34, %dma_start3A_41] : memref<46x49xi32, #tpu.memory_space<vmem>> -> memref<1x49xi32, #tpu.memory_space<vmem>>
    %dma_start3A_43 = tpu.memref_squeeze %dma_start3A_42 : memref<1x49xi32, #tpu.memory_space<vmem>> -> memref<49xi32, #tpu.memory_space<vmem>>
    %dma_start3A_44 = arith.constant 0 : i32
    %dma_start3A_45 = arith.constant 0 : i32
    %dma_start3A_46 = arith.constant 0 : i32
    %dma_start3A_47 = tpu.memref_slice %arg2[%dma_start3A_44, %dma_start3A_45, %dma_start3A_46] : memref<40962x8x128xf32, #tpu.memory_space<hbm>> -> memref<40962x8x128xf32, #tpu.memory_space<hbm>>
    tpu.enqueue_indirect_dma source(%dma_start3A_47 : memref<40962x8x128xf32, #tpu.memory_space<hbm>>) target(%dma_start3A_40 : memref<49x8x128xf32, #tpu.memory_space<vmem>>) offsets(%dma_start3A_43 : memref<49xi32, #tpu.memory_space<vmem>>) semaphore(%arg12 : memref<!tpu.dma_semaphore, #tpu.memory_space<semaphore_mem>>)
    %scan3A_48 = arith.constant 0 : i32
    %scan3A_49 = arith.constant 0 : i32
    %scan3A_50 = arith.constant 23 : i32
    %scan3A_51 = arith.addi %scan3A_49, %scan3A_50 : i32
    %scan3A_52 = arith.constant 1 : i32
    scf.for %scan3A_92 = %scan3A_49 to %scan3A_51 step %scan3A_52  : i32 {
      %mul3A_93 = arith.constant 2 : i32
      %mul3A_94 = arith.muli %scan3A_92, %mul3A_93 : i32
      %add3A_95 = arith.constant 0 : i32
      %add3A_96 = arith.addi %mul3A_94, %add3A_95 : i32
      %dma_wait3A_97 = arith.constant 0 : i32
      %dma_wait3A_98 = arith.constant 0 : i32
      %dma_wait3A_99 = arith.constant 0 : i32
      %dma_wait3A_100 = arith.constant 0 : i32
      %dma_wait3A_101 = arith.constant 0 : i32
      %dma_wait3A_102 = tpu.memref_slice %arg6[%dma_wait3A_98, %dma_wait3A_99, %dma_wait3A_100, %dma_wait3A_101] : memref<2x49x8x128xf32, #tpu.memory_space<vmem>> -> memref<1x49x8x128xf32, #tpu.memory_space<vmem>>
      %dma_wait3A_103 = tpu.memref_squeeze %dma_wait3A_102 : memref<1x49x8x128xf32, #tpu.memory_space<vmem>> -> memref<49x8x128xf32, #tpu.memory_space<vmem>>
      %dma_wait3A_104 = arith.constant 0 : i32
      %dma_wait3A_105 = tpu.memref_slice %arg8[%dma_wait3A_97, %dma_wait3A_104] : memref<46x49xi32, #tpu.memory_space<vmem>> -> memref<1x49xi32, #tpu.memory_space<vmem>>
      %dma_wait3A_106 = tpu.memref_squeeze %dma_wait3A_105 : memref<1x49xi32, #tpu.memory_space<vmem>> -> memref<49xi32, #tpu.memory_space<vmem>>
      %dma_wait3A_107 = arith.constant 0 : i32
      %dma_wait3A_108 = arith.constant 0 : i32
      %dma_wait3A_109 = arith.constant 0 : i32
      %dma_wait3A_110 = tpu.memref_slice %arg2[%dma_wait3A_107, %dma_wait3A_108, %dma_wait3A_109] : memref<40962x8x128xf32, #tpu.memory_space<hbm>> -> memref<40962x8x128xf32, #tpu.memory_space<hbm>>
      tpu.wait_indirect_dma semaphore(%arg11 : memref<!tpu.dma_semaphore, #tpu.memory_space<semaphore_mem>>) src(%dma_wait3A_110 : memref<40962x8x128xf32, #tpu.memory_space<hbm>>) dst(%dma_wait3A_103 : memref<49x8x128xf32, #tpu.memory_space<vmem>>)
      %ge3A = arith.constant 2 : i32
      %ge3A_111 = arith.cmpi sge, %add3A_96, %ge3A : i32
      %convert_element_type3A = arith.extui %ge3A_111 : i1 to i32
      %cond3A = arith.constant 0 : i32
      %cond3A_112 = arith.cmpi ne, %convert_element_type3A, %cond3A : i32
      scf.if %cond3A_112 {
        %dma_wait3A_203 = arith.constant 0 : i32
        %dma_wait3A_204 = arith.constant 0 : i32
        %dma_wait3A_205 = arith.constant 0 : i32
        %dma_wait3A_206 = arith.constant 0 : i32
        %dma_wait3A_207 = tpu.memref_slice %arg7[%dma_wait3A_203, %dma_wait3A_204, %dma_wait3A_205, %dma_wait3A_206] : memref<2x7x8x128xf32, #tpu.memory_space<vmem>> -> memref<1x7x8x128xf32, #tpu.memory_space<vmem>>
        %dma_wait3A_208 = tpu.memref_squeeze %dma_wait3A_207 : memref<1x7x8x128xf32, #tpu.memory_space<vmem>> -> memref<7x8x128xf32, #tpu.memory_space<vmem>>
        %dma_wait3A_209 = arith.constant 0 : i32
        %dma_wait3A_210 = arith.constant 0 : i32
        %dma_wait3A_211 = arith.constant 0 : i32
        %dma_wait3A_212 = tpu.memref_slice %arg5[%dma_wait3A_209, %dma_wait3A_210, %dma_wait3A_211] : memref<10242x8x128xf32, #tpu.memory_space<hbm>> -> memref<7x8x128xf32, #tpu.memory_space<hbm>>
        %dma_wait3A_213 = arith.constant 0 : i32
        %dma_wait3A_214 = arith.constant 0 : i32
        %dma_wait3A_215 = arith.constant 0 : i32
        %dma_wait3A_216 = tpu.memref_slice %arg5[%dma_wait3A_213, %dma_wait3A_214, %dma_wait3A_215] : memref<10242x8x128xf32, #tpu.memory_space<hbm>> -> memref<7x8x128xf32, #tpu.memory_space<hbm>>
        %dma_wait3A_217 = arith.constant 0 : i32
        %dma_wait3A_218 = arith.constant 0 : i32
        %dma_wait3A_219 = arith.constant 0 : i32
        %dma_wait3A_220 = tpu.memref_slice %arg7[%dma_wait3A_203, %dma_wait3A_217, %dma_wait3A_218, %dma_wait3A_219] : memref<2x7x8x128xf32, #tpu.memory_space<vmem>> -> memref<1x7x8x128xf32, #tpu.memory_space<vmem>>
        %dma_wait3A_221 = tpu.memref_squeeze %dma_wait3A_220 : memref<1x7x8x128xf32, #tpu.memory_space<vmem>> -> memref<7x8x128xf32, #tpu.memory_space<vmem>>
        tpu.wait_dma2 semaphore(%arg13 : memref<!tpu.dma_semaphore, #tpu.memory_space<semaphore_mem>>) src(%dma_wait3A_221 : memref<7x8x128xf32, #tpu.memory_space<vmem>>) dst(%dma_wait3A_216 : memref<7x8x128xf32, #tpu.memory_space<hbm>>)
      } else {
      }
      %parallel_loop3A = arith.constant 0 : i32
      %parallel_loop3A_113 = arith.constant 64 : i32
      %parallel_loop3A_114 = arith.constant 1 : i32
      scf.for %parallel_loop3A_203 = %parallel_loop3A to %parallel_loop3A_113 step %parallel_loop3A_114  : i32 {
        %parallel_loop3A_204 = arith.constant 8 : i32
        %parallel_loop3A_205 = arith.divsi %parallel_loop3A_203, %parallel_loop3A_204 : i32
        %parallel_loop3A_206 = arith.constant 0 : i32
        %parallel_loop3A_207 = arith.cmpi sgt, %parallel_loop3A_203, %parallel_loop3A_206 : i32
        %parallel_loop3A_208 = arith.extui %parallel_loop3A_207 : i1 to i32
        %parallel_loop3A_209 = arith.constant 0 : i32
        %parallel_loop3A_210 = arith.cmpi slt, %parallel_loop3A_203, %parallel_loop3A_209 : i32
        %parallel_loop3A_211 = arith.extui %parallel_loop3A_210 : i1 to i32
        %parallel_loop3A_212 = arith.subi %parallel_loop3A_208, %parallel_loop3A_211 : i32
        %parallel_loop3A_213 = arith.constant 0 : i32
        %parallel_loop3A_214 = arith.cmpi sgt, %parallel_loop3A_204, %parallel_loop3A_213 : i32
        %parallel_loop3A_215 = arith.extui %parallel_loop3A_214 : i1 to i32
        %parallel_loop3A_216 = arith.constant 0 : i32
        %parallel_loop3A_217 = arith.cmpi slt, %parallel_loop3A_204, %parallel_loop3A_216 : i32
        %parallel_loop3A_218 = arith.extui %parallel_loop3A_217 : i1 to i32
        %parallel_loop3A_219 = arith.subi %parallel_loop3A_215, %parallel_loop3A_218 : i32
        %parallel_loop3A_220 = arith.cmpi ne, %parallel_loop3A_212, %parallel_loop3A_219 : i32
        %parallel_loop3A_221 = arith.remsi %parallel_loop3A_203, %parallel_loop3A_204 : i32
        %parallel_loop3A_222 = arith.constant 0 : i32
        %parallel_loop3A_223 = arith.cmpi ne, %parallel_loop3A_221, %parallel_loop3A_222 : i32
        %parallel_loop3A_224 = arith.andi %parallel_loop3A_220, %parallel_loop3A_223 : i1
        %parallel_loop3A_225 = arith.constant 1 : i32
        %parallel_loop3A_226 = arith.subi %parallel_loop3A_205, %parallel_loop3A_225 : i32
        %parallel_loop3A_227 = arith.select %parallel_loop3A_224, %parallel_loop3A_226, %parallel_loop3A_205 : i32
        %parallel_loop3A_228 = arith.constant 8 : i32
        %parallel_loop3A_229 = arith.muli %parallel_loop3A_227, %parallel_loop3A_228 : i32
        %parallel_loop3A_230 = arith.subi %parallel_loop3A_203, %parallel_loop3A_229 : i32
        %parallel_loop3A_231 = arith.constant 16 : i32
        %parallel_loop3A_232 = arith.muli %parallel_loop3A_230, %parallel_loop3A_231 : i32
        %parallel_loop3A_233 = arith.constant 0 : i32
        %parallel_loop3A_234 = arith.constant 0 : i32
        %parallel_loop3A_235 = arith.index_cast %parallel_loop3A_233 : i32 to index
        %parallel_loop3A_236 = arith.index_cast %parallel_loop3A_234 : i32 to index
        %parallel_loop3A_237 = arith.index_cast %parallel_loop3A_227 : i32 to index
        %parallel_loop3A_238 = arith.index_cast %parallel_loop3A_232 : i32 to index
        %parallel_loop3A_239 = tpu.vector_load %arg6[%parallel_loop3A_235, %parallel_loop3A_236, %parallel_loop3A_237, %parallel_loop3A_238] {strides = array<i32>} : memref<2x49x8x128xf32, #tpu.memory_space<vmem>>, vector<16xf32>,
        %parallel_loop3A_240 = arith.constant 0 : i32
        %parallel_loop3A_241 = arith.constant 1 : i32
        %parallel_loop3A_242 = arith.index_cast %parallel_loop3A_240 : i32 to index
        %parallel_loop3A_243 = arith.index_cast %parallel_loop3A_241 : i32 to index
        %parallel_loop3A_244 = arith.index_cast %parallel_loop3A_227 : i32 to index
        %parallel_loop3A_245 = arith.index_cast %parallel_loop3A_232 : i32 to index
        %parallel_loop3A_246 = tpu.vector_load %arg6[%parallel_loop3A_242, %parallel_loop3A_243, %parallel_loop3A_244, %parallel_loop3A_245] {strides = array<i32>} : memref<2x49x8x128xf32, #tpu.memory_space<vmem>>, vector<16xf32>,
        %parallel_loop3A_247 = arith.maximumf %parallel_loop3A_239, %parallel_loop3A_246 : vector<16xf32>
        %parallel_loop3A_248 = arith.constant 0 : i32
        %parallel_loop3A_249 = arith.constant 2 : i32
        %parallel_loop3A_250 = arith.index_cast %parallel_loop3A_248 : i32 to index
        %parallel_loop3A_251 = arith.index_cast %parallel_loop3A_249 : i32 to index
        %parallel_loop3A_252 = arith.index_cast %parallel_loop3A_227 : i32 to index
        %parallel_loop3A_253 = arith.index_cast %parallel_loop3A_232 : i32 to index
        %parallel_loop3A_254 = tpu.vector_load %arg6[%parallel_loop3A_250, %parallel_loop3A_251, %parallel_loop3A_252, %parallel_loop3A_253] {strides = array<i32>} : memref<2x49x8x128xf32, #tpu.memory_space<vmem>>, vector<16xf32>,
        %parallel_loop3A_255 = arith.maximumf %parallel_loop3A_247, %parallel_loop3A_254 : vector<16xf32>
        %parallel_loop3A_256 = arith.constant 0 : i32
        %parallel_loop3A_257 = arith.constant 3 : i32
        %parallel_loop3A_258 = arith.index_cast %parallel_loop3A_256 : i32 to index
        %parallel_loop3A_259 = arith.index_cast %parallel_loop3A_257 : i32 to index
        %parallel_loop3A_260 = arith.index_cast %parallel_loop3A_227 : i32 to index
        %parallel_loop3A_261 = arith.index_cast %parallel_loop3A_232 : i32 to index
        %parallel_loop3A_262 = tpu.vector_load %arg6[%parallel_loop3A_258, %parallel_loop3A_259, %parallel_loop3A_260, %parallel_loop3A_261] {strides = array<i32>} : memref<2x49x8x128xf32, #tpu.memory_space<vmem>>, vector<16xf32>,
        %parallel_loop3A_263 = arith.maximumf %parallel_loop3A_255, %parallel_loop3A_262 : vector<16xf32>
        %parallel_loop3A_264 = arith.constant 0 : i32
        %parallel_loop3A_265 = arith.constant 4 : i32
        %parallel_loop3A_266 = arith.index_cast %parallel_loop3A_264 : i32 to index
        %parallel_loop3A_267 = arith.index_cast %parallel_loop3A_265 : i32 to index
        %parallel_loop3A_268 = arith.index_cast %parallel_loop3A_227 : i32 to index
        %parallel_loop3A_269 = arith.index_cast %parallel_loop3A_232 : i32 to index
        %parallel_loop3A_270 = tpu.vector_load %arg6[%parallel_loop3A_266, %parallel_loop3A_267, %parallel_loop3A_268, %parallel_loop3A_269] {strides = array<i32>} : memref<2x49x8x128xf32, #tpu.memory_space<vmem>>, vector<16xf32>,
        %parallel_loop3A_271 = arith.maximumf %parallel_loop3A_263, %parallel_loop3A_270 : vector<16xf32>
        %parallel_loop3A_272 = arith.constant 0 : i32
        %parallel_loop3A_273 = arith.constant 5 : i32
        %parallel_loop3A_274 = arith.index_cast %parallel_loop3A_272 : i32 to index
        %parallel_loop3A_275 = arith.index_cast %parallel_loop3A_273 : i32 to index
        %parallel_loop3A_276 = arith.index_cast %parallel_loop3A_227 : i32 to index
        %parallel_loop3A_277 = arith.index_cast %parallel_loop3A_232 : i32 to index
        %parallel_loop3A_278 = tpu.vector_load %arg6[%parallel_loop3A_274, %parallel_loop3A_275, %parallel_loop3A_276, %parallel_loop3A_277] {strides = array<i32>} : memref<2x49x8x128xf32, #tpu.memory_space<vmem>>, vector<16xf32>,
        %parallel_loop3A_279 = arith.maximumf %parallel_loop3A_271, %parallel_loop3A_278 : vector<16xf32>
        %parallel_loop3A_280 = arith.constant 0 : i32
        %parallel_loop3A_281 = arith.constant 6 : i32
        %parallel_loop3A_282 = arith.index_cast %parallel_loop3A_280 : i32 to index
        %parallel_loop3A_283 = arith.index_cast %parallel_loop3A_281 : i32 to index
        %parallel_loop3A_284 = arith.index_cast %parallel_loop3A_227 : i32 to index
        %parallel_loop3A_285 = arith.index_cast %parallel_loop3A_232 : i32 to index
        %parallel_loop3A_286 = tpu.vector_load %arg6[%parallel_loop3A_282, %parallel_loop3A_283, %parallel_loop3A_284, %parallel_loop3A_285] {strides = array<i32>} : memref<2x49x8x128xf32, #tpu.memory_space<vmem>>, vector<16xf32>,
        %parallel_loop3A_287 = arith.maximumf %parallel_loop3A_279, %parallel_loop3A_286 : vector<16xf32>
        %parallel_loop3A_288 = arith.constant 0 : i32
        %parallel_loop3A_289 = arith.constant 0 : i32
        %parallel_loop3A_290 = arith.index_cast %parallel_loop3A_288 : i32 to index
        %parallel_loop3A_291 = arith.index_cast %parallel_loop3A_289 : i32 to index
        %parallel_loop3A_292 = arith.index_cast %parallel_loop3A_227 : i32 to index
        %parallel_loop3A_293 = arith.index_cast %parallel_loop3A_232 : i32 to index
        %parallel_loop3A_294 = tpu.vector_load %arg7[%parallel_loop3A_290, %parallel_loop3A_291, %parallel_loop3A_292, %parallel_loop3A_293] {strides = array<i32>} : memref<2x7x8x128xf32, #tpu.memory_space<vmem>>, vector<16xf32>,
        tpu.vector_store %arg7[%parallel_loop3A_290, %parallel_loop3A_291, %parallel_loop3A_292, %parallel_loop3A_293], %parallel_loop3A_287 {strides = array<i32>} : memref<2x7x8x128xf32, #tpu.memory_space<vmem>>, vector<16xf32>,
        %parallel_loop3A_295 = arith.constant 0 : i32
        %parallel_loop3A_296 = arith.constant 7 : i32
        %parallel_loop3A_297 = arith.index_cast %parallel_loop3A_295 : i32 to index
        %parallel_loop3A_298 = arith.index_cast %parallel_loop3A_296 : i32 to index
        %parallel_loop3A_299 = arith.index_cast %parallel_loop3A_227 : i32 to index
        %parallel_loop3A_300 = arith.index_cast %parallel_loop3A_232 : i32 to index
        %parallel_loop3A_301 = tpu.vector_load %arg6[%parallel_loop3A_297, %parallel_loop3A_298, %parallel_loop3A_299, %parallel_loop3A_300] {strides = array<i32>} : memref<2x49x8x128xf32, #tpu.memory_space<vmem>>, vector<16xf32>,
        %parallel_loop3A_302 = arith.constant 0 : i32
        %parallel_loop3A_303 = arith.constant 8 : i32
        %parallel_loop3A_304 = arith.index_cast %parallel_loop3A_302 : i32 to index
        %parallel_loop3A_305 = arith.index_cast %parallel_loop3A_303 : i32 to index
        %parallel_loop3A_306 = arith.index_cast %parallel_loop3A_227 : i32 to index
        %parallel_loop3A_307 = arith.index_cast %parallel_loop3A_232 : i32 to index
        %parallel_loop3A_308 = tpu.vector_load %arg6[%parallel_loop3A_304, %parallel_loop3A_305, %parallel_loop3A_306, %parallel_loop3A_307] {strides = array<i32>} : memref<2x49x8x128xf32, #tpu.memory_space<vmem>>, vector<16xf32>,
        %parallel_loop3A_309 = arith.maximumf %parallel_loop3A_301, %parallel_loop3A_308 : vector<16xf32>
        %parallel_loop3A_310 = arith.constant 0 : i32
        %parallel_loop3A_311 = arith.constant 9 : i32
        %parallel_loop3A_312 = arith.index_cast %parallel_loop3A_310 : i32 to index
        %parallel_loop3A_313 = arith.index_cast %parallel_loop3A_311 : i32 to index
        %parallel_loop3A_314 = arith.index_cast %parallel_loop3A_227 : i32 to index
        %parallel_loop3A_315 = arith.index_cast %parallel_loop3A_232 : i32 to index
        %parallel_loop3A_316 = tpu.vector_load %arg6[%parallel_loop3A_312, %parallel_loop3A_313, %parallel_loop3A_314, %parallel_loop3A_315] {strides = array<i32>} : memref<2x49x8x128xf32, #tpu.memory_space<vmem>>, vector<16xf32>,
        %parallel_loop3A_317 = arith.maximumf %parallel_loop3A_309, %parallel_loop3A_316 : vector<16xf32>
        %parallel_loop3A_318 = arith.constant 0 : i32
        %parallel_loop3A_319 = arith.constant 10 : i32
        %parallel_loop3A_320 = arith.index_cast %parallel_loop3A_318 : i32 to index
        %parallel_loop3A_321 = arith.index_cast %parallel_loop3A_319 : i32 to index
        %parallel_loop3A_322 = arith.index_cast %parallel_loop3A_227 : i32 to index
        %parallel_loop3A_323 = arith.index_cast %parallel_loop3A_232 : i32 to index
        %parallel_loop3A_324 = tpu.vector_load %arg6[%parallel_loop3A_320, %parallel_loop3A_321, %parallel_loop3A_322, %parallel_loop3A_323] {strides = array<i32>} : memref<2x49x8x128xf32, #tpu.memory_space<vmem>>, vector<16xf32>,
        %parallel_loop3A_325 = arith.maximumf %parallel_loop3A_317, %parallel_loop3A_324 : vector<16xf32>
        %parallel_loop3A_326 = arith.constant 0 : i32
        %parallel_loop3A_327 = arith.constant 11 : i32
        %parallel_loop3A_328 = arith.index_cast %parallel_loop3A_326 : i32 to index
        %parallel_loop3A_329 = arith.index_cast %parallel_loop3A_327 : i32 to index
        %parallel_loop3A_330 = arith.index_cast %parallel_loop3A_227 : i32 to index
        %parallel_loop3A_331 = arith.index_cast %parallel_loop3A_232 : i32 to index
        %parallel_loop3A_332 = tpu.vector_load %arg6[%parallel_loop3A_328, %parallel_loop3A_329, %parallel_loop3A_330, %parallel_loop3A_331] {strides = array<i32>} : memref<2x49x8x128xf32, #tpu.memory_space<vmem>>, vector<16xf32>,
        %parallel_loop3A_333 = arith.maximumf %parallel_loop3A_325, %parallel_loop3A_332 : vector<16xf32>
        %parallel_loop3A_334 = arith.constant 0 : i32
        %parallel_loop3A_335 = arith.constant 12 : i32
        %parallel_loop3A_336 = arith.index_cast %parallel_loop3A_334 : i32 to index
        %parallel_loop3A_337 = arith.index_cast %parallel_loop3A_335 : i32 to index
        %parallel_loop3A_338 = arith.index_cast %parallel_loop3A_227 : i32 to index
        %parallel_loop3A_339 = arith.index_cast %parallel_loop3A_232 : i32 to index
        %parallel_loop3A_340 = tpu.vector_load %arg6[%parallel_loop3A_336, %parallel_loop3A_337, %parallel_loop3A_338, %parallel_loop3A_339] {strides = array<i32>} : memref<2x49x8x128xf32, #tpu.memory_space<vmem>>, vector<16xf32>,
        %parallel_loop3A_341 = arith.maximumf %parallel_loop3A_333, %parallel_loop3A_340 : vector<16xf32>
        %parallel_loop3A_342 = arith.constant 0 : i32
        %parallel_loop3A_343 = arith.constant 13 : i32
        %parallel_loop3A_344 = arith.index_cast %parallel_loop3A_342 : i32 to index
        %parallel_loop3A_345 = arith.index_cast %parallel_loop3A_343 : i32 to index
        %parallel_loop3A_346 = arith.index_cast %parallel_loop3A_227 : i32 to index
        %parallel_loop3A_347 = arith.index_cast %parallel_loop3A_232 : i32 to index
        %parallel_loop3A_348 = tpu.vector_load %arg6[%parallel_loop3A_344, %parallel_loop3A_345, %parallel_loop3A_346, %parallel_loop3A_347] {strides = array<i32>} : memref<2x49x8x128xf32, #tpu.memory_space<vmem>>, vector<16xf32>,
        %parallel_loop3A_349 = arith.maximumf %parallel_loop3A_341, %parallel_loop3A_348 : vector<16xf32>
        %parallel_loop3A_350 = arith.constant 0 : i32
        %parallel_loop3A_351 = arith.constant 1 : i32
        %parallel_loop3A_352 = arith.index_cast %parallel_loop3A_350 : i32 to index
        %parallel_loop3A_353 = arith.index_cast %parallel_loop3A_351 : i32 to index
        %parallel_loop3A_354 = arith.index_cast %parallel_loop3A_227 : i32 to index
        %parallel_loop3A_355 = arith.index_cast %parallel_loop3A_232 : i32 to index
        %parallel_loop3A_356 = tpu.vector_load %arg7[%parallel_loop3A_352, %parallel_loop3A_353, %parallel_loop3A_354, %parallel_loop3A_355] {strides = array<i32>} : memref<2x7x8x128xf32, #tpu.memory_space<vmem>>, vector<16xf32>,
        tpu.vector_store %arg7[%parallel_loop3A_352, %parallel_loop3A_353, %parallel_loop3A_354, %parallel_loop3A_355], %parallel_loop3A_349 {strides = array<i32>} : memref<2x7x8x128xf32, #tpu.memory_space<vmem>>, vector<16xf32>,
        %parallel_loop3A_357 = arith.constant 0 : i32
        %parallel_loop3A_358 = arith.constant 14 : i32
        %parallel_loop3A_359 = arith.index_cast %parallel_loop3A_357 : i32 to index
        %parallel_loop3A_360 = arith.index_cast %parallel_loop3A_358 : i32 to index
        %parallel_loop3A_361 = arith.index_cast %parallel_loop3A_227 : i32 to index
        %parallel_loop3A_362 = arith.index_cast %parallel_loop3A_232 : i32 to index
        %parallel_loop3A_363 = tpu.vector_load %arg6[%parallel_loop3A_359, %parallel_loop3A_360, %parallel_loop3A_361, %parallel_loop3A_362] {strides = array<i32>} : memref<2x49x8x128xf32, #tpu.memory_space<vmem>>, vector<16xf32>,
        %parallel_loop3A_364 = arith.constant 0 : i32
        %parallel_loop3A_365 = arith.constant 15 : i32
        %parallel_loop3A_366 = arith.index_cast %parallel_loop3A_364 : i32 to index
        %parallel_loop3A_367 = arith.index_cast %parallel_loop3A_365 : i32 to index
        %parallel_loop3A_368 = arith.index_cast %parallel_loop3A_227 : i32 to index
        %parallel_loop3A_369 = arith.index_cast %parallel_loop3A_232 : i32 to index
        %parallel_loop3A_370 = tpu.vector_load %arg6[%parallel_loop3A_366, %parallel_loop3A_367, %parallel_loop3A_368, %parallel_loop3A_369] {strides = array<i32>} : memref<2x49x8x128xf32, #tpu.memory_space<vmem>>, vector<16xf32>,
        %parallel_loop3A_371 = arith.maximumf %parallel_loop3A_363, %parallel_loop3A_370 : vector<16xf32>
        %parallel_loop3A_372 = arith.constant 0 : i32
        %parallel_loop3A_373 = arith.constant 16 : i32
        %parallel_loop3A_374 = arith.index_cast %parallel_loop3A_372 : i32 to index
        %parallel_loop3A_375 = arith.index_cast %parallel_loop3A_373 : i32 to index
        %parallel_loop3A_376 = arith.index_cast %parallel_loop3A_227 : i32 to index
        %parallel_loop3A_377 = arith.index_cast %parallel_loop3A_232 : i32 to index
        %parallel_loop3A_378 = tpu.vector_load %arg6[%parallel_loop3A_374, %parallel_loop3A_375, %parallel_loop3A_376, %parallel_loop3A_377] {strides = array<i32>} : memref<2x49x8x128xf32, #tpu.memory_space<vmem>>, vector<16xf32>,
        %parallel_loop3A_379 = arith.maximumf %parallel_loop3A_371, %parallel_loop3A_378 : vector<16xf32>
        %parallel_loop3A_380 = arith.constant 0 : i32
        %parallel_loop3A_381 = arith.constant 17 : i32
        %parallel_loop3A_382 = arith.index_cast %parallel_loop3A_380 : i32 to index
        %parallel_loop3A_383 = arith.index_cast %parallel_loop3A_381 : i32 to index
        %parallel_loop3A_384 = arith.index_cast %parallel_loop3A_227 : i32 to index
        %parallel_loop3A_385 = arith.index_cast %parallel_loop3A_232 : i32 to index
        %parallel_loop3A_386 = tpu.vector_load %arg6[%parallel_loop3A_382, %parallel_loop3A_383, %parallel_loop3A_384, %parallel_loop3A_385] {strides = array<i32>} : memref<2x49x8x128xf32, #tpu.memory_space<vmem>>, vector<16xf32>,
        %parallel_loop3A_387 = arith.maximumf %parallel_loop3A_379, %parallel_loop3A_386 : vector<16xf32>
        %parallel_loop3A_388 = arith.constant 0 : i32
        %parallel_loop3A_389 = arith.constant 18 : i32
        %parallel_loop3A_390 = arith.index_cast %parallel_loop3A_388 : i32 to index
        %parallel_loop3A_391 = arith.index_cast %parallel_loop3A_389 : i32 to index
        %parallel_loop3A_392 = arith.index_cast %parallel_loop3A_227 : i32 to index
        %parallel_loop3A_393 = arith.index_cast %parallel_loop3A_232 : i32 to index
        %parallel_loop3A_394 = tpu.vector_load %arg6[%parallel_loop3A_390, %parallel_loop3A_391, %parallel_loop3A_392, %parallel_loop3A_393] {strides = array<i32>} : memref<2x49x8x128xf32, #tpu.memory_space<vmem>>, vector<16xf32>,
        %parallel_loop3A_395 = arith.maximumf %parallel_loop3A_387, %parallel_loop3A_394 : vector<16xf32>
        %parallel_loop3A_396 = arith.constant 0 : i32
        %parallel_loop3A_397 = arith.constant 19 : i32
        %parallel_loop3A_398 = arith.index_cast %parallel_loop3A_396 : i32 to index
        %parallel_loop3A_399 = arith.index_cast %parallel_loop3A_397 : i32 to index
        %parallel_loop3A_400 = arith.index_cast %parallel_loop3A_227 : i32 to index
        %parallel_loop3A_401 = arith.index_cast %parallel_loop3A_232 : i32 to index
        %parallel_loop3A_402 = tpu.vector_load %arg6[%parallel_loop3A_398, %parallel_loop3A_399, %parallel_loop3A_400, %parallel_loop3A_401] {strides = array<i32>} : memref<2x49x8x128xf32, #tpu.memory_space<vmem>>, vector<16xf32>,
        %parallel_loop3A_403 = arith.maximumf %parallel_loop3A_395, %parallel_loop3A_402 : vector<16xf32>
        %parallel_loop3A_404 = arith.constant 0 : i32
        %parallel_loop3A_405 = arith.constant 20 : i32
        %parallel_loop3A_406 = arith.index_cast %parallel_loop3A_404 : i32 to index
        %parallel_loop3A_407 = arith.index_cast %parallel_loop3A_405 : i32 to index
        %parallel_loop3A_408 = arith.index_cast %parallel_loop3A_227 : i32 to index
        %parallel_loop3A_409 = arith.index_cast %parallel_loop3A_232 : i32 to index
        %parallel_loop3A_410 = tpu.vector_load %arg6[%parallel_loop3A_406, %parallel_loop3A_407, %parallel_loop3A_408, %parallel_loop3A_409] {strides = array<i32>} : memref<2x49x8x128xf32, #tpu.memory_space<vmem>>, vector<16xf32>,
        %parallel_loop3A_411 = arith.maximumf %parallel_loop3A_403, %parallel_loop3A_410 : vector<16xf32>
        %parallel_loop3A_412 = arith.constant 0 : i32
        %parallel_loop3A_413 = arith.constant 2 : i32
        %parallel_loop3A_414 = arith.index_cast %parallel_loop3A_412 : i32 to index
        %parallel_loop3A_415 = arith.index_cast %parallel_loop3A_413 : i32 to index
        %parallel_loop3A_416 = arith.index_cast %parallel_loop3A_227 : i32 to index
        %parallel_loop3A_417 = arith.index_cast %parallel_loop3A_232 : i32 to index
        %parallel_loop3A_418 = tpu.vector_load %arg7[%parallel_loop3A_414, %parallel_loop3A_415, %parallel_loop3A_416, %parallel_loop3A_417] {strides = array<i32>} : memref<2x7x8x128xf32, #tpu.memory_space<vmem>>, vector<16xf32>,
        tpu.vector_store %arg7[%parallel_loop3A_414, %parallel_loop3A_415, %parallel_loop3A_416, %parallel_loop3A_417], %parallel_loop3A_411 {strides = array<i32>} : memref<2x7x8x128xf32, #tpu.memory_space<vmem>>, vector<16xf32>,
        %parallel_loop3A_419 = arith.constant 0 : i32
        %parallel_loop3A_420 = arith.constant 21 : i32
        %parallel_loop3A_421 = arith.index_cast %parallel_loop3A_419 : i32 to index
        %parallel_loop3A_422 = arith.index_cast %parallel_loop3A_420 : i32 to index
        %parallel_loop3A_423 = arith.index_cast %parallel_loop3A_227 : i32 to index
        %parallel_loop3A_424 = arith.index_cast %parallel_loop3A_232 : i32 to index
        %parallel_loop3A_425 = tpu.vector_load %arg6[%parallel_loop3A_421, %parallel_loop3A_422, %parallel_loop3A_423, %parallel_loop3A_424] {strides = array<i32>} : memref<2x49x8x128xf32, #tpu.memory_space<vmem>>, vector<16xf32>,
        %parallel_loop3A_426 = arith.constant 0 : i32
        %parallel_loop3A_427 = arith.constant 22 : i32
        %parallel_loop3A_428 = arith.index_cast %parallel_loop3A_426 : i32 to index
        %parallel_loop3A_429 = arith.index_cast %parallel_loop3A_427 : i32 to index
        %parallel_loop3A_430 = arith.index_cast %parallel_loop3A_227 : i32 to index
        %parallel_loop3A_431 = arith.index_cast %parallel_loop3A_232 : i32 to index
        %parallel_loop3A_432 = tpu.vector_load %arg6[%parallel_loop3A_428, %parallel_loop3A_429, %parallel_loop3A_430, %parallel_loop3A_431] {strides = array<i32>} : memref<2x49x8x128xf32, #tpu.memory_space<vmem>>, vector<16xf32>,
        %parallel_loop3A_433 = arith.maximumf %parallel_loop3A_425, %parallel_loop3A_432 : vector<16xf32>
        %parallel_loop3A_434 = arith.constant 0 : i32
        %parallel_loop3A_435 = arith.constant 23 : i32
        %parallel_loop3A_436 = arith.index_cast %parallel_loop3A_434 : i32 to index
        %parallel_loop3A_437 = arith.index_cast %parallel_loop3A_435 : i32 to index
        %parallel_loop3A_438 = arith.index_cast %parallel_loop3A_227 : i32 to index
        %parallel_loop3A_439 = arith.index_cast %parallel_loop3A_232 : i32 to index
        %parallel_loop3A_440 = tpu.vector_load %arg6[%parallel_loop3A_436, %parallel_loop3A_437, %parallel_loop3A_438, %parallel_loop3A_439] {strides = array<i32>} : memref<2x49x8x128xf32, #tpu.memory_space<vmem>>, vector<16xf32>,
        %parallel_loop3A_441 = arith.maximumf %parallel_loop3A_433, %parallel_loop3A_440 : vector<16xf32>
        %parallel_loop3A_442 = arith.constant 0 : i32
        %parallel_loop3A_443 = arith.constant 24 : i32
        %parallel_loop3A_444 = arith.index_cast %parallel_loop3A_442 : i32 to index
        %parallel_loop3A_445 = arith.index_cast %parallel_loop3A_443 : i32 to index
        %parallel_loop3A_446 = arith.index_cast %parallel_loop3A_227 : i32 to index
        %parallel_loop3A_447 = arith.index_cast %parallel_loop3A_232 : i32 to index
        %parallel_loop3A_448 = tpu.vector_load %arg6[%parallel_loop3A_444, %parallel_loop3A_445, %parallel_loop3A_446, %parallel_loop3A_447] {strides = array<i32>} : memref<2x49x8x128xf32, #tpu.memory_space<vmem>>, vector<16xf32>,
        %parallel_loop3A_449 = arith.maximumf %parallel_loop3A_441, %parallel_loop3A_448 : vector<16xf32>
        %parallel_loop3A_450 = arith.constant 0 : i32
        %parallel_loop3A_451 = arith.constant 25 : i32
        %parallel_loop3A_452 = arith.index_cast %parallel_loop3A_450 : i32 to index
        %parallel_loop3A_453 = arith.index_cast %parallel_loop3A_451 : i32 to index
        %parallel_loop3A_454 = arith.index_cast %parallel_loop3A_227 : i32 to index
        %parallel_loop3A_455 = arith.index_cast %parallel_loop3A_232 : i32 to index
        %parallel_loop3A_456 = tpu.vector_load %arg6[%parallel_loop3A_452, %parallel_loop3A_453, %parallel_loop3A_454, %parallel_loop3A_455] {strides = array<i32>} : memref<2x49x8x128xf32, #tpu.memory_space<vmem>>, vector<16xf32>,
        %parallel_loop3A_457 = arith.maximumf %parallel_loop3A_449, %parallel_loop3A_456 : vector<16xf32>
        %parallel_loop3A_458 = arith.constant 0 : i32
        %parallel_loop3A_459 = arith.constant 26 : i32
        %parallel_loop3A_460 = arith.index_cast %parallel_loop3A_458 : i32 to index
        %parallel_loop3A_461 = arith.index_cast %parallel_loop3A_459 : i32 to index
        %parallel_loop3A_462 = arith.index_cast %parallel_loop3A_227 : i32 to index
        %parallel_loop3A_463 = arith.index_cast %parallel_loop3A_232 : i32 to index
        %parallel_loop3A_464 = tpu.vector_load %arg6[%parallel_loop3A_460, %parallel_loop3A_461, %parallel_loop3A_462, %parallel_loop3A_463] {strides = array<i32>} : memref<2x49x8x128xf32, #tpu.memory_space<vmem>>, vector<16xf32>,
        %parallel_loop3A_465 = arith.maximumf %parallel_loop3A_457, %parallel_loop3A_464 : vector<16xf32>
        %parallel_loop3A_466 = arith.constant 0 : i32
        %parallel_loop3A_467 = arith.constant 27 : i32
        %parallel_loop3A_468 = arith.index_cast %parallel_loop3A_466 : i32 to index
        %parallel_loop3A_469 = arith.index_cast %parallel_loop3A_467 : i32 to index
        %parallel_loop3A_470 = arith.index_cast %parallel_loop3A_227 : i32 to index
        %parallel_loop3A_471 = arith.index_cast %parallel_loop3A_232 : i32 to index
        %parallel_loop3A_472 = tpu.vector_load %arg6[%parallel_loop3A_468, %parallel_loop3A_469, %parallel_loop3A_470, %parallel_loop3A_471] {strides = array<i32>} : memref<2x49x8x128xf32, #tpu.memory_space<vmem>>, vector<16xf32>,
        %parallel_loop3A_473 = arith.maximumf %parallel_loop3A_465, %parallel_loop3A_472 : vector<16xf32>
        %parallel_loop3A_474 = arith.constant 0 : i32
        %parallel_loop3A_475 = arith.constant 3 : i32
        %parallel_loop3A_476 = arith.index_cast %parallel_loop3A_474 : i32 to index
        %parallel_loop3A_477 = arith.index_cast %parallel_loop3A_475 : i32 to index
        %parallel_loop3A_478 = arith.index_cast %parallel_loop3A_227 : i32 to index
        %parallel_loop3A_479 = arith.index_cast %parallel_loop3A_232 : i32 to index
        %parallel_loop3A_480 = tpu.vector_load %arg7[%parallel_loop3A_476, %parallel_loop3A_477, %parallel_loop3A_478, %parallel_loop3A_479] {strides = array<i32>} : memref<2x7x8x128xf32, #tpu.memory_space<vmem>>, vector<16xf32>,
        tpu.vector_store %arg7[%parallel_loop3A_476, %parallel_loop3A_477, %parallel_loop3A_478, %parallel_loop3A_479], %parallel_loop3A_473 {strides = array<i32>} : memref<2x7x8x128xf32, #tpu.memory_space<vmem>>, vector<16xf32>,
        %parallel_loop3A_481 = arith.constant 0 : i32
        %parallel_loop3A_482 = arith.constant 28 : i32
        %parallel_loop3A_483 = arith.index_cast %parallel_loop3A_481 : i32 to index
        %parallel_loop3A_484 = arith.index_cast %parallel_loop3A_482 : i32 to index
        %parallel_loop3A_485 = arith.index_cast %parallel_loop3A_227 : i32 to index
        %parallel_loop3A_486 = arith.index_cast %parallel_loop3A_232 : i32 to index
        %parallel_loop3A_487 = tpu.vector_load %arg6[%parallel_loop3A_483, %parallel_loop3A_484, %parallel_loop3A_485, %parallel_loop3A_486] {strides = array<i32>} : memref<2x49x8x128xf32, #tpu.memory_space<vmem>>, vector<16xf32>,
        %parallel_loop3A_488 = arith.constant 0 : i32
        %parallel_loop3A_489 = arith.constant 29 : i32
        %parallel_loop3A_490 = arith.index_cast %parallel_loop3A_488 : i32 to index
        %parallel_loop3A_491 = arith.index_cast %parallel_loop3A_489 : i32 to index
        %parallel_loop3A_492 = arith.index_cast %parallel_loop3A_227 : i32 to index
        %parallel_loop3A_493 = arith.index_cast %parallel_loop3A_232 : i32 to index
        %parallel_loop3A_494 = tpu.vector_load %arg6[%parallel_loop3A_490, %parallel_loop3A_491, %parallel_loop3A_492, %parallel_loop3A_493] {strides = array<i32>} : memref<2x49x8x128xf32, #tpu.memory_space<vmem>>, vector<16xf32>,
        %parallel_loop3A_495 = arith.maximumf %parallel_loop3A_487, %parallel_loop3A_494 : vector<16xf32>
        %parallel_loop3A_496 = arith.constant 0 : i32
        %parallel_loop3A_497 = arith.constant 30 : i32
        %parallel_loop3A_498 = arith.index_cast %parallel_loop3A_496 : i32 to index
        %parallel_loop3A_499 = arith.index_cast %parallel_loop3A_497 : i32 to index
        %parallel_loop3A_500 = arith.index_cast %parallel_loop3A_227 : i32 to index
        %parallel_loop3A_501 = arith.index_cast %parallel_loop3A_232 : i32 to index
        %parallel_loop3A_502 = tpu.vector_load %arg6[%parallel_loop3A_498, %parallel_loop3A_499, %parallel_loop3A_500, %parallel_loop3A_501] {strides = array<i32>} : memref<2x49x8x128xf32, #tpu.memory_space<vmem>>, vector<16xf32>,
        %parallel_loop3A_503 = arith.maximumf %parallel_loop3A_495, %parallel_loop3A_502 : vector<16xf32>
        %parallel_loop3A_504 = arith.constant 0 : i32
        %parallel_loop3A_505 = arith.constant 31 : i32
        %parallel_loop3A_506 = arith.index_cast %parallel_loop3A_504 : i32 to index
        %parallel_loop3A_507 = arith.index_cast %parallel_loop3A_505 : i32 to index
        %parallel_loop3A_508 = arith.index_cast %parallel_loop3A_227 : i32 to index
        %parallel_loop3A_509 = arith.index_cast %parallel_loop3A_232 : i32 to index
        %parallel_loop3A_510 = tpu.vector_load %arg6[%parallel_loop3A_506, %parallel_loop3A_507, %parallel_loop3A_508, %parallel_loop3A_509] {strides = array<i32>} : memref<2x49x8x128xf32, #tpu.memory_space<vmem>>, vector<16xf32>,
        %parallel_loop3A_511 = arith.maximumf %parallel_loop3A_503, %parallel_loop3A_510 : vector<16xf32>
        %parallel_loop3A_512 = arith.constant 0 : i32
        %parallel_loop3A_513 = arith.constant 32 : i32
        %parallel_loop3A_514 = arith.index_cast %parallel_loop3A_512 : i32 to index
        %parallel_loop3A_515 = arith.index_cast %parallel_loop3A_513 : i32 to index
        %parallel_loop3A_516 = arith.index_cast %parallel_loop3A_227 : i32 to index
        %parallel_loop3A_517 = arith.index_cast %parallel_loop3A_232 : i32 to index
        %parallel_loop3A_518 = tpu.vector_load %arg6[%parallel_loop3A_514, %parallel_loop3A_515, %parallel_loop3A_516, %parallel_loop3A_517] {strides = array<i32>} : memref<2x49x8x128xf32, #tpu.memory_space<vmem>>, vector<16xf32>,
        %parallel_loop3A_519 = arith.maximumf %parallel_loop3A_511, %parallel_loop3A_518 : vector<16xf32>
        %parallel_loop3A_520 = arith.constant 0 : i32
        %parallel_loop3A_521 = arith.constant 33 : i32
        %parallel_loop3A_522 = arith.index_cast %parallel_loop3A_520 : i32 to index
        %parallel_loop3A_523 = arith.index_cast %parallel_loop3A_521 : i32 to index
        %parallel_loop3A_524 = arith.index_cast %parallel_loop3A_227 : i32 to index
        %parallel_loop3A_525 = arith.index_cast %parallel_loop3A_232 : i32 to index
        %parallel_loop3A_526 = tpu.vector_load %arg6[%parallel_loop3A_522, %parallel_loop3A_523, %parallel_loop3A_524, %parallel_loop3A_525] {strides = array<i32>} : memref<2x49x8x128xf32, #tpu.memory_space<vmem>>, vector<16xf32>,
        %parallel_loop3A_527 = arith.maximumf %parallel_loop3A_519, %parallel_loop3A_526 : vector<16xf32>
        %parallel_loop3A_528 = arith.constant 0 : i32
        %parallel_loop3A_529 = arith.constant 34 : i32
        %parallel_loop3A_530 = arith.index_cast %parallel_loop3A_528 : i32 to index
        %parallel_loop3A_531 = arith.index_cast %parallel_loop3A_529 : i32 to index
        %parallel_loop3A_532 = arith.index_cast %parallel_loop3A_227 : i32 to index
        %parallel_loop3A_533 = arith.index_cast %parallel_loop3A_232 : i32 to index
        %parallel_loop3A_534 = tpu.vector_load %arg6[%parallel_loop3A_530, %parallel_loop3A_531, %parallel_loop3A_532, %parallel_loop3A_533] {strides = array<i32>} : memref<2x49x8x128xf32, #tpu.memory_space<vmem>>, vector<16xf32>,
        %parallel_loop3A_535 = arith.maximumf %parallel_loop3A_527, %parallel_loop3A_534 : vector<16xf32>
        %parallel_loop3A_536 = arith.constant 0 : i32
        %parallel_loop3A_537 = arith.constant 4 : i32
        %parallel_loop3A_538 = arith.index_cast %parallel_loop3A_536 : i32 to index
        %parallel_loop3A_539 = arith.index_cast %parallel_loop3A_537 : i32 to index
        %parallel_loop3A_540 = arith.index_cast %parallel_loop3A_227 : i32 to index
        %parallel_loop3A_541 = arith.index_cast %parallel_loop3A_232 : i32 to index
        %parallel_loop3A_542 = tpu.vector_load %arg7[%parallel_loop3A_538, %parallel_loop3A_539, %parallel_loop3A_540, %parallel_loop3A_541] {strides = array<i32>} : memref<2x7x8x128xf32, #tpu.memory_space<vmem>>, vector<16xf32>,
        tpu.vector_store %arg7[%parallel_loop3A_538, %parallel_loop3A_539, %parallel_loop3A_540, %parallel_loop3A_541], %parallel_loop3A_535 {strides = array<i32>} : memref<2x7x8x128xf32, #tpu.memory_space<vmem>>, vector<16xf32>,
        %parallel_loop3A_543 = arith.constant 0 : i32
        %parallel_loop3A_544 = arith.constant 35 : i32
        %parallel_loop3A_545 = arith.index_cast %parallel_loop3A_543 : i32 to index
        %parallel_loop3A_546 = arith.index_cast %parallel_loop3A_544 : i32 to index
        %parallel_loop3A_547 = arith.index_cast %parallel_loop3A_227 : i32 to index
        %parallel_loop3A_548 = arith.index_cast %parallel_loop3A_232 : i32 to index
        %parallel_loop3A_549 = tpu.vector_load %arg6[%parallel_loop3A_545, %parallel_loop3A_546, %parallel_loop3A_547, %parallel_loop3A_548] {strides = array<i32>} : memref<2x49x8x128xf32, #tpu.memory_space<vmem>>, vector<16xf32>,
        %parallel_loop3A_550 = arith.constant 0 : i32
        %parallel_loop3A_551 = arith.constant 36 : i32
        %parallel_loop3A_552 = arith.index_cast %parallel_loop3A_550 : i32 to index
        %parallel_loop3A_553 = arith.index_cast %parallel_loop3A_551 : i32 to index
        %parallel_loop3A_554 = arith.index_cast %parallel_loop3A_227 : i32 to index
        %parallel_loop3A_555 = arith.index_cast %parallel_loop3A_232 : i32 to index
        %parallel_loop3A_556 = tpu.vector_load %arg6[%parallel_loop3A_552, %parallel_loop3A_553, %parallel_loop3A_554, %parallel_loop3A_555] {strides = array<i32>} : memref<2x49x8x128xf32, #tpu.memory_space<vmem>>, vector<16xf32>,
        %parallel_loop3A_557 = arith.maximumf %parallel_loop3A_549, %parallel_loop3A_556 : vector<16xf32>
        %parallel_loop3A_558 = arith.constant 0 : i32
        %parallel_loop3A_559 = arith.constant 37 : i32
        %parallel_loop3A_560 = arith.index_cast %parallel_loop3A_558 : i32 to index
        %parallel_loop3A_561 = arith.index_cast %parallel_loop3A_559 : i32 to index
        %parallel_loop3A_562 = arith.index_cast %parallel_loop3A_227 : i32 to index
        %parallel_loop3A_563 = arith.index_cast %parallel_loop3A_232 : i32 to index
        %parallel_loop3A_564 = tpu.vector_load %arg6[%parallel_loop3A_560, %parallel_loop3A_561, %parallel_loop3A_562, %parallel_loop3A_563] {strides = array<i32>} : memref<2x49x8x128xf32, #tpu.memory_space<vmem>>, vector<16xf32>,
        %parallel_loop3A_565 = arith.maximumf %parallel_loop3A_557, %parallel_loop3A_564 : vector<16xf32>
        %parallel_loop3A_566 = arith.constant 0 : i32
        %parallel_loop3A_567 = arith.constant 38 : i32
        %parallel_loop3A_568 = arith.index_cast %parallel_loop3A_566 : i32 to index
        %parallel_loop3A_569 = arith.index_cast %parallel_loop3A_567 : i32 to index
        %parallel_loop3A_570 = arith.index_cast %parallel_loop3A_227 : i32 to index
        %parallel_loop3A_571 = arith.index_cast %parallel_loop3A_232 : i32 to index
        %parallel_loop3A_572 = tpu.vector_load %arg6[%parallel_loop3A_568, %parallel_loop3A_569, %parallel_loop3A_570, %parallel_loop3A_571] {strides = array<i32>} : memref<2x49x8x128xf32, #tpu.memory_space<vmem>>, vector<16xf32>,
        %parallel_loop3A_573 = arith.maximumf %parallel_loop3A_565, %parallel_loop3A_572 : vector<16xf32>
        %parallel_loop3A_574 = arith.constant 0 : i32
        %parallel_loop3A_575 = arith.constant 39 : i32
        %parallel_loop3A_576 = arith.index_cast %parallel_loop3A_574 : i32 to index
        %parallel_loop3A_577 = arith.index_cast %parallel_loop3A_575 : i32 to index
        %parallel_loop3A_578 = arith.index_cast %parallel_loop3A_227 : i32 to index
        %parallel_loop3A_579 = arith.index_cast %parallel_loop3A_232 : i32 to index
        %parallel_loop3A_580 = tpu.vector_load %arg6[%parallel_loop3A_576, %parallel_loop3A_577, %parallel_loop3A_578, %parallel_loop3A_579] {strides = array<i32>} : memref<2x49x8x128xf32, #tpu.memory_space<vmem>>, vector<16xf32>,
        %parallel_loop3A_581 = arith.maximumf %parallel_loop3A_573, %parallel_loop3A_580 : vector<16xf32>
        %parallel_loop3A_582 = arith.constant 0 : i32
        %parallel_loop3A_583 = arith.constant 40 : i32
        %parallel_loop3A_584 = arith.index_cast %parallel_loop3A_582 : i32 to index
        %parallel_loop3A_585 = arith.index_cast %parallel_loop3A_583 : i32 to index
        %parallel_loop3A_586 = arith.index_cast %parallel_loop3A_227 : i32 to index
        %parallel_loop3A_587 = arith.index_cast %parallel_loop3A_232 : i32 to index
        %parallel_loop3A_588 = tpu.vector_load %arg6[%parallel_loop3A_584, %parallel_loop3A_585, %parallel_loop3A_586, %parallel_loop3A_587] {strides = array<i32>} : memref<2x49x8x128xf32, #tpu.memory_space<vmem>>, vector<16xf32>,
        %parallel_loop3A_589 = arith.maximumf %parallel_loop3A_581, %parallel_loop3A_588 : vector<16xf32>
        %parallel_loop3A_590 = arith.constant 0 : i32
        %parallel_loop3A_591 = arith.constant 41 : i32
        %parallel_loop3A_592 = arith.index_cast %parallel_loop3A_590 : i32 to index
        %parallel_loop3A_593 = arith.index_cast %parallel_loop3A_591 : i32 to index
        %parallel_loop3A_594 = arith.index_cast %parallel_loop3A_227 : i32 to index
        %parallel_loop3A_595 = arith.index_cast %parallel_loop3A_232 : i32 to index
        %parallel_loop3A_596 = tpu.vector_load %arg6[%parallel_loop3A_592, %parallel_loop3A_593, %parallel_loop3A_594, %parallel_loop3A_595] {strides = array<i32>} : memref<2x49x8x128xf32, #tpu.memory_space<vmem>>, vector<16xf32>,
        %parallel_loop3A_597 = arith.maximumf %parallel_loop3A_589, %parallel_loop3A_596 : vector<16xf32>
        %parallel_loop3A_598 = arith.constant 0 : i32
        %parallel_loop3A_599 = arith.constant 5 : i32
        %parallel_loop3A_600 = arith.index_cast %parallel_loop3A_598 : i32 to index
        %parallel_loop3A_601 = arith.index_cast %parallel_loop3A_599 : i32 to index
        %parallel_loop3A_602 = arith.index_cast %parallel_loop3A_227 : i32 to index
        %parallel_loop3A_603 = arith.index_cast %parallel_loop3A_232 : i32 to index
        %parallel_loop3A_604 = tpu.vector_load %arg7[%parallel_loop3A_600, %parallel_loop3A_601, %parallel_loop3A_602, %parallel_loop3A_603] {strides = array<i32>} : memref<2x7x8x128xf32, #tpu.memory_space<vmem>>, vector<16xf32>,
        tpu.vector_store %arg7[%parallel_loop3A_600, %parallel_loop3A_601, %parallel_loop3A_602, %parallel_loop3A_603], %parallel_loop3A_597 {strides = array<i32>} : memref<2x7x8x128xf32, #tpu.memory_space<vmem>>, vector<16xf32>,
        %parallel_loop3A_605 = arith.constant 0 : i32
        %parallel_loop3A_606 = arith.constant 42 : i32
        %parallel_loop3A_607 = arith.index_cast %parallel_loop3A_605 : i32 to index
        %parallel_loop3A_608 = arith.index_cast %parallel_loop3A_606 : i32 to index
        %parallel_loop3A_609 = arith.index_cast %parallel_loop3A_227 : i32 to index
        %parallel_loop3A_610 = arith.index_cast %parallel_loop3A_232 : i32 to index
        %parallel_loop3A_611 = tpu.vector_load %arg6[%parallel_loop3A_607, %parallel_loop3A_608, %parallel_loop3A_609, %parallel_loop3A_610] {strides = array<i32>} : memref<2x49x8x128xf32, #tpu.memory_space<vmem>>, vector<16xf32>,
        %parallel_loop3A_612 = arith.constant 0 : i32
        %parallel_loop3A_613 = arith.constant 43 : i32
        %parallel_loop3A_614 = arith.index_cast %parallel_loop3A_612 : i32 to index
        %parallel_loop3A_615 = arith.index_cast %parallel_loop3A_613 : i32 to index
        %parallel_loop3A_616 = arith.index_cast %parallel_loop3A_227 : i32 to index
        %parallel_loop3A_617 = arith.index_cast %parallel_loop3A_232 : i32 to index
        %parallel_loop3A_618 = tpu.vector_load %arg6[%parallel_loop3A_614, %parallel_loop3A_615, %parallel_loop3A_616, %parallel_loop3A_617] {strides = array<i32>} : memref<2x49x8x128xf32, #tpu.memory_space<vmem>>, vector<16xf32>,
        %parallel_loop3A_619 = arith.maximumf %parallel_loop3A_611, %parallel_loop3A_618 : vector<16xf32>
        %parallel_loop3A_620 = arith.constant 0 : i32
        %parallel_loop3A_621 = arith.constant 44 : i32
        %parallel_loop3A_622 = arith.index_cast %parallel_loop3A_620 : i32 to index
        %parallel_loop3A_623 = arith.index_cast %parallel_loop3A_621 : i32 to index
        %parallel_loop3A_624 = arith.index_cast %parallel_loop3A_227 : i32 to index
        %parallel_loop3A_625 = arith.index_cast %parallel_loop3A_232 : i32 to index
        %parallel_loop3A_626 = tpu.vector_load %arg6[%parallel_loop3A_622, %parallel_loop3A_623, %parallel_loop3A_624, %parallel_loop3A_625] {strides = array<i32>} : memref<2x49x8x128xf32, #tpu.memory_space<vmem>>, vector<16xf32>,
        %parallel_loop3A_627 = arith.maximumf %parallel_loop3A_619, %parallel_loop3A_626 : vector<16xf32>
        %parallel_loop3A_628 = arith.constant 0 : i32
        %parallel_loop3A_629 = arith.constant 45 : i32
        %parallel_loop3A_630 = arith.index_cast %parallel_loop3A_628 : i32 to index
        %parallel_loop3A_631 = arith.index_cast %parallel_loop3A_629 : i32 to index
        %parallel_loop3A_632 = arith.index_cast %parallel_loop3A_227 : i32 to index
        %parallel_loop3A_633 = arith.index_cast %parallel_loop3A_232 : i32 to index
        %parallel_loop3A_634 = tpu.vector_load %arg6[%parallel_loop3A_630, %parallel_loop3A_631, %parallel_loop3A_632, %parallel_loop3A_633] {strides = array<i32>} : memref<2x49x8x128xf32, #tpu.memory_space<vmem>>, vector<16xf32>,
        %parallel_loop3A_635 = arith.maximumf %parallel_loop3A_627, %parallel_loop3A_634 : vector<16xf32>
        %parallel_loop3A_636 = arith.constant 0 : i32
        %parallel_loop3A_637 = arith.constant 46 : i32
        %parallel_loop3A_638 = arith.index_cast %parallel_loop3A_636 : i32 to index
        %parallel_loop3A_639 = arith.index_cast %parallel_loop3A_637 : i32 to index
        %parallel_loop3A_640 = arith.index_cast %parallel_loop3A_227 : i32 to index
        %parallel_loop3A_641 = arith.index_cast %parallel_loop3A_232 : i32 to index
        %parallel_loop3A_642 = tpu.vector_load %arg6[%parallel_loop3A_638, %parallel_loop3A_639, %parallel_loop3A_640, %parallel_loop3A_641] {strides = array<i32>} : memref<2x49x8x128xf32, #tpu.memory_space<vmem>>, vector<16xf32>,
        %parallel_loop3A_643 = arith.maximumf %parallel_loop3A_635, %parallel_loop3A_642 : vector<16xf32>
        %parallel_loop3A_644 = arith.constant 0 : i32
        %parallel_loop3A_645 = arith.constant 47 : i32
        %parallel_loop3A_646 = arith.index_cast %parallel_loop3A_644 : i32 to index
        %parallel_loop3A_647 = arith.index_cast %parallel_loop3A_645 : i32 to index
        %parallel_loop3A_648 = arith.index_cast %parallel_loop3A_227 : i32 to index
        %parallel_loop3A_649 = arith.index_cast %parallel_loop3A_232 : i32 to index
        %parallel_loop3A_650 = tpu.vector_load %arg6[%parallel_loop3A_646, %parallel_loop3A_647, %parallel_loop3A_648, %parallel_loop3A_649] {strides = array<i32>} : memref<2x49x8x128xf32, #tpu.memory_space<vmem>>, vector<16xf32>,
        %parallel_loop3A_651 = arith.maximumf %parallel_loop3A_643, %parallel_loop3A_650 : vector<16xf32>
        %parallel_loop3A_652 = arith.constant 0 : i32
        %parallel_loop3A_653 = arith.constant 48 : i32
        %parallel_loop3A_654 = arith.index_cast %parallel_loop3A_652 : i32 to index
        %parallel_loop3A_655 = arith.index_cast %parallel_loop3A_653 : i32 to index
        %parallel_loop3A_656 = arith.index_cast %parallel_loop3A_227 : i32 to index
        %parallel_loop3A_657 = arith.index_cast %parallel_loop3A_232 : i32 to index
        %parallel_loop3A_658 = tpu.vector_load %arg6[%parallel_loop3A_654, %parallel_loop3A_655, %parallel_loop3A_656, %parallel_loop3A_657] {strides = array<i32>} : memref<2x49x8x128xf32, #tpu.memory_space<vmem>>, vector<16xf32>,
        %parallel_loop3A_659 = arith.maximumf %parallel_loop3A_651, %parallel_loop3A_658 : vector<16xf32>
        %parallel_loop3A_660 = arith.constant 0 : i32
        %parallel_loop3A_661 = arith.constant 6 : i32
        %parallel_loop3A_662 = arith.index_cast %parallel_loop3A_660 : i32 to index
        %parallel_loop3A_663 = arith.index_cast %parallel_loop3A_661 : i32 to index
        %parallel_loop3A_664 = arith.index_cast %parallel_loop3A_227 : i32 to index
        %parallel_loop3A_665 = arith.index_cast %parallel_loop3A_232 : i32 to index
        %parallel_loop3A_666 = tpu.vector_load %arg7[%parallel_loop3A_662, %parallel_loop3A_663, %parallel_loop3A_664, %parallel_loop3A_665] {strides = array<i32>} : memref<2x7x8x128xf32, #tpu.memory_space<vmem>>, vector<16xf32>,
        tpu.vector_store %arg7[%parallel_loop3A_662, %parallel_loop3A_663, %parallel_loop3A_664, %parallel_loop3A_665], %parallel_loop3A_659 {strides = array<i32>} : memref<2x7x8x128xf32, #tpu.memory_space<vmem>>, vector<16xf32>,
      } {sc.loop_unroll_factor = 2 : i64, sc.parallel_access}
      %add3A_115 = arith.constant 2 : i32
      %add3A_116 = arith.addi %add3A_96, %add3A_115 : i32
      %lt3A = arith.constant 46 : i32
      %lt3A_117 = arith.cmpi slt, %add3A_116, %lt3A : i32
      %convert_element_type3A_118 = arith.extui %lt3A_117 : i1 to i32
      %cond3A_119 = arith.constant 0 : i32
      %cond3A_120 = arith.cmpi ne, %convert_element_type3A_118, %cond3A_119 : i32
      scf.if %cond3A_120 {
        %add3A_203 = arith.constant 2 : i32
        %add3A_204 = arith.addi %add3A_96, %add3A_203 : i32
        %dma_start3A_205 = arith.constant 0 : i32
        %dma_start3A_206 = arith.constant 0 : i32
        %dma_start3A_207 = arith.constant 0 : i32
        %dma_start3A_208 = arith.constant 0 : i32
        %dma_start3A_209 = tpu.memref_slice %arg6[%dma_start3A_205, %dma_start3A_206, %dma_start3A_207, %dma_start3A_208] : memref<2x49x8x128xf32, #tpu.memory_space<vmem>> -> memref<1x49x8x128xf32, #tpu.memory_space<vmem>>
        %dma_start3A_210 = tpu.memref_squeeze %dma_start3A_209 : memref<1x49x8x128xf32, #tpu.memory_space<vmem>> -> memref<49x8x128xf32, #tpu.memory_space<vmem>>
        %dma_start3A_211 = arith.constant 0 : i32
        %dma_start3A_212 = tpu.memref_slice %arg8[%add3A_204, %dma_start3A_211] : memref<46x49xi32, #tpu.memory_space<vmem>> -> memref<1x49xi32, #tpu.memory_space<vmem>>
        %dma_start3A_213 = tpu.memref_squeeze %dma_start3A_212 : memref<1x49xi32, #tpu.memory_space<vmem>> -> memref<49xi32, #tpu.memory_space<vmem>>
        %dma_start3A_214 = arith.constant 0 : i32
        %dma_start3A_215 = arith.constant 0 : i32
        %dma_start3A_216 = arith.constant 0 : i32
        %dma_start3A_217 = tpu.memref_slice %arg2[%dma_start3A_214, %dma_start3A_215, %dma_start3A_216] : memref<40962x8x128xf32, #tpu.memory_space<hbm>> -> memref<40962x8x128xf32, #tpu.memory_space<hbm>>
        tpu.enqueue_indirect_dma source(%dma_start3A_217 : memref<40962x8x128xf32, #tpu.memory_space<hbm>>) target(%dma_start3A_210 : memref<49x8x128xf32, #tpu.memory_space<vmem>>) offsets(%dma_start3A_213 : memref<49xi32, #tpu.memory_space<vmem>>) semaphore(%arg11 : memref<!tpu.dma_semaphore, #tpu.memory_space<semaphore_mem>>)
      } else {
      }
      %mul3A_121 = arith.constant 7 : i32
      %mul3A_122 = arith.muli %mul3A_121, %add3A_96 : i32
      %add3A_123 = arith.addi %mul3A_2, %mul3A_122 : i32
      %add3A_124 = arith.constant 314 : i32
      %add3A_125 = arith.addi %mul3A_2, %add3A_124 : i32
      %min3A = arith.minsi %add3A_123, %add3A_125 : i32
      %min3A_126 = arith.constant 10235 : i32
      %min3A_127 = arith.minsi %min3A, %min3A_126 : i32
      %dma_start3A_128 = arith.constant 0 : i32
      %dma_start3A_129 = arith.constant 0 : i32
      %dma_start3A_130 = arith.constant 0 : i32
      %dma_start3A_131 = arith.constant 0 : i32
      %dma_start3A_132 = tpu.memref_slice %arg7[%dma_start3A_128, %dma_start3A_129, %dma_start3A_130, %dma_start3A_131] : memref<2x7x8x128xf32, #tpu.memory_space<vmem>> -> memref<1x7x8x128xf32, #tpu.memory_space<vmem>>
      %dma_start3A_133 = tpu.memref_squeeze %dma_start3A_132 : memref<1x7x8x128xf32, #tpu.memory_space<vmem>> -> memref<7x8x128xf32, #tpu.memory_space<vmem>>
      %dma_start3A_134 = arith.constant 0 : i32
      %dma_start3A_135 = arith.constant 0 : i32
      %dma_start3A_136 = tpu.memref_slice %arg5[%min3A_127, %dma_start3A_134, %dma_start3A_135] : memref<10242x8x128xf32, #tpu.memory_space<hbm>> -> memref<7x8x128xf32, #tpu.memory_space<hbm>>
      %dma_start3A_137 = arith.constant 0 : i32
      %dma_start3A_138 = arith.constant 0 : i32
      %dma_start3A_139 = tpu.memref_slice %arg5[%min3A_127, %dma_start3A_137, %dma_start3A_138] : memref<10242x8x128xf32, #tpu.memory_space<hbm>> -> memref<7x8x128xf32, #tpu.memory_space<hbm>>
      %dma_start3A_140 = arith.constant 0 : i32
      %dma_start3A_141 = arith.constant 0 : i32
      %dma_start3A_142 = arith.constant 0 : i32
      %dma_start3A_143 = tpu.memref_slice %arg7[%dma_start3A_128, %dma_start3A_140, %dma_start3A_141, %dma_start3A_142] : memref<2x7x8x128xf32, #tpu.memory_space<vmem>> -> memref<1x7x8x128xf32, #tpu.memory_space<vmem>>
      %dma_start3A_144 = tpu.memref_squeeze %dma_start3A_143 : memref<1x7x8x128xf32, #tpu.memory_space<vmem>> -> memref<7x8x128xf32, #tpu.memory_space<vmem>>
      tpu.enqueue_dma source(%dma_start3A_144 : memref<7x8x128xf32, #tpu.memory_space<vmem>>) target(%dma_start3A_139 : memref<7x8x128xf32, #tpu.memory_space<hbm>>) target_semaphore(%arg13 : memref<!tpu.dma_semaphore, #tpu.memory_space<semaphore_mem>>)
      %mul3A_145 = arith.constant 2 : i32
      %mul3A_146 = arith.muli %scan3A_92, %mul3A_145 : i32
      %add3A_147 = arith.constant 1 : i32
      %add3A_148 = arith.addi %mul3A_146, %add3A_147 : i32
      %dma_wait3A_149 = arith.constant 0 : i32
      %dma_wait3A_150 = arith.constant 1 : i32
      %dma_wait3A_151 = arith.constant 0 : i32
      %dma_wait3A_152 = arith.constant 0 : i32
      %dma_wait3A_153 = arith.constant 0 : i32
      %dma_wait3A_154 = tpu.memref_slice %arg6[%dma_wait3A_150, %dma_wait3A_151, %dma_wait3A_152, %dma_wait3A_153] : memref<2x49x8x128xf32, #tpu.memory_space<vmem>> -> memref<1x49x8x128xf32, #tpu.memory_space<vmem>>
      %dma_wait3A_155 = tpu.memref_squeeze %dma_wait3A_154 : memref<1x49x8x128xf32, #tpu.memory_space<vmem>> -> memref<49x8x128xf32, #tpu.memory_space<vmem>>
      %dma_wait3A_156 = arith.constant 0 : i32
      %dma_wait3A_157 = tpu.memref_slice %arg8[%dma_wait3A_149, %dma_wait3A_156] : memref<46x49xi32, #tpu.memory_space<vmem>> -> memref<1x49xi32, #tpu.memory_space<vmem>>
      %dma_wait3A_158 = tpu.memref_squeeze %dma_wait3A_157 : memref<1x49xi32, #tpu.memory_space<vmem>> -> memref<49xi32, #tpu.memory_space<vmem>>
      %dma_wait3A_159 = arith.constant 0 : i32
      %dma_wait3A_160 = arith.constant 0 : i32
      %dma_wait3A_161 = arith.constant 0 : i32
      %dma_wait3A_162 = tpu.memref_slice %arg2[%dma_wait3A_159, %dma_wait3A_160, %dma_wait3A_161] : memref<40962x8x128xf32, #tpu.memory_space<hbm>> -> memref<40962x8x128xf32, #tpu.memory_space<hbm>>
      tpu.wait_indirect_dma semaphore(%arg12 : memref<!tpu.dma_semaphore, #tpu.memory_space<semaphore_mem>>) src(%dma_wait3A_162 : memref<40962x8x128xf32, #tpu.memory_space<hbm>>) dst(%dma_wait3A_155 : memref<49x8x128xf32, #tpu.memory_space<vmem>>)
      %ge3A_163 = arith.constant 2 : i32
      %ge3A_164 = arith.cmpi sge, %add3A_148, %ge3A_163 : i32
      %convert_element_type3A_165 = arith.extui %ge3A_164 : i1 to i32
      %cond3A_166 = arith.constant 0 : i32
      %cond3A_167 = arith.cmpi ne, %convert_element_type3A_165, %cond3A_166 : i32
      scf.if %cond3A_167 {
        %dma_wait3A_203 = arith.constant 1 : i32
        %dma_wait3A_204 = arith.constant 0 : i32
        %dma_wait3A_205 = arith.constant 0 : i32
        %dma_wait3A_206 = arith.constant 0 : i32
        %dma_wait3A_207 = tpu.memref_slice %arg7[%dma_wait3A_203, %dma_wait3A_204, %dma_wait3A_205, %dma_wait3A_206] : memref<2x7x8x128xf32, #tpu.memory_space<vmem>> -> memref<1x7x8x128xf32, #tpu.memory_space<vmem>>
        %dma_wait3A_208 = tpu.memref_squeeze %dma_wait3A_207 : memref<1x7x8x128xf32, #tpu.memory_space<vmem>> -> memref<7x8x128xf32, #tpu.memory_space<vmem>>
        %dma_wait3A_209 = arith.constant 0 : i32
        %dma_wait3A_210 = arith.constant 0 : i32
        %dma_wait3A_211 = arith.constant 0 : i32
        %dma_wait3A_212 = tpu.memref_slice %arg5[%dma_wait3A_209, %dma_wait3A_210, %dma_wait3A_211] : memref<10242x8x128xf32, #tpu.memory_space<hbm>> -> memref<7x8x128xf32, #tpu.memory_space<hbm>>
        %dma_wait3A_213 = arith.constant 0 : i32
        %dma_wait3A_214 = arith.constant 0 : i32
        %dma_wait3A_215 = arith.constant 0 : i32
        %dma_wait3A_216 = tpu.memref_slice %arg5[%dma_wait3A_213, %dma_wait3A_214, %dma_wait3A_215] : memref<10242x8x128xf32, #tpu.memory_space<hbm>> -> memref<7x8x128xf32, #tpu.memory_space<hbm>>
        %dma_wait3A_217 = arith.constant 0 : i32
        %dma_wait3A_218 = arith.constant 0 : i32
        %dma_wait3A_219 = arith.constant 0 : i32
        %dma_wait3A_220 = tpu.memref_slice %arg7[%dma_wait3A_203, %dma_wait3A_217, %dma_wait3A_218, %dma_wait3A_219] : memref<2x7x8x128xf32, #tpu.memory_space<vmem>> -> memref<1x7x8x128xf32, #tpu.memory_space<vmem>>
        %dma_wait3A_221 = tpu.memref_squeeze %dma_wait3A_220 : memref<1x7x8x128xf32, #tpu.memory_space<vmem>> -> memref<7x8x128xf32, #tpu.memory_space<vmem>>
        tpu.wait_dma2 semaphore(%arg14 : memref<!tpu.dma_semaphore, #tpu.memory_space<semaphore_mem>>) src(%dma_wait3A_221 : memref<7x8x128xf32, #tpu.memory_space<vmem>>) dst(%dma_wait3A_216 : memref<7x8x128xf32, #tpu.memory_space<hbm>>)
      } else {
      }
      %parallel_loop3A_168 = arith.constant 0 : i32
      %parallel_loop3A_169 = arith.constant 64 : i32
      %parallel_loop3A_170 = arith.constant 1 : i32
      scf.for %parallel_loop3A_203 = %parallel_loop3A_168 to %parallel_loop3A_169 step %parallel_loop3A_170  : i32 {
        %parallel_loop3A_204 = arith.constant 8 : i32
        %parallel_loop3A_205 = arith.divsi %parallel_loop3A_203, %parallel_loop3A_204 : i32
        %parallel_loop3A_206 = arith.constant 0 : i32
        %parallel_loop3A_207 = arith.cmpi sgt, %parallel_loop3A_203, %parallel_loop3A_206 : i32
        %parallel_loop3A_208 = arith.extui %parallel_loop3A_207 : i1 to i32
        %parallel_loop3A_209 = arith.constant 0 : i32
        %parallel_loop3A_210 = arith.cmpi slt, %parallel_loop3A_203, %parallel_loop3A_209 : i32
        %parallel_loop3A_211 = arith.extui %parallel_loop3A_210 : i1 to i32
        %parallel_loop3A_212 = arith.subi %parallel_loop3A_208, %parallel_loop3A_211 : i32
        %parallel_loop3A_213 = arith.constant 0 : i32
        %parallel_loop3A_214 = arith.cmpi sgt, %parallel_loop3A_204, %parallel_loop3A_213 : i32
        %parallel_loop3A_215 = arith.extui %parallel_loop3A_214 : i1 to i32
        %parallel_loop3A_216 = arith.constant 0 : i32
        %parallel_loop3A_217 = arith.cmpi slt, %parallel_loop3A_204, %parallel_loop3A_216 : i32
        %parallel_loop3A_218 = arith.extui %parallel_loop3A_217 : i1 to i32
        %parallel_loop3A_219 = arith.subi %parallel_loop3A_215, %parallel_loop3A_218 : i32
        %parallel_loop3A_220 = arith.cmpi ne, %parallel_loop3A_212, %parallel_loop3A_219 : i32
        %parallel_loop3A_221 = arith.remsi %parallel_loop3A_203, %parallel_loop3A_204 : i32
        %parallel_loop3A_222 = arith.constant 0 : i32
        %parallel_loop3A_223 = arith.cmpi ne, %parallel_loop3A_221, %parallel_loop3A_222 : i32
        %parallel_loop3A_224 = arith.andi %parallel_loop3A_220, %parallel_loop3A_223 : i1
        %parallel_loop3A_225 = arith.constant 1 : i32
        %parallel_loop3A_226 = arith.subi %parallel_loop3A_205, %parallel_loop3A_225 : i32
        %parallel_loop3A_227 = arith.select %parallel_loop3A_224, %parallel_loop3A_226, %parallel_loop3A_205 : i32
        %parallel_loop3A_228 = arith.constant 8 : i32
        %parallel_loop3A_229 = arith.muli %parallel_loop3A_227, %parallel_loop3A_228 : i32
        %parallel_loop3A_230 = arith.subi %parallel_loop3A_203, %parallel_loop3A_229 : i32
        %parallel_loop3A_231 = arith.constant 16 : i32
        %parallel_loop3A_232 = arith.muli %parallel_loop3A_230, %parallel_loop3A_231 : i32
        %parallel_loop3A_233 = arith.constant 1 : i32
        %parallel_loop3A_234 = arith.constant 0 : i32
        %parallel_loop3A_235 = arith.index_cast %parallel_loop3A_233 : i32 to index
        %parallel_loop3A_236 = arith.index_cast %parallel_loop3A_234 : i32 to index
        %parallel_loop3A_237 = arith.index_cast %parallel_loop3A_227 : i32 to index
        %parallel_loop3A_238 = arith.index_cast %parallel_loop3A_232 : i32 to index
        %parallel_loop3A_239 = tpu.vector_load %arg6[%parallel_loop3A_235, %parallel_loop3A_236, %parallel_loop3A_237, %parallel_loop3A_238] {strides = array<i32>} : memref<2x49x8x128xf32, #tpu.memory_space<vmem>>, vector<16xf32>,
        %parallel_loop3A_240 = arith.constant 1 : i32
        %parallel_loop3A_241 = arith.constant 1 : i32
        %parallel_loop3A_242 = arith.index_cast %parallel_loop3A_240 : i32 to index
        %parallel_loop3A_243 = arith.index_cast %parallel_loop3A_241 : i32 to index
        %parallel_loop3A_244 = arith.index_cast %parallel_loop3A_227 : i32 to index
        %parallel_loop3A_245 = arith.index_cast %parallel_loop3A_232 : i32 to index
        %parallel_loop3A_246 = tpu.vector_load %arg6[%parallel_loop3A_242, %parallel_loop3A_243, %parallel_loop3A_244, %parallel_loop3A_245] {strides = array<i32>} : memref<2x49x8x128xf32, #tpu.memory_space<vmem>>, vector<16xf32>,
        %parallel_loop3A_247 = arith.maximumf %parallel_loop3A_239, %parallel_loop3A_246 : vector<16xf32>
        %parallel_loop3A_248 = arith.constant 1 : i32
        %parallel_loop3A_249 = arith.constant 2 : i32
        %parallel_loop3A_250 = arith.index_cast %parallel_loop3A_248 : i32 to index
        %parallel_loop3A_251 = arith.index_cast %parallel_loop3A_249 : i32 to index
        %parallel_loop3A_252 = arith.index_cast %parallel_loop3A_227 : i32 to index
        %parallel_loop3A_253 = arith.index_cast %parallel_loop3A_232 : i32 to index
        %parallel_loop3A_254 = tpu.vector_load %arg6[%parallel_loop3A_250, %parallel_loop3A_251, %parallel_loop3A_252, %parallel_loop3A_253] {strides = array<i32>} : memref<2x49x8x128xf32, #tpu.memory_space<vmem>>, vector<16xf32>,
        %parallel_loop3A_255 = arith.maximumf %parallel_loop3A_247, %parallel_loop3A_254 : vector<16xf32>
        %parallel_loop3A_256 = arith.constant 1 : i32
        %parallel_loop3A_257 = arith.constant 3 : i32
        %parallel_loop3A_258 = arith.index_cast %parallel_loop3A_256 : i32 to index
        %parallel_loop3A_259 = arith.index_cast %parallel_loop3A_257 : i32 to index
        %parallel_loop3A_260 = arith.index_cast %parallel_loop3A_227 : i32 to index
        %parallel_loop3A_261 = arith.index_cast %parallel_loop3A_232 : i32 to index
        %parallel_loop3A_262 = tpu.vector_load %arg6[%parallel_loop3A_258, %parallel_loop3A_259, %parallel_loop3A_260, %parallel_loop3A_261] {strides = array<i32>} : memref<2x49x8x128xf32, #tpu.memory_space<vmem>>, vector<16xf32>,
        %parallel_loop3A_263 = arith.maximumf %parallel_loop3A_255, %parallel_loop3A_262 : vector<16xf32>
        %parallel_loop3A_264 = arith.constant 1 : i32
        %parallel_loop3A_265 = arith.constant 4 : i32
        %parallel_loop3A_266 = arith.index_cast %parallel_loop3A_264 : i32 to index
        %parallel_loop3A_267 = arith.index_cast %parallel_loop3A_265 : i32 to index
        %parallel_loop3A_268 = arith.index_cast %parallel_loop3A_227 : i32 to index
        %parallel_loop3A_269 = arith.index_cast %parallel_loop3A_232 : i32 to index
        %parallel_loop3A_270 = tpu.vector_load %arg6[%parallel_loop3A_266, %parallel_loop3A_267, %parallel_loop3A_268, %parallel_loop3A_269] {strides = array<i32>} : memref<2x49x8x128xf32, #tpu.memory_space<vmem>>, vector<16xf32>,
        %parallel_loop3A_271 = arith.maximumf %parallel_loop3A_263, %parallel_loop3A_270 : vector<16xf32>
        %parallel_loop3A_272 = arith.constant 1 : i32
        %parallel_loop3A_273 = arith.constant 5 : i32
        %parallel_loop3A_274 = arith.index_cast %parallel_loop3A_272 : i32 to index
        %parallel_loop3A_275 = arith.index_cast %parallel_loop3A_273 : i32 to index
        %parallel_loop3A_276 = arith.index_cast %parallel_loop3A_227 : i32 to index
        %parallel_loop3A_277 = arith.index_cast %parallel_loop3A_232 : i32 to index
        %parallel_loop3A_278 = tpu.vector_load %arg6[%parallel_loop3A_274, %parallel_loop3A_275, %parallel_loop3A_276, %parallel_loop3A_277] {strides = array<i32>} : memref<2x49x8x128xf32, #tpu.memory_space<vmem>>, vector<16xf32>,
        %parallel_loop3A_279 = arith.maximumf %parallel_loop3A_271, %parallel_loop3A_278 : vector<16xf32>
        %parallel_loop3A_280 = arith.constant 1 : i32
        %parallel_loop3A_281 = arith.constant 6 : i32
        %parallel_loop3A_282 = arith.index_cast %parallel_loop3A_280 : i32 to index
        %parallel_loop3A_283 = arith.index_cast %parallel_loop3A_281 : i32 to index
        %parallel_loop3A_284 = arith.index_cast %parallel_loop3A_227 : i32 to index
        %parallel_loop3A_285 = arith.index_cast %parallel_loop3A_232 : i32 to index
        %parallel_loop3A_286 = tpu.vector_load %arg6[%parallel_loop3A_282, %parallel_loop3A_283, %parallel_loop3A_284, %parallel_loop3A_285] {strides = array<i32>} : memref<2x49x8x128xf32, #tpu.memory_space<vmem>>, vector<16xf32>,
        %parallel_loop3A_287 = arith.maximumf %parallel_loop3A_279, %parallel_loop3A_286 : vector<16xf32>
        %parallel_loop3A_288 = arith.constant 1 : i32
        %parallel_loop3A_289 = arith.constant 0 : i32
        %parallel_loop3A_290 = arith.index_cast %parallel_loop3A_288 : i32 to index
        %parallel_loop3A_291 = arith.index_cast %parallel_loop3A_289 : i32 to index
        %parallel_loop3A_292 = arith.index_cast %parallel_loop3A_227 : i32 to index
        %parallel_loop3A_293 = arith.index_cast %parallel_loop3A_232 : i32 to index
        %parallel_loop3A_294 = tpu.vector_load %arg7[%parallel_loop3A_290, %parallel_loop3A_291, %parallel_loop3A_292, %parallel_loop3A_293] {strides = array<i32>} : memref<2x7x8x128xf32, #tpu.memory_space<vmem>>, vector<16xf32>,
        tpu.vector_store %arg7[%parallel_loop3A_290, %parallel_loop3A_291, %parallel_loop3A_292, %parallel_loop3A_293], %parallel_loop3A_287 {strides = array<i32>} : memref<2x7x8x128xf32, #tpu.memory_space<vmem>>, vector<16xf32>,
        %parallel_loop3A_295 = arith.constant 1 : i32
        %parallel_loop3A_296 = arith.constant 7 : i32
        %parallel_loop3A_297 = arith.index_cast %parallel_loop3A_295 : i32 to index
        %parallel_loop3A_298 = arith.index_cast %parallel_loop3A_296 : i32 to index
        %parallel_loop3A_299 = arith.index_cast %parallel_loop3A_227 : i32 to index
        %parallel_loop3A_300 = arith.index_cast %parallel_loop3A_232 : i32 to index
        %parallel_loop3A_301 = tpu.vector_load %arg6[%parallel_loop3A_297, %parallel_loop3A_298, %parallel_loop3A_299, %parallel_loop3A_300] {strides = array<i32>} : memref<2x49x8x128xf32, #tpu.memory_space<vmem>>, vector<16xf32>,
        %parallel_loop3A_302 = arith.constant 1 : i32
        %parallel_loop3A_303 = arith.constant 8 : i32
        %parallel_loop3A_304 = arith.index_cast %parallel_loop3A_302 : i32 to index
        %parallel_loop3A_305 = arith.index_cast %parallel_loop3A_303 : i32 to index
        %parallel_loop3A_306 = arith.index_cast %parallel_loop3A_227 : i32 to index
        %parallel_loop3A_307 = arith.index_cast %parallel_loop3A_232 : i32 to index
        %parallel_loop3A_308 = tpu.vector_load %arg6[%parallel_loop3A_304, %parallel_loop3A_305, %parallel_loop3A_306, %parallel_loop3A_307] {strides = array<i32>} : memref<2x49x8x128xf32, #tpu.memory_space<vmem>>, vector<16xf32>,
        %parallel_loop3A_309 = arith.maximumf %parallel_loop3A_301, %parallel_loop3A_308 : vector<16xf32>
        %parallel_loop3A_310 = arith.constant 1 : i32
        %parallel_loop3A_311 = arith.constant 9 : i32
        %parallel_loop3A_312 = arith.index_cast %parallel_loop3A_310 : i32 to index
        %parallel_loop3A_313 = arith.index_cast %parallel_loop3A_311 : i32 to index
        %parallel_loop3A_314 = arith.index_cast %parallel_loop3A_227 : i32 to index
        %parallel_loop3A_315 = arith.index_cast %parallel_loop3A_232 : i32 to index
        %parallel_loop3A_316 = tpu.vector_load %arg6[%parallel_loop3A_312, %parallel_loop3A_313, %parallel_loop3A_314, %parallel_loop3A_315] {strides = array<i32>} : memref<2x49x8x128xf32, #tpu.memory_space<vmem>>, vector<16xf32>,
        %parallel_loop3A_317 = arith.maximumf %parallel_loop3A_309, %parallel_loop3A_316 : vector<16xf32>
        %parallel_loop3A_318 = arith.constant 1 : i32
        %parallel_loop3A_319 = arith.constant 10 : i32
        %parallel_loop3A_320 = arith.index_cast %parallel_loop3A_318 : i32 to index
        %parallel_loop3A_321 = arith.index_cast %parallel_loop3A_319 : i32 to index
        %parallel_loop3A_322 = arith.index_cast %parallel_loop3A_227 : i32 to index
        %parallel_loop3A_323 = arith.index_cast %parallel_loop3A_232 : i32 to index
        %parallel_loop3A_324 = tpu.vector_load %arg6[%parallel_loop3A_320, %parallel_loop3A_321, %parallel_loop3A_322, %parallel_loop3A_323] {strides = array<i32>} : memref<2x49x8x128xf32, #tpu.memory_space<vmem>>, vector<16xf32>,
        %parallel_loop3A_325 = arith.maximumf %parallel_loop3A_317, %parallel_loop3A_324 : vector<16xf32>
        %parallel_loop3A_326 = arith.constant 1 : i32
        %parallel_loop3A_327 = arith.constant 11 : i32
        %parallel_loop3A_328 = arith.index_cast %parallel_loop3A_326 : i32 to index
        %parallel_loop3A_329 = arith.index_cast %parallel_loop3A_327 : i32 to index
        %parallel_loop3A_330 = arith.index_cast %parallel_loop3A_227 : i32 to index
        %parallel_loop3A_331 = arith.index_cast %parallel_loop3A_232 : i32 to index
        %parallel_loop3A_332 = tpu.vector_load %arg6[%parallel_loop3A_328, %parallel_loop3A_329, %parallel_loop3A_330, %parallel_loop3A_331] {strides = array<i32>} : memref<2x49x8x128xf32, #tpu.memory_space<vmem>>, vector<16xf32>,
        %parallel_loop3A_333 = arith.maximumf %parallel_loop3A_325, %parallel_loop3A_332 : vector<16xf32>
        %parallel_loop3A_334 = arith.constant 1 : i32
        %parallel_loop3A_335 = arith.constant 12 : i32
        %parallel_loop3A_336 = arith.index_cast %parallel_loop3A_334 : i32 to index
        %parallel_loop3A_337 = arith.index_cast %parallel_loop3A_335 : i32 to index
        %parallel_loop3A_338 = arith.index_cast %parallel_loop3A_227 : i32 to index
        %parallel_loop3A_339 = arith.index_cast %parallel_loop3A_232 : i32 to index
        %parallel_loop3A_340 = tpu.vector_load %arg6[%parallel_loop3A_336, %parallel_loop3A_337, %parallel_loop3A_338, %parallel_loop3A_339] {strides = array<i32>} : memref<2x49x8x128xf32, #tpu.memory_space<vmem>>, vector<16xf32>,
        %parallel_loop3A_341 = arith.maximumf %parallel_loop3A_333, %parallel_loop3A_340 : vector<16xf32>
        %parallel_loop3A_342 = arith.constant 1 : i32
        %parallel_loop3A_343 = arith.constant 13 : i32
        %parallel_loop3A_344 = arith.index_cast %parallel_loop3A_342 : i32 to index
        %parallel_loop3A_345 = arith.index_cast %parallel_loop3A_343 : i32 to index
        %parallel_loop3A_346 = arith.index_cast %parallel_loop3A_227 : i32 to index
        %parallel_loop3A_347 = arith.index_cast %parallel_loop3A_232 : i32 to index
        %parallel_loop3A_348 = tpu.vector_load %arg6[%parallel_loop3A_344, %parallel_loop3A_345, %parallel_loop3A_346, %parallel_loop3A_347] {strides = array<i32>} : memref<2x49x8x128xf32, #tpu.memory_space<vmem>>, vector<16xf32>,
        %parallel_loop3A_349 = arith.maximumf %parallel_loop3A_341, %parallel_loop3A_348 : vector<16xf32>
        %parallel_loop3A_350 = arith.constant 1 : i32
        %parallel_loop3A_351 = arith.constant 1 : i32
        %parallel_loop3A_352 = arith.index_cast %parallel_loop3A_350 : i32 to index
        %parallel_loop3A_353 = arith.index_cast %parallel_loop3A_351 : i32 to index
        %parallel_loop3A_354 = arith.index_cast %parallel_loop3A_227 : i32 to index
        %parallel_loop3A_355 = arith.index_cast %parallel_loop3A_232 : i32 to index
        %parallel_loop3A_356 = tpu.vector_load %arg7[%parallel_loop3A_352, %parallel_loop3A_353, %parallel_loop3A_354, %parallel_loop3A_355] {strides = array<i32>} : memref<2x7x8x128xf32, #tpu.memory_space<vmem>>, vector<16xf32>,
        tpu.vector_store %arg7[%parallel_loop3A_352, %parallel_loop3A_353, %parallel_loop3A_354, %parallel_loop3A_355], %parallel_loop3A_349 {strides = array<i32>} : memref<2x7x8x128xf32, #tpu.memory_space<vmem>>, vector<16xf32>,
        %parallel_loop3A_357 = arith.constant 1 : i32
        %parallel_loop3A_358 = arith.constant 14 : i32
        %parallel_loop3A_359 = arith.index_cast %parallel_loop3A_357 : i32 to index
        %parallel_loop3A_360 = arith.index_cast %parallel_loop3A_358 : i32 to index
        %parallel_loop3A_361 = arith.index_cast %parallel_loop3A_227 : i32 to index
        %parallel_loop3A_362 = arith.index_cast %parallel_loop3A_232 : i32 to index
        %parallel_loop3A_363 = tpu.vector_load %arg6[%parallel_loop3A_359, %parallel_loop3A_360, %parallel_loop3A_361, %parallel_loop3A_362] {strides = array<i32>} : memref<2x49x8x128xf32, #tpu.memory_space<vmem>>, vector<16xf32>,
        %parallel_loop3A_364 = arith.constant 1 : i32
        %parallel_loop3A_365 = arith.constant 15 : i32
        %parallel_loop3A_366 = arith.index_cast %parallel_loop3A_364 : i32 to index
        %parallel_loop3A_367 = arith.index_cast %parallel_loop3A_365 : i32 to index
        %parallel_loop3A_368 = arith.index_cast %parallel_loop3A_227 : i32 to index
        %parallel_loop3A_369 = arith.index_cast %parallel_loop3A_232 : i32 to index
        %parallel_loop3A_370 = tpu.vector_load %arg6[%parallel_loop3A_366, %parallel_loop3A_367, %parallel_loop3A_368, %parallel_loop3A_369] {strides = array<i32>} : memref<2x49x8x128xf32, #tpu.memory_space<vmem>>, vector<16xf32>,
        %parallel_loop3A_371 = arith.maximumf %parallel_loop3A_363, %parallel_loop3A_370 : vector<16xf32>
        %parallel_loop3A_372 = arith.constant 1 : i32
        %parallel_loop3A_373 = arith.constant 16 : i32
        %parallel_loop3A_374 = arith.index_cast %parallel_loop3A_372 : i32 to index
        %parallel_loop3A_375 = arith.index_cast %parallel_loop3A_373 : i32 to index
        %parallel_loop3A_376 = arith.index_cast %parallel_loop3A_227 : i32 to index
        %parallel_loop3A_377 = arith.index_cast %parallel_loop3A_232 : i32 to index
        %parallel_loop3A_378 = tpu.vector_load %arg6[%parallel_loop3A_374, %parallel_loop3A_375, %parallel_loop3A_376, %parallel_loop3A_377] {strides = array<i32>} : memref<2x49x8x128xf32, #tpu.memory_space<vmem>>, vector<16xf32>,
        %parallel_loop3A_379 = arith.maximumf %parallel_loop3A_371, %parallel_loop3A_378 : vector<16xf32>
        %parallel_loop3A_380 = arith.constant 1 : i32
        %parallel_loop3A_381 = arith.constant 17 : i32
        %parallel_loop3A_382 = arith.index_cast %parallel_loop3A_380 : i32 to index
        %parallel_loop3A_383 = arith.index_cast %parallel_loop3A_381 : i32 to index
        %parallel_loop3A_384 = arith.index_cast %parallel_loop3A_227 : i32 to index
        %parallel_loop3A_385 = arith.index_cast %parallel_loop3A_232 : i32 to index
        %parallel_loop3A_386 = tpu.vector_load %arg6[%parallel_loop3A_382, %parallel_loop3A_383, %parallel_loop3A_384, %parallel_loop3A_385] {strides = array<i32>} : memref<2x49x8x128xf32, #tpu.memory_space<vmem>>, vector<16xf32>,
        %parallel_loop3A_387 = arith.maximumf %parallel_loop3A_379, %parallel_loop3A_386 : vector<16xf32>
        %parallel_loop3A_388 = arith.constant 1 : i32
        %parallel_loop3A_389 = arith.constant 18 : i32
        %parallel_loop3A_390 = arith.index_cast %parallel_loop3A_388 : i32 to index
        %parallel_loop3A_391 = arith.index_cast %parallel_loop3A_389 : i32 to index
        %parallel_loop3A_392 = arith.index_cast %parallel_loop3A_227 : i32 to index
        %parallel_loop3A_393 = arith.index_cast %parallel_loop3A_232 : i32 to index
        %parallel_loop3A_394 = tpu.vector_load %arg6[%parallel_loop3A_390, %parallel_loop3A_391, %parallel_loop3A_392, %parallel_loop3A_393] {strides = array<i32>} : memref<2x49x8x128xf32, #tpu.memory_space<vmem>>, vector<16xf32>,
        %parallel_loop3A_395 = arith.maximumf %parallel_loop3A_387, %parallel_loop3A_394 : vector<16xf32>
        %parallel_loop3A_396 = arith.constant 1 : i32
        %parallel_loop3A_397 = arith.constant 19 : i32
        %parallel_loop3A_398 = arith.index_cast %parallel_loop3A_396 : i32 to index
        %parallel_loop3A_399 = arith.index_cast %parallel_loop3A_397 : i32 to index
        %parallel_loop3A_400 = arith.index_cast %parallel_loop3A_227 : i32 to index
        %parallel_loop3A_401 = arith.index_cast %parallel_loop3A_232 : i32 to index
        %parallel_loop3A_402 = tpu.vector_load %arg6[%parallel_loop3A_398, %parallel_loop3A_399, %parallel_loop3A_400, %parallel_loop3A_401] {strides = array<i32>} : memref<2x49x8x128xf32, #tpu.memory_space<vmem>>, vector<16xf32>,
        %parallel_loop3A_403 = arith.maximumf %parallel_loop3A_395, %parallel_loop3A_402 : vector<16xf32>
        %parallel_loop3A_404 = arith.constant 1 : i32
        %parallel_loop3A_405 = arith.constant 20 : i32
        %parallel_loop3A_406 = arith.index_cast %parallel_loop3A_404 : i32 to index
        %parallel_loop3A_407 = arith.index_cast %parallel_loop3A_405 : i32 to index
        %parallel_loop3A_408 = arith.index_cast %parallel_loop3A_227 : i32 to index
        %parallel_loop3A_409 = arith.index_cast %parallel_loop3A_232 : i32 to index
        %parallel_loop3A_410 = tpu.vector_load %arg6[%parallel_loop3A_406, %parallel_loop3A_407, %parallel_loop3A_408, %parallel_loop3A_409] {strides = array<i32>} : memref<2x49x8x128xf32, #tpu.memory_space<vmem>>, vector<16xf32>,
        %parallel_loop3A_411 = arith.maximumf %parallel_loop3A_403, %parallel_loop3A_410 : vector<16xf32>
        %parallel_loop3A_412 = arith.constant 1 : i32
        %parallel_loop3A_413 = arith.constant 2 : i32
        %parallel_loop3A_414 = arith.index_cast %parallel_loop3A_412 : i32 to index
        %parallel_loop3A_415 = arith.index_cast %parallel_loop3A_413 : i32 to index
        %parallel_loop3A_416 = arith.index_cast %parallel_loop3A_227 : i32 to index
        %parallel_loop3A_417 = arith.index_cast %parallel_loop3A_232 : i32 to index
        %parallel_loop3A_418 = tpu.vector_load %arg7[%parallel_loop3A_414, %parallel_loop3A_415, %parallel_loop3A_416, %parallel_loop3A_417] {strides = array<i32>} : memref<2x7x8x128xf32, #tpu.memory_space<vmem>>, vector<16xf32>,
        tpu.vector_store %arg7[%parallel_loop3A_414, %parallel_loop3A_415, %parallel_loop3A_416, %parallel_loop3A_417], %parallel_loop3A_411 {strides = array<i32>} : memref<2x7x8x128xf32, #tpu.memory_space<vmem>>, vector<16xf32>,
        %parallel_loop3A_419 = arith.constant 1 : i32
        %parallel_loop3A_420 = arith.constant 21 : i32
        %parallel_loop3A_421 = arith.index_cast %parallel_loop3A_419 : i32 to index
        %parallel_loop3A_422 = arith.index_cast %parallel_loop3A_420 : i32 to index
        %parallel_loop3A_423 = arith.index_cast %parallel_loop3A_227 : i32 to index
        %parallel_loop3A_424 = arith.index_cast %parallel_loop3A_232 : i32 to index
        %parallel_loop3A_425 = tpu.vector_load %arg6[%parallel_loop3A_421, %parallel_loop3A_422, %parallel_loop3A_423, %parallel_loop3A_424] {strides = array<i32>} : memref<2x49x8x128xf32, #tpu.memory_space<vmem>>, vector<16xf32>,
        %parallel_loop3A_426 = arith.constant 1 : i32
        %parallel_loop3A_427 = arith.constant 22 : i32
        %parallel_loop3A_428 = arith.index_cast %parallel_loop3A_426 : i32 to index
        %parallel_loop3A_429 = arith.index_cast %parallel_loop3A_427 : i32 to index
        %parallel_loop3A_430 = arith.index_cast %parallel_loop3A_227 : i32 to index
        %parallel_loop3A_431 = arith.index_cast %parallel_loop3A_232 : i32 to index
        %parallel_loop3A_432 = tpu.vector_load %arg6[%parallel_loop3A_428, %parallel_loop3A_429, %parallel_loop3A_430, %parallel_loop3A_431] {strides = array<i32>} : memref<2x49x8x128xf32, #tpu.memory_space<vmem>>, vector<16xf32>,
        %parallel_loop3A_433 = arith.maximumf %parallel_loop3A_425, %parallel_loop3A_432 : vector<16xf32>
        %parallel_loop3A_434 = arith.constant 1 : i32
        %parallel_loop3A_435 = arith.constant 23 : i32
        %parallel_loop3A_436 = arith.index_cast %parallel_loop3A_434 : i32 to index
        %parallel_loop3A_437 = arith.index_cast %parallel_loop3A_435 : i32 to index
        %parallel_loop3A_438 = arith.index_cast %parallel_loop3A_227 : i32 to index
        %parallel_loop3A_439 = arith.index_cast %parallel_loop3A_232 : i32 to index
        %parallel_loop3A_440 = tpu.vector_load %arg6[%parallel_loop3A_436, %parallel_loop3A_437, %parallel_loop3A_438, %parallel_loop3A_439] {strides = array<i32>} : memref<2x49x8x128xf32, #tpu.memory_space<vmem>>, vector<16xf32>,
        %parallel_loop3A_441 = arith.maximumf %parallel_loop3A_433, %parallel_loop3A_440 : vector<16xf32>
        %parallel_loop3A_442 = arith.constant 1 : i32
        %parallel_loop3A_443 = arith.constant 24 : i32
        %parallel_loop3A_444 = arith.index_cast %parallel_loop3A_442 : i32 to index
        %parallel_loop3A_445 = arith.index_cast %parallel_loop3A_443 : i32 to index
        %parallel_loop3A_446 = arith.index_cast %parallel_loop3A_227 : i32 to index
        %parallel_loop3A_447 = arith.index_cast %parallel_loop3A_232 : i32 to index
        %parallel_loop3A_448 = tpu.vector_load %arg6[%parallel_loop3A_444, %parallel_loop3A_445, %parallel_loop3A_446, %parallel_loop3A_447] {strides = array<i32>} : memref<2x49x8x128xf32, #tpu.memory_space<vmem>>, vector<16xf32>,
        %parallel_loop3A_449 = arith.maximumf %parallel_loop3A_441, %parallel_loop3A_448 : vector<16xf32>
        %parallel_loop3A_450 = arith.constant 1 : i32
        %parallel_loop3A_451 = arith.constant 25 : i32
        %parallel_loop3A_452 = arith.index_cast %parallel_loop3A_450 : i32 to index
        %parallel_loop3A_453 = arith.index_cast %parallel_loop3A_451 : i32 to index
        %parallel_loop3A_454 = arith.index_cast %parallel_loop3A_227 : i32 to index
        %parallel_loop3A_455 = arith.index_cast %parallel_loop3A_232 : i32 to index
        %parallel_loop3A_456 = tpu.vector_load %arg6[%parallel_loop3A_452, %parallel_loop3A_453, %parallel_loop3A_454, %parallel_loop3A_455] {strides = array<i32>} : memref<2x49x8x128xf32, #tpu.memory_space<vmem>>, vector<16xf32>,
        %parallel_loop3A_457 = arith.maximumf %parallel_loop3A_449, %parallel_loop3A_456 : vector<16xf32>
        %parallel_loop3A_458 = arith.constant 1 : i32
        %parallel_loop3A_459 = arith.constant 26 : i32
        %parallel_loop3A_460 = arith.index_cast %parallel_loop3A_458 : i32 to index
        %parallel_loop3A_461 = arith.index_cast %parallel_loop3A_459 : i32 to index
        %parallel_loop3A_462 = arith.index_cast %parallel_loop3A_227 : i32 to index
        %parallel_loop3A_463 = arith.index_cast %parallel_loop3A_232 : i32 to index
        %parallel_loop3A_464 = tpu.vector_load %arg6[%parallel_loop3A_460, %parallel_loop3A_461, %parallel_loop3A_462, %parallel_loop3A_463] {strides = array<i32>} : memref<2x49x8x128xf32, #tpu.memory_space<vmem>>, vector<16xf32>,
        %parallel_loop3A_465 = arith.maximumf %parallel_loop3A_457, %parallel_loop3A_464 : vector<16xf32>
        %parallel_loop3A_466 = arith.constant 1 : i32
        %parallel_loop3A_467 = arith.constant 27 : i32
        %parallel_loop3A_468 = arith.index_cast %parallel_loop3A_466 : i32 to index
        %parallel_loop3A_469 = arith.index_cast %parallel_loop3A_467 : i32 to index
        %parallel_loop3A_470 = arith.index_cast %parallel_loop3A_227 : i32 to index
        %parallel_loop3A_471 = arith.index_cast %parallel_loop3A_232 : i32 to index
        %parallel_loop3A_472 = tpu.vector_load %arg6[%parallel_loop3A_468, %parallel_loop3A_469, %parallel_loop3A_470, %parallel_loop3A_471] {strides = array<i32>} : memref<2x49x8x128xf32, #tpu.memory_space<vmem>>, vector<16xf32>,
        %parallel_loop3A_473 = arith.maximumf %parallel_loop3A_465, %parallel_loop3A_472 : vector<16xf32>
        %parallel_loop3A_474 = arith.constant 1 : i32
        %parallel_loop3A_475 = arith.constant 3 : i32
        %parallel_loop3A_476 = arith.index_cast %parallel_loop3A_474 : i32 to index
        %parallel_loop3A_477 = arith.index_cast %parallel_loop3A_475 : i32 to index
        %parallel_loop3A_478 = arith.index_cast %parallel_loop3A_227 : i32 to index
        %parallel_loop3A_479 = arith.index_cast %parallel_loop3A_232 : i32 to index
        %parallel_loop3A_480 = tpu.vector_load %arg7[%parallel_loop3A_476, %parallel_loop3A_477, %parallel_loop3A_478, %parallel_loop3A_479] {strides = array<i32>} : memref<2x7x8x128xf32, #tpu.memory_space<vmem>>, vector<16xf32>,
        tpu.vector_store %arg7[%parallel_loop3A_476, %parallel_loop3A_477, %parallel_loop3A_478, %parallel_loop3A_479], %parallel_loop3A_473 {strides = array<i32>} : memref<2x7x8x128xf32, #tpu.memory_space<vmem>>, vector<16xf32>,
        %parallel_loop3A_481 = arith.constant 1 : i32
        %parallel_loop3A_482 = arith.constant 28 : i32
        %parallel_loop3A_483 = arith.index_cast %parallel_loop3A_481 : i32 to index
        %parallel_loop3A_484 = arith.index_cast %parallel_loop3A_482 : i32 to index
        %parallel_loop3A_485 = arith.index_cast %parallel_loop3A_227 : i32 to index
        %parallel_loop3A_486 = arith.index_cast %parallel_loop3A_232 : i32 to index
        %parallel_loop3A_487 = tpu.vector_load %arg6[%parallel_loop3A_483, %parallel_loop3A_484, %parallel_loop3A_485, %parallel_loop3A_486] {strides = array<i32>} : memref<2x49x8x128xf32, #tpu.memory_space<vmem>>, vector<16xf32>,
        %parallel_loop3A_488 = arith.constant 1 : i32
        %parallel_loop3A_489 = arith.constant 29 : i32
        %parallel_loop3A_490 = arith.index_cast %parallel_loop3A_488 : i32 to index
        %parallel_loop3A_491 = arith.index_cast %parallel_loop3A_489 : i32 to index
        %parallel_loop3A_492 = arith.index_cast %parallel_loop3A_227 : i32 to index
        %parallel_loop3A_493 = arith.index_cast %parallel_loop3A_232 : i32 to index
        %parallel_loop3A_494 = tpu.vector_load %arg6[%parallel_loop3A_490, %parallel_loop3A_491, %parallel_loop3A_492, %parallel_loop3A_493] {strides = array<i32>} : memref<2x49x8x128xf32, #tpu.memory_space<vmem>>, vector<16xf32>,
        %parallel_loop3A_495 = arith.maximumf %parallel_loop3A_487, %parallel_loop3A_494 : vector<16xf32>
        %parallel_loop3A_496 = arith.constant 1 : i32
        %parallel_loop3A_497 = arith.constant 30 : i32
        %parallel_loop3A_498 = arith.index_cast %parallel_loop3A_496 : i32 to index
        %parallel_loop3A_499 = arith.index_cast %parallel_loop3A_497 : i32 to index
        %parallel_loop3A_500 = arith.index_cast %parallel_loop3A_227 : i32 to index
        %parallel_loop3A_501 = arith.index_cast %parallel_loop3A_232 : i32 to index
        %parallel_loop3A_502 = tpu.vector_load %arg6[%parallel_loop3A_498, %parallel_loop3A_499, %parallel_loop3A_500, %parallel_loop3A_501] {strides = array<i32>} : memref<2x49x8x128xf32, #tpu.memory_space<vmem>>, vector<16xf32>,
        %parallel_loop3A_503 = arith.maximumf %parallel_loop3A_495, %parallel_loop3A_502 : vector<16xf32>
        %parallel_loop3A_504 = arith.constant 1 : i32
        %parallel_loop3A_505 = arith.constant 31 : i32
        %parallel_loop3A_506 = arith.index_cast %parallel_loop3A_504 : i32 to index
        %parallel_loop3A_507 = arith.index_cast %parallel_loop3A_505 : i32 to index
        %parallel_loop3A_508 = arith.index_cast %parallel_loop3A_227 : i32 to index
        %parallel_loop3A_509 = arith.index_cast %parallel_loop3A_232 : i32 to index
        %parallel_loop3A_510 = tpu.vector_load %arg6[%parallel_loop3A_506, %parallel_loop3A_507, %parallel_loop3A_508, %parallel_loop3A_509] {strides = array<i32>} : memref<2x49x8x128xf32, #tpu.memory_space<vmem>>, vector<16xf32>,
        %parallel_loop3A_511 = arith.maximumf %parallel_loop3A_503, %parallel_loop3A_510 : vector<16xf32>
        %parallel_loop3A_512 = arith.constant 1 : i32
        %parallel_loop3A_513 = arith.constant 32 : i32
        %parallel_loop3A_514 = arith.index_cast %parallel_loop3A_512 : i32 to index
        %parallel_loop3A_515 = arith.index_cast %parallel_loop3A_513 : i32 to index
        %parallel_loop3A_516 = arith.index_cast %parallel_loop3A_227 : i32 to index
        %parallel_loop3A_517 = arith.index_cast %parallel_loop3A_232 : i32 to index
        %parallel_loop3A_518 = tpu.vector_load %arg6[%parallel_loop3A_514, %parallel_loop3A_515, %parallel_loop3A_516, %parallel_loop3A_517] {strides = array<i32>} : memref<2x49x8x128xf32, #tpu.memory_space<vmem>>, vector<16xf32>,
        %parallel_loop3A_519 = arith.maximumf %parallel_loop3A_511, %parallel_loop3A_518 : vector<16xf32>
        %parallel_loop3A_520 = arith.constant 1 : i32
        %parallel_loop3A_521 = arith.constant 33 : i32
        %parallel_loop3A_522 = arith.index_cast %parallel_loop3A_520 : i32 to index
        %parallel_loop3A_523 = arith.index_cast %parallel_loop3A_521 : i32 to index
        %parallel_loop3A_524 = arith.index_cast %parallel_loop3A_227 : i32 to index
        %parallel_loop3A_525 = arith.index_cast %parallel_loop3A_232 : i32 to index
        %parallel_loop3A_526 = tpu.vector_load %arg6[%parallel_loop3A_522, %parallel_loop3A_523, %parallel_loop3A_524, %parallel_loop3A_525] {strides = array<i32>} : memref<2x49x8x128xf32, #tpu.memory_space<vmem>>, vector<16xf32>,
        %parallel_loop3A_527 = arith.maximumf %parallel_loop3A_519, %parallel_loop3A_526 : vector<16xf32>
        %parallel_loop3A_528 = arith.constant 1 : i32
        %parallel_loop3A_529 = arith.constant 34 : i32
        %parallel_loop3A_530 = arith.index_cast %parallel_loop3A_528 : i32 to index
        %parallel_loop3A_531 = arith.index_cast %parallel_loop3A_529 : i32 to index
        %parallel_loop3A_532 = arith.index_cast %parallel_loop3A_227 : i32 to index
        %parallel_loop3A_533 = arith.index_cast %parallel_loop3A_232 : i32 to index
        %parallel_loop3A_534 = tpu.vector_load %arg6[%parallel_loop3A_530, %parallel_loop3A_531, %parallel_loop3A_532, %parallel_loop3A_533] {strides = array<i32>} : memref<2x49x8x128xf32, #tpu.memory_space<vmem>>, vector<16xf32>,
        %parallel_loop3A_535 = arith.maximumf %parallel_loop3A_527, %parallel_loop3A_534 : vector<16xf32>
        %parallel_loop3A_536 = arith.constant 1 : i32
        %parallel_loop3A_537 = arith.constant 4 : i32
        %parallel_loop3A_538 = arith.index_cast %parallel_loop3A_536 : i32 to index
        %parallel_loop3A_539 = arith.index_cast %parallel_loop3A_537 : i32 to index
        %parallel_loop3A_540 = arith.index_cast %parallel_loop3A_227 : i32 to index
        %parallel_loop3A_541 = arith.index_cast %parallel_loop3A_232 : i32 to index
        %parallel_loop3A_542 = tpu.vector_load %arg7[%parallel_loop3A_538, %parallel_loop3A_539, %parallel_loop3A_540, %parallel_loop3A_541] {strides = array<i32>} : memref<2x7x8x128xf32, #tpu.memory_space<vmem>>, vector<16xf32>,
        tpu.vector_store %arg7[%parallel_loop3A_538, %parallel_loop3A_539, %parallel_loop3A_540, %parallel_loop3A_541], %parallel_loop3A_535 {strides = array<i32>} : memref<2x7x8x128xf32, #tpu.memory_space<vmem>>, vector<16xf32>,
        %parallel_loop3A_543 = arith.constant 1 : i32
        %parallel_loop3A_544 = arith.constant 35 : i32
        %parallel_loop3A_545 = arith.index_cast %parallel_loop3A_543 : i32 to index
        %parallel_loop3A_546 = arith.index_cast %parallel_loop3A_544 : i32 to index
        %parallel_loop3A_547 = arith.index_cast %parallel_loop3A_227 : i32 to index
        %parallel_loop3A_548 = arith.index_cast %parallel_loop3A_232 : i32 to index
        %parallel_loop3A_549 = tpu.vector_load %arg6[%parallel_loop3A_545, %parallel_loop3A_546, %parallel_loop3A_547, %parallel_loop3A_548] {strides = array<i32>} : memref<2x49x8x128xf32, #tpu.memory_space<vmem>>, vector<16xf32>,
        %parallel_loop3A_550 = arith.constant 1 : i32
        %parallel_loop3A_551 = arith.constant 36 : i32
        %parallel_loop3A_552 = arith.index_cast %parallel_loop3A_550 : i32 to index
        %parallel_loop3A_553 = arith.index_cast %parallel_loop3A_551 : i32 to index
        %parallel_loop3A_554 = arith.index_cast %parallel_loop3A_227 : i32 to index
        %parallel_loop3A_555 = arith.index_cast %parallel_loop3A_232 : i32 to index
        %parallel_loop3A_556 = tpu.vector_load %arg6[%parallel_loop3A_552, %parallel_loop3A_553, %parallel_loop3A_554, %parallel_loop3A_555] {strides = array<i32>} : memref<2x49x8x128xf32, #tpu.memory_space<vmem>>, vector<16xf32>,
        %parallel_loop3A_557 = arith.maximumf %parallel_loop3A_549, %parallel_loop3A_556 : vector<16xf32>
        %parallel_loop3A_558 = arith.constant 1 : i32
        %parallel_loop3A_559 = arith.constant 37 : i32
        %parallel_loop3A_560 = arith.index_cast %parallel_loop3A_558 : i32 to index
        %parallel_loop3A_561 = arith.index_cast %parallel_loop3A_559 : i32 to index
        %parallel_loop3A_562 = arith.index_cast %parallel_loop3A_227 : i32 to index
        %parallel_loop3A_563 = arith.index_cast %parallel_loop3A_232 : i32 to index
        %parallel_loop3A_564 = tpu.vector_load %arg6[%parallel_loop3A_560, %parallel_loop3A_561, %parallel_loop3A_562, %parallel_loop3A_563] {strides = array<i32>} : memref<2x49x8x128xf32, #tpu.memory_space<vmem>>, vector<16xf32>,
        %parallel_loop3A_565 = arith.maximumf %parallel_loop3A_557, %parallel_loop3A_564 : vector<16xf32>
        %parallel_loop3A_566 = arith.constant 1 : i32
        %parallel_loop3A_567 = arith.constant 38 : i32
        %parallel_loop3A_568 = arith.index_cast %parallel_loop3A_566 : i32 to index
        %parallel_loop3A_569 = arith.index_cast %parallel_loop3A_567 : i32 to index
        %parallel_loop3A_570 = arith.index_cast %parallel_loop3A_227 : i32 to index
        %parallel_loop3A_571 = arith.index_cast %parallel_loop3A_232 : i32 to index
        %parallel_loop3A_572 = tpu.vector_load %arg6[%parallel_loop3A_568, %parallel_loop3A_569, %parallel_loop3A_570, %parallel_loop3A_571] {strides = array<i32>} : memref<2x49x8x128xf32, #tpu.memory_space<vmem>>, vector<16xf32>,
        %parallel_loop3A_573 = arith.maximumf %parallel_loop3A_565, %parallel_loop3A_572 : vector<16xf32>
        %parallel_loop3A_574 = arith.constant 1 : i32
        %parallel_loop3A_575 = arith.constant 39 : i32
        %parallel_loop3A_576 = arith.index_cast %parallel_loop3A_574 : i32 to index
        %parallel_loop3A_577 = arith.index_cast %parallel_loop3A_575 : i32 to index
        %parallel_loop3A_578 = arith.index_cast %parallel_loop3A_227 : i32 to index
        %parallel_loop3A_579 = arith.index_cast %parallel_loop3A_232 : i32 to index
        %parallel_loop3A_580 = tpu.vector_load %arg6[%parallel_loop3A_576, %parallel_loop3A_577, %parallel_loop3A_578, %parallel_loop3A_579] {strides = array<i32>} : memref<2x49x8x128xf32, #tpu.memory_space<vmem>>, vector<16xf32>,
        %parallel_loop3A_581 = arith.maximumf %parallel_loop3A_573, %parallel_loop3A_580 : vector<16xf32>
        %parallel_loop3A_582 = arith.constant 1 : i32
        %parallel_loop3A_583 = arith.constant 40 : i32
        %parallel_loop3A_584 = arith.index_cast %parallel_loop3A_582 : i32 to index
        %parallel_loop3A_585 = arith.index_cast %parallel_loop3A_583 : i32 to index
        %parallel_loop3A_586 = arith.index_cast %parallel_loop3A_227 : i32 to index
        %parallel_loop3A_587 = arith.index_cast %parallel_loop3A_232 : i32 to index
        %parallel_loop3A_588 = tpu.vector_load %arg6[%parallel_loop3A_584, %parallel_loop3A_585, %parallel_loop3A_586, %parallel_loop3A_587] {strides = array<i32>} : memref<2x49x8x128xf32, #tpu.memory_space<vmem>>, vector<16xf32>,
        %parallel_loop3A_589 = arith.maximumf %parallel_loop3A_581, %parallel_loop3A_588 : vector<16xf32>
        %parallel_loop3A_590 = arith.constant 1 : i32
        %parallel_loop3A_591 = arith.constant 41 : i32
        %parallel_loop3A_592 = arith.index_cast %parallel_loop3A_590 : i32 to index
        %parallel_loop3A_593 = arith.index_cast %parallel_loop3A_591 : i32 to index
        %parallel_loop3A_594 = arith.index_cast %parallel_loop3A_227 : i32 to index
        %parallel_loop3A_595 = arith.index_cast %parallel_loop3A_232 : i32 to index
        %parallel_loop3A_596 = tpu.vector_load %arg6[%parallel_loop3A_592, %parallel_loop3A_593, %parallel_loop3A_594, %parallel_loop3A_595] {strides = array<i32>} : memref<2x49x8x128xf32, #tpu.memory_space<vmem>>, vector<16xf32>,
        %parallel_loop3A_597 = arith.maximumf %parallel_loop3A_589, %parallel_loop3A_596 : vector<16xf32>
        %parallel_loop3A_598 = arith.constant 1 : i32
        %parallel_loop3A_599 = arith.constant 5 : i32
        %parallel_loop3A_600 = arith.index_cast %parallel_loop3A_598 : i32 to index
        %parallel_loop3A_601 = arith.index_cast %parallel_loop3A_599 : i32 to index
        %parallel_loop3A_602 = arith.index_cast %parallel_loop3A_227 : i32 to index
        %parallel_loop3A_603 = arith.index_cast %parallel_loop3A_232 : i32 to index
        %parallel_loop3A_604 = tpu.vector_load %arg7[%parallel_loop3A_600, %parallel_loop3A_601, %parallel_loop3A_602, %parallel_loop3A_603] {strides = array<i32>} : memref<2x7x8x128xf32, #tpu.memory_space<vmem>>, vector<16xf32>,
        tpu.vector_store %arg7[%parallel_loop3A_600, %parallel_loop3A_601, %parallel_loop3A_602, %parallel_loop3A_603], %parallel_loop3A_597 {strides = array<i32>} : memref<2x7x8x128xf32, #tpu.memory_space<vmem>>, vector<16xf32>,
        %parallel_loop3A_605 = arith.constant 1 : i32
        %parallel_loop3A_606 = arith.constant 42 : i32
        %parallel_loop3A_607 = arith.index_cast %parallel_loop3A_605 : i32 to index
        %parallel_loop3A_608 = arith.index_cast %parallel_loop3A_606 : i32 to index
        %parallel_loop3A_609 = arith.index_cast %parallel_loop3A_227 : i32 to index
        %parallel_loop3A_610 = arith.index_cast %parallel_loop3A_232 : i32 to index
        %parallel_loop3A_611 = tpu.vector_load %arg6[%parallel_loop3A_607, %parallel_loop3A_608, %parallel_loop3A_609, %parallel_loop3A_610] {strides = array<i32>} : memref<2x49x8x128xf32, #tpu.memory_space<vmem>>, vector<16xf32>,
        %parallel_loop3A_612 = arith.constant 1 : i32
        %parallel_loop3A_613 = arith.constant 43 : i32
        %parallel_loop3A_614 = arith.index_cast %parallel_loop3A_612 : i32 to index
        %parallel_loop3A_615 = arith.index_cast %parallel_loop3A_613 : i32 to index
        %parallel_loop3A_616 = arith.index_cast %parallel_loop3A_227 : i32 to index
        %parallel_loop3A_617 = arith.index_cast %parallel_loop3A_232 : i32 to index
        %parallel_loop3A_618 = tpu.vector_load %arg6[%parallel_loop3A_614, %parallel_loop3A_615, %parallel_loop3A_616, %parallel_loop3A_617] {strides = array<i32>} : memref<2x49x8x128xf32, #tpu.memory_space<vmem>>, vector<16xf32>,
        %parallel_loop3A_619 = arith.maximumf %parallel_loop3A_611, %parallel_loop3A_618 : vector<16xf32>
        %parallel_loop3A_620 = arith.constant 1 : i32
        %parallel_loop3A_621 = arith.constant 44 : i32
        %parallel_loop3A_622 = arith.index_cast %parallel_loop3A_620 : i32 to index
        %parallel_loop3A_623 = arith.index_cast %parallel_loop3A_621 : i32 to index
        %parallel_loop3A_624 = arith.index_cast %parallel_loop3A_227 : i32 to index
        %parallel_loop3A_625 = arith.index_cast %parallel_loop3A_232 : i32 to index
        %parallel_loop3A_626 = tpu.vector_load %arg6[%parallel_loop3A_622, %parallel_loop3A_623, %parallel_loop3A_624, %parallel_loop3A_625] {strides = array<i32>} : memref<2x49x8x128xf32, #tpu.memory_space<vmem>>, vector<16xf32>,
        %parallel_loop3A_627 = arith.maximumf %parallel_loop3A_619, %parallel_loop3A_626 : vector<16xf32>
        %parallel_loop3A_628 = arith.constant 1 : i32
        %parallel_loop3A_629 = arith.constant 45 : i32
        %parallel_loop3A_630 = arith.index_cast %parallel_loop3A_628 : i32 to index
        %parallel_loop3A_631 = arith.index_cast %parallel_loop3A_629 : i32 to index
        %parallel_loop3A_632 = arith.index_cast %parallel_loop3A_227 : i32 to index
        %parallel_loop3A_633 = arith.index_cast %parallel_loop3A_232 : i32 to index
        %parallel_loop3A_634 = tpu.vector_load %arg6[%parallel_loop3A_630, %parallel_loop3A_631, %parallel_loop3A_632, %parallel_loop3A_633] {strides = array<i32>} : memref<2x49x8x128xf32, #tpu.memory_space<vmem>>, vector<16xf32>,
        %parallel_loop3A_635 = arith.maximumf %parallel_loop3A_627, %parallel_loop3A_634 : vector<16xf32>
        %parallel_loop3A_636 = arith.constant 1 : i32
        %parallel_loop3A_637 = arith.constant 46 : i32
        %parallel_loop3A_638 = arith.index_cast %parallel_loop3A_636 : i32 to index
        %parallel_loop3A_639 = arith.index_cast %parallel_loop3A_637 : i32 to index
        %parallel_loop3A_640 = arith.index_cast %parallel_loop3A_227 : i32 to index
        %parallel_loop3A_641 = arith.index_cast %parallel_loop3A_232 : i32 to index
        %parallel_loop3A_642 = tpu.vector_load %arg6[%parallel_loop3A_638, %parallel_loop3A_639, %parallel_loop3A_640, %parallel_loop3A_641] {strides = array<i32>} : memref<2x49x8x128xf32, #tpu.memory_space<vmem>>, vector<16xf32>,
        %parallel_loop3A_643 = arith.maximumf %parallel_loop3A_635, %parallel_loop3A_642 : vector<16xf32>
        %parallel_loop3A_644 = arith.constant 1 : i32
        %parallel_loop3A_645 = arith.constant 47 : i32
        %parallel_loop3A_646 = arith.index_cast %parallel_loop3A_644 : i32 to index
        %parallel_loop3A_647 = arith.index_cast %parallel_loop3A_645 : i32 to index
        %parallel_loop3A_648 = arith.index_cast %parallel_loop3A_227 : i32 to index
        %parallel_loop3A_649 = arith.index_cast %parallel_loop3A_232 : i32 to index
        %parallel_loop3A_650 = tpu.vector_load %arg6[%parallel_loop3A_646, %parallel_loop3A_647, %parallel_loop3A_648, %parallel_loop3A_649] {strides = array<i32>} : memref<2x49x8x128xf32, #tpu.memory_space<vmem>>, vector<16xf32>,
        %parallel_loop3A_651 = arith.maximumf %parallel_loop3A_643, %parallel_loop3A_650 : vector<16xf32>
        %parallel_loop3A_652 = arith.constant 1 : i32
        %parallel_loop3A_653 = arith.constant 48 : i32
        %parallel_loop3A_654 = arith.index_cast %parallel_loop3A_652 : i32 to index
        %parallel_loop3A_655 = arith.index_cast %parallel_loop3A_653 : i32 to index
        %parallel_loop3A_656 = arith.index_cast %parallel_loop3A_227 : i32 to index
        %parallel_loop3A_657 = arith.index_cast %parallel_loop3A_232 : i32 to index
        %parallel_loop3A_658 = tpu.vector_load %arg6[%parallel_loop3A_654, %parallel_loop3A_655, %parallel_loop3A_656, %parallel_loop3A_657] {strides = array<i32>} : memref<2x49x8x128xf32, #tpu.memory_space<vmem>>, vector<16xf32>,
        %parallel_loop3A_659 = arith.maximumf %parallel_loop3A_651, %parallel_loop3A_658 : vector<16xf32>
        %parallel_loop3A_660 = arith.constant 1 : i32
        %parallel_loop3A_661 = arith.constant 6 : i32
        %parallel_loop3A_662 = arith.index_cast %parallel_loop3A_660 : i32 to index
        %parallel_loop3A_663 = arith.index_cast %parallel_loop3A_661 : i32 to index
        %parallel_loop3A_664 = arith.index_cast %parallel_loop3A_227 : i32 to index
        %parallel_loop3A_665 = arith.index_cast %parallel_loop3A_232 : i32 to index
        %parallel_loop3A_666 = tpu.vector_load %arg7[%parallel_loop3A_662, %parallel_loop3A_663, %parallel_loop3A_664, %parallel_loop3A_665] {strides = array<i32>} : memref<2x7x8x128xf32, #tpu.memory_space<vmem>>, vector<16xf32>,
        tpu.vector_store %arg7[%parallel_loop3A_662, %parallel_loop3A_663, %parallel_loop3A_664, %parallel_loop3A_665], %parallel_loop3A_659 {strides = array<i32>} : memref<2x7x8x128xf32, #tpu.memory_space<vmem>>, vector<16xf32>,
      } {sc.loop_unroll_factor = 2 : i64, sc.parallel_access}
      %add3A_171 = arith.constant 2 : i32
      %add3A_172 = arith.addi %add3A_148, %add3A_171 : i32
      %lt3A_173 = arith.constant 46 : i32
      %lt3A_174 = arith.cmpi slt, %add3A_172, %lt3A_173 : i32
      %convert_element_type3A_175 = arith.extui %lt3A_174 : i1 to i32
      %cond3A_176 = arith.constant 0 : i32
      %cond3A_177 = arith.cmpi ne, %convert_element_type3A_175, %cond3A_176 : i32
      scf.if %cond3A_177 {
        %add3A_203 = arith.constant 2 : i32
        %add3A_204 = arith.addi %add3A_148, %add3A_203 : i32
        %dma_start3A_205 = arith.constant 1 : i32
        %dma_start3A_206 = arith.constant 0 : i32
        %dma_start3A_207 = arith.constant 0 : i32
        %dma_start3A_208 = arith.constant 0 : i32
        %dma_start3A_209 = tpu.memref_slice %arg6[%dma_start3A_205, %dma_start3A_206, %dma_start3A_207, %dma_start3A_208] : memref<2x49x8x128xf32, #tpu.memory_space<vmem>> -> memref<1x49x8x128xf32, #tpu.memory_space<vmem>>
        %dma_start3A_210 = tpu.memref_squeeze %dma_start3A_209 : memref<1x49x8x128xf32, #tpu.memory_space<vmem>> -> memref<49x8x128xf32, #tpu.memory_space<vmem>>
        %dma_start3A_211 = arith.constant 0 : i32
        %dma_start3A_212 = tpu.memref_slice %arg8[%add3A_204, %dma_start3A_211] : memref<46x49xi32, #tpu.memory_space<vmem>> -> memref<1x49xi32, #tpu.memory_space<vmem>>
        %dma_start3A_213 = tpu.memref_squeeze %dma_start3A_212 : memref<1x49xi32, #tpu.memory_space<vmem>> -> memref<49xi32, #tpu.memory_space<vmem>>
        %dma_start3A_214 = arith.constant 0 : i32
        %dma_start3A_215 = arith.constant 0 : i32
        %dma_start3A_216 = arith.constant 0 : i32
        %dma_start3A_217 = tpu.memref_slice %arg2[%dma_start3A_214, %dma_start3A_215, %dma_start3A_216] : memref<40962x8x128xf32, #tpu.memory_space<hbm>> -> memref<40962x8x128xf32, #tpu.memory_space<hbm>>
        tpu.enqueue_indirect_dma source(%dma_start3A_217 : memref<40962x8x128xf32, #tpu.memory_space<hbm>>) target(%dma_start3A_210 : memref<49x8x128xf32, #tpu.memory_space<vmem>>) offsets(%dma_start3A_213 : memref<49xi32, #tpu.memory_space<vmem>>) semaphore(%arg12 : memref<!tpu.dma_semaphore, #tpu.memory_space<semaphore_mem>>)
      } else {
      }
      %mul3A_178 = arith.constant 7 : i32
      %mul3A_179 = arith.muli %mul3A_178, %add3A_148 : i32
      %add3A_180 = arith.addi %mul3A_2, %mul3A_179 : i32
      %add3A_181 = arith.constant 314 : i32
      %add3A_182 = arith.addi %mul3A_2, %add3A_181 : i32
      %min3A_183 = arith.minsi %add3A_180, %add3A_182 : i32
      %min3A_184 = arith.constant 10235 : i32
      %min3A_185 = arith.minsi %min3A_183, %min3A_184 : i32
      %dma_start3A_186 = arith.constant 1 : i32
      %dma_start3A_187 = arith.constant 0 : i32
      %dma_start3A_188 = arith.constant 0 : i32
      %dma_start3A_189 = arith.constant 0 : i32
      %dma_start3A_190 = tpu.memref_slice %arg7[%dma_start3A_186, %dma_start3A_187, %dma_start3A_188, %dma_start3A_189] : memref<2x7x8x128xf32, #tpu.memory_space<vmem>> -> memref<1x7x8x128xf32, #tpu.memory_space<vmem>>
      %dma_start3A_191 = tpu.memref_squeeze %dma_start3A_190 : memref<1x7x8x128xf32, #tpu.memory_space<vmem>> -> memref<7x8x128xf32, #tpu.memory_space<vmem>>
      %dma_start3A_192 = arith.constant 0 : i32
      %dma_start3A_193 = arith.constant 0 : i32
      %dma_start3A_194 = tpu.memref_slice %arg5[%min3A_185, %dma_start3A_192, %dma_start3A_193] : memref<10242x8x128xf32, #tpu.memory_space<hbm>> -> memref<7x8x128xf32, #tpu.memory_space<hbm>>
      %dma_start3A_195 = arith.constant 0 : i32
      %dma_start3A_196 = arith.constant 0 : i32
      %dma_start3A_197 = tpu.memref_slice %arg5[%min3A_185, %dma_start3A_195, %dma_start3A_196] : memref<10242x8x128xf32, #tpu.memory_space<hbm>> -> memref<7x8x128xf32, #tpu.memory_space<hbm>>
      %dma_start3A_198 = arith.constant 0 : i32
      %dma_start3A_199 = arith.constant 0 : i32
      %dma_start3A_200 = arith.constant 0 : i32
      %dma_start3A_201 = tpu.memref_slice %arg7[%dma_start3A_186, %dma_start3A_198, %dma_start3A_199, %dma_start3A_200] : memref<2x7x8x128xf32, #tpu.memory_space<vmem>> -> memref<1x7x8x128xf32, #tpu.memory_space<vmem>>
      %dma_start3A_202 = tpu.memref_squeeze %dma_start3A_201 : memref<1x7x8x128xf32, #tpu.memory_space<vmem>> -> memref<7x8x128xf32, #tpu.memory_space<vmem>>
      tpu.enqueue_dma source(%dma_start3A_202 : memref<7x8x128xf32, #tpu.memory_space<vmem>>) target(%dma_start3A_197 : memref<7x8x128xf32, #tpu.memory_space<hbm>>) target_semaphore(%arg14 : memref<!tpu.dma_semaphore, #tpu.memory_space<semaphore_mem>>)
    }
    %scan3A_53 = arith.constant 23 : i32
    %dma_wait3A_54 = arith.constant 0 : i32
    %dma_wait3A_55 = arith.constant 0 : i32
    %dma_wait3A_56 = arith.constant 0 : i32
    %dma_wait3A_57 = arith.constant 0 : i32
    %dma_wait3A_58 = tpu.memref_slice %arg7[%dma_wait3A_54, %dma_wait3A_55, %dma_wait3A_56, %dma_wait3A_57] : memref<2x7x8x128xf32, #tpu.memory_space<vmem>> -> memref<1x7x8x128xf32, #tpu.memory_space<vmem>>
    %dma_wait3A_59 = tpu.memref_squeeze %dma_wait3A_58 : memref<1x7x8x128xf32, #tpu.memory_space<vmem>> -> memref<7x8x128xf32, #tpu.memory_space<vmem>>
    %dma_wait3A_60 = arith.constant 0 : i32
    %dma_wait3A_61 = arith.constant 0 : i32
    %dma_wait3A_62 = arith.constant 0 : i32
    %dma_wait3A_63 = tpu.memref_slice %arg5[%dma_wait3A_60, %dma_wait3A_61, %dma_wait3A_62] : memref<10242x8x128xf32, #tpu.memory_space<hbm>> -> memref<7x8x128xf32, #tpu.memory_space<hbm>>
    %dma_wait3A_64 = arith.constant 0 : i32
    %dma_wait3A_65 = arith.constant 0 : i32
    %dma_wait3A_66 = arith.constant 0 : i32
    %dma_wait3A_67 = tpu.memref_slice %arg5[%dma_wait3A_64, %dma_wait3A_65, %dma_wait3A_66] : memref<10242x8x128xf32, #tpu.memory_space<hbm>> -> memref<7x8x128xf32, #tpu.memory_space<hbm>>
    %dma_wait3A_68 = arith.constant 0 : i32
    %dma_wait3A_69 = arith.constant 0 : i32
    %dma_wait3A_70 = arith.constant 0 : i32
    %dma_wait3A_71 = tpu.memref_slice %arg7[%dma_wait3A_54, %dma_wait3A_68, %dma_wait3A_69, %dma_wait3A_70] : memref<2x7x8x128xf32, #tpu.memory_space<vmem>> -> memref<1x7x8x128xf32, #tpu.memory_space<vmem>>
    %dma_wait3A_72 = tpu.memref_squeeze %dma_wait3A_71 : memref<1x7x8x128xf32, #tpu.memory_space<vmem>> -> memref<7x8x128xf32, #tpu.memory_space<vmem>>
    tpu.wait_dma2 semaphore(%arg13 : memref<!tpu.dma_semaphore, #tpu.memory_space<semaphore_mem>>) src(%dma_wait3A_72 : memref<7x8x128xf32, #tpu.memory_space<vmem>>) dst(%dma_wait3A_67 : memref<7x8x128xf32, #tpu.memory_space<hbm>>)
    %dma_wait3A_73 = arith.constant 1 : i32
    %dma_wait3A_74 = arith.constant 0 : i32
    %dma_wait3A_75 = arith.constant 0 : i32
    %dma_wait3A_76 = arith.constant 0 : i32
    %dma_wait3A_77 = tpu.memref_slice %arg7[%dma_wait3A_73, %dma_wait3A_74, %dma_wait3A_75, %dma_wait3A_76] : memref<2x7x8x128xf32, #tpu.memory_space<vmem>> -> memref<1x7x8x128xf32, #tpu.memory_space<vmem>>
    %dma_wait3A_78 = tpu.memref_squeeze %dma_wait3A_77 : memref<1x7x8x128xf32, #tpu.memory_space<vmem>> -> memref<7x8x128xf32, #tpu.memory_space<vmem>>
    %dma_wait3A_79 = arith.constant 0 : i32
    %dma_wait3A_80 = arith.constant 0 : i32
    %dma_wait3A_81 = arith.constant 0 : i32
    %dma_wait3A_82 = tpu.memref_slice %arg5[%dma_wait3A_79, %dma_wait3A_80, %dma_wait3A_81] : memref<10242x8x128xf32, #tpu.memory_space<hbm>> -> memref<7x8x128xf32, #tpu.memory_space<hbm>>
    %dma_wait3A_83 = arith.constant 0 : i32
    %dma_wait3A_84 = arith.constant 0 : i32
    %dma_wait3A_85 = arith.constant 0 : i32
    %dma_wait3A_86 = tpu.memref_slice %arg5[%dma_wait3A_83, %dma_wait3A_84, %dma_wait3A_85] : memref<10242x8x128xf32, #tpu.memory_space<hbm>> -> memref<7x8x128xf32, #tpu.memory_space<hbm>>
    %dma_wait3A_87 = arith.constant 0 : i32
    %dma_wait3A_88 = arith.constant 0 : i32
    %dma_wait3A_89 = arith.constant 0 : i32
    %dma_wait3A_90 = tpu.memref_slice %arg7[%dma_wait3A_73, %dma_wait3A_87, %dma_wait3A_88, %dma_wait3A_89] : memref<2x7x8x128xf32, #tpu.memory_space<vmem>> -> memref<1x7x8x128xf32, #tpu.memory_space<vmem>>
    %dma_wait3A_91 = tpu.memref_squeeze %dma_wait3A_90 : memref<1x7x8x128xf32, #tpu.memory_space<vmem>> -> memref<7x8x128xf32, #tpu.memory_space<vmem>>
    tpu.wait_dma2 semaphore(%arg14 : memref<!tpu.dma_semaphore, #tpu.memory_space<semaphore_mem>>) src(%dma_wait3A_91 : memref<7x8x128xf32, #tpu.memory_space<vmem>>) dst(%dma_wait3A_86 : memref<7x8x128xf32, #tpu.memory_space<hbm>>)
    return
  }
}

</mosaic_0001>

<sc_bundles>
// kernel: kernel.3.cloned.1.call-start
scs
__scs_entry_jumppad:
0x0: {  	(pc) =	sbr.rel $0x88, $3  }
0x1: {  	(tag) =	ssettag $0x0;
	lr =	simm.s32 $0x1  }
0x2: {  	[smem:$0x3F9E] =	sst lr;
	_ =	strace $0xD0000000  }
0x3: {  	_ = 	snop  }
0x4: {  	_ = 	snop  }
0x5: {  	_ = 	snop  }
0x6: {  	_ = 	snop  }
0x7: {  	_ = 	snop  }
__scs_overlays_trampoline_lowered:
0x8: {  	[smem:$0x3FAD] =	sst s0  }
0x9: {  	[smem:$0x3FAE] =	sst s1  }
0xa: {  	[smem:$0x3FAF] =	sst s2  }
0xb: {  	[smem:$0x3FB0] =	sst s3  }
0xc: {  	[smem:$0x3FB1] =	sst s4  }
0xd: {  	[smem:$0x3FB2] =	sst s5  }
0xe: {  	[smem:$0x3FB3] =	sst s6  }
0xf: {  	[smem:$0x3FB4] =	sst s7  }
0x10: {  	[smem:$0x3FB5] =	sst s8  }
0x11: {  	[smem:$0x3FB6] =	sst s9;
	s0 =	simm.s32 @!p0 $0x0  }
0x12: {  	s1 =	sld [smem:$0x3F9C];
	s0 =	simm.s32 @p0 $0x1  }
0x13: {  	[smem:$0x3FB7] =	sst s0;
	s0 =	simm.s32 @!p1 $0x0  }
0x14: {  	s2 =	sld [smem:$0x3F9B];
	s0 =	simm.s32 @p1 $0x1  }
0x15: {  	[smem:$0x3FB8] =	sst s0;
	s0 =	simm.s32 @!p2 $0x0  }
0x16: {  	s3 =	sld [smem:$0x3FDB];
	s0 =	simm.s32 @p2 $0x1  }
0x17: {  	s4 =	simm.s32 $0x1BF5;
	[smem:$0x3FBA] =	sst s0  }
0x18: {  	s0 =	sld [smem:$0x3F9D];
	_ =	swait.ge [sflag:s4], $0x0  }
0x19: {  	s7 =	sld [smem:$0x3F9E]  }
0x1a: {  	s8 =	sadd.s32 $0xFFFFE003, lr  }
0x1b: {  	s9 =	sadd.s32 $0xFFFFFEF7, lr;
	s5 =	simm.s32 $0xFFFFFFFF;
	p2 =	slt.u32 s8, $0xFFFFF086  }
0x1c: {  	p1 =	slt.u32 s9, $0xF7A;
	s5 =	simm.s32 @!p2 $0x0  }
0x1d: {  	s5 =	simm.s32 @p1 $0x1;
	p0 =	seq.s32 s7, s2  }
0x1e: {  	s7 =	smul.u32 @!p0 $0xF7A, s2;
	p2 =	seq.s32 @!p0 s5, $0x0  }
0x1f: {  	s9 =	smul.u32 $0xF7A, s1;
	s8 =	simm.s32 @!p0 $0x1BF5;
	p2 =	por !p2, p0  }
0x20: {  	[sflag:s8] =	ssyncset.s32 @!p0 $0xFFFFF086;
	s6 =	sadd.s32 @!p0 s3, s7;
	s7 =	simm.s32 @!p0 $0x108  }
0x21: {  	s3 =	sadd.s32 s3, s9;
	s6 =	sadd.s32 @!p0 $0x88, s6;
	s7 =	simm.s32 @p2 $0x1082  }
0x22: {  	[simem:s7], [sflag:s8] =	dma.local @!p0 [hbm:s6], $0xF7A  }
0x23: {  	s9 =	sor.u32 $0xD0000000, s2;
	s6 =	simm.s32 $0x108;
	_ =	swait.ge @!p0 [sflag:s8], $0x0  }
0x24: {  	s3 =	sadd.s32 $0x88, s3;
	s6 =	simm.s32 @!p1 $0x1082;
	[sflag:s4] =	ssyncset.s32 $0xFFFFF086  }
0x25: {  	[simem:s6], [sflag:s4] =	dma.local [hbm:s3], $0xF7A  }
0x26: {  	[smem:$0x3F9E] =	sst s1;
	(tag) =	ssettag s2;
	_ =	strace s9  }
0x27: {  	s1 =	sld [smem:$0x3FAE]  }
0x28: {  	s2 =	sld [smem:$0x3FAF]  }
0x29: {  	s4 =	sld [smem:$0x3FB1]  }
0x2a: {  	p0 =	seq.s32 s5, $0x0;
	s5 =	sld [smem:$0x3FB2]  }
0x2b: {  	s6 =	sld [smem:$0x3FB3]  }
0x2c: {  	s7 =	sld [smem:$0x3FB4]  }
0x2d: {  	s3 =	simm.s32 $0x108;
	s8 =	sld [smem:$0x3FB5]  }
0x2e: {  	s3 =	simm.s32 @!p0 $0x1082;
	s9 =	sld [smem:$0x3FB6]  }
0x2f: {  	lr =	sadd.s32 s0, s3;
	s0 =	sld [smem:$0x3FAD]  }
0x30: {  	s3 =	sld [smem:$0x3FB0]  }
0x31: {  	[smem:$0x3FB9] =	sst s10  }
0x32: {  	s10 =	sld [smem:$0x3FB7];
	_ =	sdelay $0x3  }
0x33: {  	p0 =	seq.s32 s10, $0x1;
	s10 =	sld [smem:$0x3FB9];
	_ =	sdelay $0x3  }
0x34: {  	[smem:$0x3FB9] =	sst s10  }
0x35: {  	s10 =	sld [smem:$0x3FB8];
	_ =	sdelay $0x3  }
0x36: {  	p1 =	seq.s32 s10, $0x1;
	s10 =	sld [smem:$0x3FB9];
	_ =	sdelay $0x3  }
0x37: {  	[smem:$0x3FB9] =	sst s10  }
0x38: {  	s10 =	sld [smem:$0x3FBA]  }
0x39: {  	_ = 	snop;
	(pc) =	sbr.ind lr, $3  }
0x3a: {  	_ = 	snop  }
0x3b: {  	_ = 	snop  }
0x3c: {  	p2 =	seq.s32 s10, $0x1;
	s10 =	sld [smem:$0x3FB9]  }
0x3d: {  	_ =	shalt  }
0x3e: {  	_ =	shalt  }
0x3f: {  	_ =	shalt  }
0x40: {  	_ =	shalt  }
0x41: {  	_ =	shalt  }
0x42: {  	_ =	shalt  }
0x43: {  	_ =	shalt  }
0x44: {  	_ =	shalt  }
0x45: {  	_ =	shalt  }
0x46: {  	_ =	shalt  }
0x47: {  	_ =	shalt  }
0x48: {  	_ =	shalt  }
0x49: {  	_ =	shalt  }
0x4a: {  	_ =	shalt  }
0x4b: {  	_ =	shalt  }
0x4c: {  	_ =	shalt  }
0x4d: {  	_ =	shalt  }
0x4e: {  	_ =	shalt  }
0x4f: {  	_ =	shalt  }
0x50: {  	_ =	shalt  }
0x51: {  	_ =	shalt  }
0x52: {  	_ =	shalt  }
0x53: {  	_ =	shalt  }
0x54: {  	_ =	shalt  }
0x55: {  	_ =	shalt  }
0x56: {  	_ =	shalt  }
0x57: {  	_ =	shalt  }
0x58: {  	_ =	shalt  }
0x59: {  	_ =	shalt  }
0x5a: {  	_ =	shalt  }
0x5b: {  	_ =	shalt  }
0x5c: {  	_ =	shalt  }
0x5d: {  	_ =	shalt  }
0x5e: {  	_ =	shalt  }
0x5f: {  	_ =	shalt  }
0x60: {  	_ =	shalt  }
0x61: {  	_ =	shalt  }
0x62: {  	_ =	shalt  }
0x63: {  	_ =	shalt  }
0x64: {  	_ =	shalt  }
0x65: {  	_ =	shalt  }
0x66: {  	_ =	shalt  }
0x67: {  	_ =	shalt  }
0x68: {  	_ =	shalt  }
0x69: {  	_ =	shalt  }
0x6a: {  	_ =	shalt  }
0x6b: {  	_ =	shalt  }
0x6c: {  	_ =	shalt  }
0x6d: {  	_ =	shalt  }
0x6e: {  	_ =	shalt  }
0x6f: {  	_ =	shalt  }
0x70: {  	_ =	shalt  }
0x71: {  	_ =	shalt  }
0x72: {  	_ =	shalt  }
0x73: {  	_ =	shalt  }
0x74: {  	_ =	shalt  }
0x75: {  	_ =	shalt  }
0x76: {  	_ =	shalt  }
0x77: {  	_ =	shalt  }
0x78: {  	_ =	shalt  }
0x79: {  	_ =	shalt  }
0x7a: {  	_ =	shalt  }
0x7b: {  	_ =	shalt  }
0x7c: {  	_ =	shalt  }
0x7d: {  	_ =	shalt  }
0x7e: {  	_ =	shalt  }
0x7f: {  	_ =	shalt  }
0x80: {  	_ =	shalt  }
0x81: {  	_ =	shalt  }
0x82: {  	_ =	shalt  }
0x83: {  	_ =	shalt  }
0x84: {  	_ =	shalt  }
0x85: {  	_ =	shalt  }
0x86: {  	_ =	shalt  }
0x87: {  	_ =	shalt  }
.Lfunc_end0:
.L_simem_size_0:
called_computation_lowered:
.L_overlay_start_0:
0x88: {  	s2 =	sld [smem:$0x3FD9]  }
0x89: {  	s3 =	sld [smem:$0x3FFE];
	_ =	sdelay $0x1  }
0x8a: {  	s1 =	srdreg.scid  }
0x8b: {  	s0 =	sand.u32 $0x1, s1  }
0x8c: {  	s17 =	sshll.u32 s0, $0xA;
	s2 =	sadd.s32 s3, s2  }
0x8d: {  	s2 =	sadd.s32 s2, s17  }
0x8e: {  	[smem:$0x3FC5] =	sst s2  }
0x8f: {  	_ = 	snop  }
0x90: {  	s2 =	sld [smem:$0x3FC9]  }
0x91: {  	s18 =	sld [smem:$0x3FC8]  }
0x92: {  	s4 =	sld [smem:$0x3FD0];
	(tm) =	ssettm $0x1  }
0x93: {  	s5 =	sld [smem:$0x3FFB];
	_ =	sdelay $0x3  }
0x94: {  	_ =	strace s5  }
0x95: {  	s5 =	sld [smem:$0x3FFC];
	_ =	sdelay $0x3  }
0x96: {  	_ =	strace s5  }
0x97: {  	s5 =	sld [smem:$0x3FFD];
	_ =	sdelay $0x3  }
0x98: {  	_ =	strace s5  }
0x99: {  	_ =	strace $0x8FFFFFFF  }
0x9a: {  	s19 =	sld [smem:$0x3FDB];
	_ =	sdelay $0x1  }
0x9b: {  	s6 =	simm.s32 $_scs_section_size  }
0x9c: {  	s7 =	simm.s32 $_size__tile_overlayer_lowered;
	s8 =	simm.s32 $_tile_overlayer_lowered  }
0x9d: {  	s22 =	simm.s32 $0x1BFF;
	s21 =	sshll.u32 s8, $0x1;
	s5 =	sadd.s32 s6, s19  }
0x9e: {  	s9 =	simm.s32 $0x0;
	s20 =	sshll.u32 s7, $0x1;
	s7 =	sadd.s32 s21, s5  }
0x9f: {  	[timem:s9], [sflag:s22] =	dma.local [hbm:s7], s20  }
0xa0: {  	_ =	swait.ge [sflag:s22], s20  }
0xa1: {  	s6 =	ssub.s32 $0x0, s20;
	[sflag:s22] =	ssyncset.done $0x0  }
0xa2: {  	[sflag:s22] =	ssyncadd.s32 s6;
	_ =	sdelay $0x1  }
0xa3: {  	s23 =	simm.s32 $0x1B8B  }
0xa4: {  	_ =	swait.ge [sflag:s23], $0x1  }
0xa5: {  	[sflag:s23] =	ssyncset.done $0x0  }
0xa6: {  	s25 =	simm.s32 $0x1B8E;
	s24 =	sld [smem:$0x3FFE];
	[sflag:s23] =	ssyncadd.s32 $0xFFFFFFFF  }
0xa7: {  	s26 =	simm.s32 $execute0_lowered;
	[smem:$0x3FD2] =	sst s25  }
0xa8: {  	s7 =	sshll.u32 s26, $0x1;
	_ =	strace $0x80000046;
	[dreg:$0x1] =	wrdreg $0xFFFFFFFF  }
0xa9: {  	s28 =	simm.s32 $_size_execute0_lowered;
	s5 =	sadd.s32 s5, s7;
	[dreg:$0x0] =	wrdreg $0x0  }
0xaa: {  	s7 =	sshll.u32 s28, $0x1;
	[dreg:$0x2] =	wrdreg s5  }
0xab: {  	[dreg:$0x3] =	wrdreg s7  }
0xac: {  	[dreg:$0x4] =	wrdreg $0xC0  }
0xad: {  	_ =	task [dreg:s9], $0x5FFFF  }
0xae: {  	[dreg:$0x1] =	wrdreg $0xFFFFFFFF  }
0xaf: {  	[dreg:$0x0] =	wrdreg $0x60  }
0xb0: {  	[dreg:$0x2] =	wrdreg s2  }
0xb1: {  	[dreg:$0x3] =	wrdreg s18  }
0xb2: {  	[dreg:$0x4] =	wrdreg s24  }
0xb3: {  	[dreg:$0x5] =	wrdreg s4  }
0xb4: {  	[dreg:$0x6] =	wrdreg $0x9  }
0xb5: {  	_ =	task.clear_ibuf [dreg:s9], $0x7FFFF;
	_ =	strace $0x90000046  }
0xb6: {  	s29 =	simm.s32 $0x9;
	_ =	strace $0x80000048  }
0xb7: {  	_ =	swait.ge [sflag:s29], $0x1  }
0xb8: {  	[sflag:s29] =	ssyncadd.s32 $0xFFFFFFFF  }
0xb9: {  	_ =	strace $0x90000048  }
0xba: {  	_ =	sfence  }
0xbb: {  	s30 =	sld [smem:$0x0];
	_ =	sdelay $0x2  }
0xbc: {  	s31 =	sshll.u32 s1, $0xD;
	s1 =	sshrl.u32 s1, $0x2  }
0xbd: {  	s3 =	sand.u32 $0x4000, s31;
	s1 =	sadd.s32 s1, s30  }
0xbe: {  	s0 =	sor.u32 s3, s0;
	s1 =	sshll.u32 s1, $0x11  }
0xbf: {  	s0 =	sor.u32 s1, s0  }
0xc0: {  	s0 =	sadd.s32 $0x8F2B, s0  }
0xc1: {  	[sflag:s0] =	ssyncadd.remote.s32 $0x1  }
0xc2: {  	_ =	sfence.sel $0xFFFF  }
0xc3: {  	[dreg:$0x0] =	wrdreg $0xFFFFFFFF;
	(pc) =	sbr.abs _section_cstart, $3  }
0xc4: {  	[dreg:$0x1] =	wrdreg $0xFFFFFFFF  }
0xc5: {  	_ =	task.clear_ibuf [dreg:s9], $0x2FFFF;
	_ =	strace $0x9FFFFFFF  }
0xc6: {  	(tm) =	ssettm $0x7FFFFFFF  }
0xc7: {  	_ =	shalt  }
tec
execute0_lowered:
.L_overlay_start_1:
0x0: {  	(tag) =	ssettag $0x1  }
0x1: {  	s0 =	srdreg.scid;
	s2 =	stileid.u32  }
0x2: {  	s0 =	sand.u32 $0x1, s0;
	s2 =	sshll.u32 s2, $0x1  }
0x3: {  	s1 =	rddreg [dreg:$0x2];
	s3 =	simm.s32 $0x0;
	s2 =	sor.u32 s0, s2  }
0x4: {  	v4 =	vimm.s32 $0xECA86420;
	v2 =	vlaneseq.u32;
	v3 =	vimm.s32 $0x0;
	[smem:$0x7FF] =	sst s3;
	s1 =	sadd.s32 $0x400, s1;
	s4 =	smul.u32 $0x141, s2  }
0x5: {  	vm0 =	vcmask $0xB08;
	vm1 =	vcmask $0x1310;
	vm2 =	vcmask $0x1B18;
	s0 =	ssub.s32 $0x2, s0;
	_ =	strace $0x80000047;
	[smem:$0x7F9] =	sst s1  }
0x6: {  	vm3 =	vcmask $0x300;
	vm4 =	vcmask $0x2320;
	vm5 =	vcmask $0x2B28;
	s29 =	sshrl.u32 s0, $0x1;
	s30 =	sadd.s32 $0x13A, s4;
	[smem:$0x7FB] =	sst s4  }
0x7: {  	vm6 =	vcmask $0x3330;
	vm7 =	vcmask $0x3B38;
	v4 =	vunpack.c.l.s4.s8 v4;
	s0 =	ssub.s32 s0, s29;
	s31 =	sadd.s32 $0x7, s4;
	[smem:$0x7FA] =	sst s30  }
0x8: {  	vm8 =	vmmov $0xff;
	v5 =	vmul.u32 $0x2, v2;
	v6 =	vmul.u32 $0xFFFFFFFF, v2;
	s0 =	smax.u32 s0, $0x1;
	[smem:$0x7FC] =	sst s31  }
0x9: {  	v4 =	vunpack.c.0.s8.s32 v4;
	s2 =	simm.s32 $0x0;
	v0 =	vmov s4;
	v1 =	vmov s30;
	[smem:$0x7FD] =	sst s0  }
.LBB2_1:
0xa: {  	s0 =	simm.s32 $0x0  }
0xb: {  	v7 =	vor.u32 s0, v2  }
0xc: {  	v8 =	vmulhi.u32 $0x5397829D, v7;
	_ =	sdelay $0x1  }
0xd: {  	v8 =	vshrl.u32 v8, $0x4  }
0xe: {  	v9 =	vmul.u32 $0xFFFFFFCF, v8  }
0xf: {  	v10 =	vmov s0;
	v11 =	vsub.s32 $0x0, v7  }
0x10: {  	vm9 =	veq.s32 v10, v2;
	vm10 =	vne.s32 v9, v11  }
0x11: {  	vm9 =	vmand vm9, vm10  }
0x12: {  	v9 =	vsel vm9, $0xFFFFFFFF, v3  }
0x13: {  	v9 =	vadd.s32 v9, v8  }
0x14: {  	v8 =	vmul.u32 $0xFFFFFFCF, v9;
	_ =	sdelay $0x1  }
0x15: {  	v7 =	vadd.s32 v7, v8  }
0x16: {  	(v2sf) =	vpush v7, $0x7  }
0x17: {  	(v2sf) =	vpush v7, $0xF;
	_ =	sdelay $0x1  }
0x18: {  	(v2sf) =	vpush v7, $0x6;
	_ =	sdelay $0x1  }
0x19: {  	(v2sf) =	vpush v7, $0x5  }
0x1a: {  	(v2sf) =	vpush v7, $0xB;
	_ =	sdelay $0x1  }
0x1b: {  	(v2sf) =	vpush v7, $0xA  }
0x1c: {  	(v2sf) =	vpush v7, $0x4  }
0x1d: {  	(v2sf) =	vpush v7, $0x3  }
0x1e: {  	(v2sf) =	vpush v7, $0x9  }
0x1f: {  	(v2sf) =	vpush v7, $0x2  }
0x20: {  	(v2sf) =	vpush v7, $0xD  }
0x21: {  	(v2sf) =	vpush v7, $0x8  }
0x22: {  	(v2sf) =	vpush v7, $0xE;
	s3 =	spop (v2sf)  }
0x23: {  	(v2sf) =	vpush v7, $0x0;
	s6 =	spop (v2sf);
	s4 =	smulhi.u32 $0x92492493, s3  }
0x24: {  	(v2sf) =	vpush v7, $0x1;
	s1 =	sshra.s32 s3, $0x1F;
	s9 =	smulhi.u32 $0x92492493, s6  }
0x25: {  	s13 =	simm.s32 $0x10;
	(v2sf) =	vpush v7, $0xC;
	s0 =	spop (v2sf);
	s5 =	smul.u32 $0x92492493, s1  }
0x26: {  	v8 =	vor.u32 s13, v2;
	s18 =	sshra.s32 s6, $0x1F;
	s7 =	smulhi.u32 $0x92492493, s0  }
0x27: {  	v10 =	vmulhi.u32 $0x5397829D, v8;
	s10 =	spop (v2sf);
	s18 =	smul.u32 $0x92492493, s18  }
0x28: {  	s11 =	spop (v2sf);
	s16 =	smulhi.u32 $0x92492493, s10  }
0x29: {  	[smem:$0x7F3] =	sst s2;
	v10 =	vshrl.u32 v10, $0x4;
	s28 =	sshra.s32 s10, $0x1F;
	s17 =	smulhi.u32 $0x92492493, s11  }
0x2a: {  	v11 =	vmul.u32 $0xFFFFFFCF, v10;
	s9 =	ssub.s32 s9, s6;
	s1 =	spop (v2sf);
	s2 =	smul.u32 $0x92492493, s28  }
0x2b: {  	v12 =	vmov s13;
	v13 =	vsub.s32 $0x0, v8;
	s21 =	sshra.s32 s11, $0x1F;
	s8 =	spop (v2sf);
	s12 =	smulhi.u32 $0x92492493, s1  }
0x2c: {  	vm9 =	veq.s32 v12, v2;
	vm10 =	vne.s32 v11, v13;
	s6 =	ssub.s32 s16, s10;
	s21 =	smul.u32 $0x92492493, s21;
	s14 =	spop (v2sf)  }
0x2d: {  	vm9 =	vmand vm9, vm10;
	s10 =	sadd.s32 s18, s9;
	s19 =	smulhi.u32 $0x92492493, s8;
	s15 =	spop (v2sf)  }
0x2e: {  	v11 =	vsel vm9, $0xFFFFFFFF, v3;
	s12 =	ssub.s32 s12, s1;
	s1 =	sshra.s32 s1, $0x1F;
	s20 =	spop (v2sf)  }
0x2f: {  	v10 =	vadd.s32 v11, v10;
	s11 =	ssub.s32 s17, s11;
	s1 =	smul.u32 $0x92492493, s1;
	s22 =	spop (v2sf)  }
0x30: {  	v11 =	vmul.u32 $0xFFFFFFCF, v10;
	s9 =	sadd.s32 s21, s11;
	s30 =	smulhi.u32 $0x92492493, s20;
	s23 =	spop (v2sf)  }
0x31: {  	s29 =	smulhi.u32 $0x92492493, s22;
	s25 =	sshra.s32 s22, $0x1F;
	s24 =	spop (v2sf)  }
0x32: {  	v8 =	vadd.s32 v8, v11;
	s25 =	smul.u32 $0x92492493, s25;
	s11 =	ssub.s32 s30, s20;
	s13 =	spop (v2sf)  }
0x33: {  	(v2sf) =	vpush v8, $0x7;
	s20 =	sshra.s32 s20, $0x1F;
	s26 =	smulhi.u32 $0x92492493, s24;
	s16 =	spop (v2sf)  }
0x34: {  	s20 =	smul.u32 $0x92492493, s20;
	s31 =	spop (v2sf)  }
0x35: {  	s26 =	ssub.s32 s26, s24;
	s24 =	sshra.s32 s24, $0x1F;
	s28 =	smulhi.u32 $0x92492493, s31  }
0x36: {  	s17 =	ssub.s32 s29, s22;
	s29 =	sshra.s32 s31, $0x1F;
	s24 =	smul.u32 $0x92492493, s24  }
0x37: {  	s30 =	smul.u32 $0x92492493, s29;
	s18 =	ssub.s32 s28, s31;
	s31 =	sshra.s32 s8, $0x1F  }
0x38: {  	s28 =	sshra.s32 s0, $0x1F;
	s0 =	ssub.s32 s7, s0;
	s7 =	smulhi.u32 $0x92492493, s15  }
0x39: {  	s4 =	ssub.s32 s4, s3;
	(v2sf) =	vpush v8, $0xF;
	s21 =	sadd.s32 s25, s17;
	s22 =	smul.u32 $0x92492493, s31  }
0x3a: {  	(v2sf) =	vpush v8, $0x6;
	s25 =	sshra.s32 s15, $0x1F;
	s17 =	sadd.s32 s24, s26;
	s29 =	smul.u32 $0x92492493, s28  }
0x3b: {  	(v2sf) =	vpush v8, $0x5;
	s26 =	sadd.s32 s20, s11;
	s18 =	sadd.s32 s30, s18;
	s30 =	smulhi.u32 $0x92492493, s23  }
0x3c: {  	v9 =	vmul.u32 $0x7, v9;
	(v2sf) =	vpush v8, $0xB;
	s8 =	ssub.s32 s19, s8;
	s31 =	smulhi.u32 $0x92492493, s14;
	s24 =	ssub.s32 s7, s15  }
0x3d: {  	v10 =	vmul.u32 $0x7, v10;
	(v2sf) =	vpush v8, $0xA;
	s7 =	smul.u32 $0x92492493, s25;
	s25 =	simm.s32 $0x1D810;
	s8 =	sadd.s32 s22, s8  }
0x3e: {  	v9 =	vadd.s32 v0, v9;
	s11 =	sadd.s32 s29, s0;
	s19 =	ssub.s32 s30, s23;
	s23 =	sshra.s32 s23, $0x1F  }
0x3f: {  	vm9 =	vlt.s32 v9, v1;
	v10 =	vadd.s32 v0, v10;
	s22 =	ssub.s32 s31, s14;
	s14 =	sshra.s32 s14, $0x1F;
	s29 =	smulhi.u32 $0x92492493, s13  }
0x40: {  	v9 =	vsel vm9, v9, v1;
	vm9 =	vlt.s32 v10, v1;
	s31 =	simm.s32 $0x1D800;
	s30 =	sshra.s32 s13, $0x1F;
	s20 =	smul.u32 $0x92492493, s23  }
0x41: {  	vm10 =	vlt.s32 v9, $0x27FB;
	v12 =	vsel vm9, v10, v1;
	s14 =	smul.u32 $0x92492493, s14;
	[smem:$0x7F4] =	sst s31;
	s31 =	sadd.s32 s1, s12  }
0x42: {  	v10 =	vnsel vm10, $0x27FB, v9;
	vm9 =	vlt.s32 v12, $0x27FB;
	s23 =	spop (v2sf);
	s28 =	sadd.s32 s20, s19;
	s20 =	smulhi.u32 $0x92492493, s16  }
0x43: {  	v9 =	vnsel vm9, $0x27FB, v12;
	(v2sf) =	vpush v8, $0x4;
	s0 =	sadd.s32 s14, s22;
	s22 =	sadd.s32 s7, s24;
	v12 =	vmov s28;
	s28 =	smulhi.u32 $0x92492493, s23  }
0x44: {  	(v2sf) =	vpush v8, $0x3;
	s14 =	ssub.s32 s20, s16;
	s16 =	sshra.s32 s16, $0x1F;
	s20 =	smul.u32 $0x92492493, s30  }
0x45: {  	(v2sf) =	vpush v8, $0x9;
	s19 =	ssub.s32 s29, s13;
	s29 =	sshra.s32 s23, $0x1F;
	v12 =	vsel vm0, s22, v12;
	s16 =	smul.u32 $0x92492493, s16  }
0x46: {  	(v2sf) =	vpush v8, $0x2;
	s12 =	sadd.s32 s2, s6;
	[smem:$0x7F6] =	sst s23;
	v12 =	vsel vm1, s31, v12;
	s31 =	smul.u32 $0x92492493, s29  }
0x47: {  	(v2sf) =	vpush v8, $0xD;
	v11 =	vmov s18;
	s13 =	simm.s32 $0x20;
	[smem:$0x7F5] =	sst s28;
	s24 =	sadd.s32 s20, s19  }
0x48: {  	(v2sf) =	vpush v8, $0x8;
	v11 =	vsel vm0, s21, v11;
	s7 =	sadd.s32 s16, s14;
	s14 =	spop (v2sf);
	v13 =	vmov s24;
	[smem:$0x7F8] =	sst s31  }
0x49: {  	v11 =	vsel vm1, s17, v11;
	(v2sf) =	vpush v8, $0xE;
	s16 =	sadd.s32 s5, s4;
	s15 =	smulhi.u32 $0x92492493, s14;
	s5 =	spop (v2sf);
	v13 =	vnsel vm3, $0x0, v13  }
0x4a: {  	v11 =	vsel vm2, s10, v11;
	(v2sf) =	vpush v8, $0x0;
	s20 =	sshra.s32 s14, $0x1F;
	s30 =	smulhi.u32 $0x92492493, s5;
	s19 =	spop (v2sf);
	v13 =	vsel vm0, s7, v13  }
0x4b: {  	v12 =	vsel vm2, s9, v12;
	(v2sf) =	vpush v8, $0x1;
	s23 =	sshra.s32 s19, $0x1F;
	s18 =	spop (v2sf);
	v13 =	vsel vm1, s26, v13;
	s22 =	smulhi.u32 $0x92492493, s19  }
0x4c: {  	v11 =	vcombine.low v12, v11;
	(v2sf) =	vpush v8, $0xC;
	[smem:$0x7F7] =	sst s30;
	s17 =	sshra.s32 s18, $0x1F;
	v12 =	vsel vm2, s0, v13;
	s9 =	spop (v2sf)  }
.LBB2_2:
0x4d: {  	s10 =	smulhi.u32 $0x92492493, s18  }
0x4e: {  	s6 =	smulhi.u32 $0x92492493, s9  }
0x4f: {  	v12 =	vsel vm4, s8, v12;
	s8 =	smul.u32 $0x92492493, s23  }
0x50: {  	s20 =	smul.u32 $0x92492493, s20  }
0x51: {  	s24 =	smov.u32 s25;
	s31 =	smul.u32 $0x92492493, s17;
	s22 =	ssub.s32 s22, s19  }
0x52: {  	s21 =	ssub.s32 s15, s14;
	s14 =	smov.u32 s25;
	[smem:$0x7F0] =	sst s22  }
0x53: {  	v12 =	vsel vm5, s12, v12;
	s0 =	smov.u32 s13;
	[smem:$0x7F1] =	sst s8;
	s18 =	ssub.s32 s10, s18  }
0x54: {  	v13 =	vor.u32 s13, v2;
	v12 =	vsel vm6, s11, v12;
	s11 =	sadd.s32 $0x10, s13;
	s20 =	sadd.s32 s20, s21;
	s0 =	sld [smem:$0x7F4]  }
0x55: {  	s10 =	smov.u32 s5;
	p0 =	sne.s32 s13, $0x8C0;
	[smem:$0x7F4] =	sst s14;
	v14 =	vmulhi.u32 $0x5397829D, v13  }
0x56: {  	v12 =	vsel vm7, s16, v12;
	s16 =	ssub.s32 s6, s9;
	[smem:$0x7F2] =	sst s11;
	s15 =	spop (v2sf)  }
0x57: {  	s18 =	sadd.s32 s31, s18;
	v14 =	vshrl.u32 v14, $0x4;
	s14 =	smulhi.u32 $0x92492493, s15;
	s25 =	spop (v2sf)  }
0x58: {  	v11 =	vperm.xlane v11, v4;
	s1 =	smov.u32 s0;
	v15 =	vmul.u32 $0xFFFFFFCF, v14;
	s7 =	spop (v2sf);
	s30 =	smulhi.u32 $0x92492493, s25  }
0x59: {  	v16 =	vmov s13;
	v17 =	vsub.s32 $0x0, v13;
	v12 =	vperm.xlane v12, v5;
	s11 =	sshra.s32 s15, $0x1F;
	s28 =	sshra.s32 s25, $0x1F;
	s29 =	smulhi.u32 $0x92492493, s7  }
0x5a: {  	vm9 =	veq.s32 v16, v2;
	[smem:$0x7EF] =	sst s1;
	s12 =	sshra.s32 s7, $0x1F;
	vm10 =	vne.s32 v15, v17;
	s28 =	smul.u32 $0x92492493, s28  }
0x5b: {  	v11 =	vsel vm8, v12, v11;
	s23 =	spop (v2sf);
	vm9 =	vmand vm9, vm10;
	s21 =	ssub.s32 s30, s25;
	s30 =	smul.u32 $0x92492493, s11  }
0x5c: {  	s9 =	sshra.s32 s9, $0x1F;
	v11 =	vadd.s32 v7, v11;
	s0 =	spop (v2sf);
	s12 =	smul.u32 $0x92492493, s12;
	v12 =	vsel vm9, $0xFFFFFFFF, v3  }
0x5d: {  	v15 =	vshrl.u32 v11, $0x1F;
	v11 =	vshra.s32 v11, $0x2;
	s25 =	sshra.s32 s5, $0x1F;
	s19 =	spop (v2sf);
	s6 =	smulhi.u32 $0x92492493, s0;
	v12 =	vadd.s32 v12, v14  }
0x5e: {  	v11 =	vadd.s32 v15, v11;
	s22 =	ssub.s32 s29, s7;
	s7 =	smulhi.u32 $0x92492493, s23;
	s3 =	spop (v2sf);
	v14 =	vmul.u32 $0xFFFFFFCF, v12  }
0x5f: {  	s4 =	sshra.s32 s0, $0x1F;
	v15 =	vmul.u32 $0xFFFFFFF9, v11;
	s8 =	smulhi.u32 $0x92492493, s19;
	s17 =	spop (v2sf)  }
0x60: {  	v63 =	vsub.s32 $0x0, v7;
	s4 =	smul.u32 $0x92492493, s4;
	s31 =	sshra.s32 s19, $0x1F;
	s26 =	spop (v2sf);
	v13 =	vadd.s32 v13, v14  }
0x61: {  	vm9 =	vlt.s32 v7, $0x1;
	s2 =	smulhi.u32 $0x92492493, s3;
	s5 =	sshra.s32 s3, $0x1F;
	vm10 =	vne.s32 v15, v63;
	s1 =	spop (v2sf);
	(v2sf) =	vpush v13, $0x7  }
0x62: {  	s0 =	ssub.s32 s6, s0;
	s6 =	ssub.s32 s7, s23;
	s7 =	smul.u32 $0x92492493, s25;
	vm9 =	vmand vm9, vm10;
	(v2sf) =	vpush v13, $0xF  }
0x63: {  	v12 =	vmul.u32 $0x7, v12;
	s23 =	sshra.s32 s23, $0x1F;
	s0 =	sadd.s32 s4, s0;
	s5 =	smul.u32 $0x92492493, s5;
	v14 =	vsel vm9, $0xFFFFFFFF, v3  }
0x64: {  	s3 =	ssub.s32 s2, s3;
	s29 =	sshra.s32 s26, $0x1F;
	s25 =	smulhi.u32 $0x92492493, s26;
	v11 =	vadd.s32 v14, v11;
	(v2sf) =	vpush v13, $0x6  }
0x65: {  	v12 =	vadd.s32 v0, v12;
	s11 =	sshra.s32 s1, $0x1F;
	s13 =	smulhi.u32 $0x92492493, s1;
	s3 =	sadd.s32 s5, s3;
	v14 =	vmul.u32 $0xFFFFFFF9, v11  }
0x66: {  	vm10 =	vlt.s32 v12, v1;
	s5 =	smul.u32 $0x92492493, s9;
	s4 =	ssub.s32 s25, s26;
	s26 =	sld [smem:$0x7F7];
	(v2sf) =	vpush v13, $0x5  }
0x67: {  	s19 =	ssub.s32 s8, s19;
	s2 =	sshra.s32 s17, $0x1F;
	v12 =	vsel vm10, v12, v1;
	s11 =	smul.u32 $0x92492493, s11;
	v14 =	vadd.s32 v7, v14;
	(v2sf) =	vpush v13, $0xB  }
0x68: {  	s2 =	smul.u32 $0x92492493, s2;
	s25 =	sadd.s32 $0x10, s24;
	vm9 =	vlt.s32 v12, $0x27FB;
	s1 =	ssub.s32 s13, s1;
	v7 =	vmovc v8;
	v8 =	vmovc v13;
	(v2sf) =	vpush v13, $0xA;
	v13 =	vmul.u32 $0x2802, v14  }
0x69: {  	v11 =	vadd.s32 v10, v11;
	s13 =	smul.u32 $0x92492493, s23;
	v12 =	vnsel vm9, $0x27FB, v12;
	s1 =	sadd.s32 s11, s1;
	s9 =	ssub.s32 s26, s10  }
0x6a: {  	v10 =	vmovc v9;
	s23 =	smul.u32 $0x92492493, s31;
	v9 =	vmov v12;
	v12 =	vmov s1;
	s11 =	sadd.s32 s7, s9;
	s9 =	sld [smem:$0x7EF];
	v11 =	vadd.s32 v13, v11  }
0x6b: {  	s24 =	ssub.s32 s14, s15;
	s15 =	sadd.s32 s12, s22;
	s22 =	sld [smem:$0x7F1];
	v12 =	vsel vm0, s0, v12;
	vm9 =	vlt.s32 v11, $0x1180D  }
0x6c: {  	s31 =	smulhi.u32 $0x92492493, s17;
	s8 =	sadd.s32 s30, s24;
	s0 =	sadd.s32 s23, s19;
	v12 =	vsel vm1, s3, v12;
	v11 =	vnsel vm9, $0x1180D, v11  }
0x6d: {  	s24 =	sld [smem:$0x7F5];
	s6 =	sadd.s32 s13, s6;
	s13 =	sadd.s32 s28, s21;
	[tilespmem:s9+$0x0] =	vst v11;
	v11 =	vsel vm2, s20, v12;
	v12 =	vmov s0  }
0x6e: {  	s21 =	sld [smem:$0x7F0];
	s19 =	ssub.s32 s31, s17;
	s20 =	sadd.s32 s5, s16;
	v12 =	vsel vm0, s15, v12  }
0x6f: {  	s10 =	smul.u32 $0x92492493, s29;
	s29 =	sld [smem:$0x7F8];
	(v2sf) =	vpush v8, $0x4;
	s0 =	sadd.s32 s2, s19;
	v12 =	vsel vm1, s20, v12  }
0x70: {  	s23 =	sld [smem:$0x7F6];
	(v2sf) =	vpush v8, $0x3;
	v13 =	vmov s0;
	v12 =	vsel vm2, s18, v12;
	s26 =	spop (v2sf)  }
0x71: {  	s1 =	sadd.s32 s10, s4;
	(v2sf) =	vpush v8, $0x9;
	v11 =	vcombine.low v12, v11;
	v12 =	vnsel vm3, $0x0, v13;
	s28 =	smulhi.u32 $0x92492493, s26;
	s14 =	spop (v2sf)  }
0x72: {  	(v2sf) =	vpush v8, $0x2;
	v12 =	vsel vm0, s1, v12;
	[smem:$0x7F6] =	sst s26;
	s30 =	sshra.s32 s26, $0x1F;
	s15 =	smulhi.u32 $0x92492493, s14  }
0x73: {  	s12 =	sadd.s32 s22, s21;
	(v2sf) =	vpush v8, $0xD;
	v12 =	vsel vm1, s6, v12;
	s5 =	spop (v2sf);
	s0 =	smul.u32 $0x92492493, s30  }
.Ltmp0:
0x74: {  	s2 =	ssub.s32 s24, s23;
	(v2sf) =	vpush v8, $0x8;
	v12 =	vsel vm2, s13, v12;
	s13 =	sld [smem:$0x7F2];
	(pc) =	sbr.rel @p0 .LBB2_2-.Ltmp0, $4  }
0x75: {  	s16 =	sadd.s32 s29, s2;
	(v2sf) =	vpush v8, $0xE;
	[smem:$0x7F5] =	sst s28;
	s31 =	smulhi.u32 $0x92492493, s5  }
0x76: {  	(v2sf) =	vpush v8, $0x0;
	s20 =	sshra.s32 s14, $0x1F;
	s19 =	spop (v2sf);
	[smem:$0x7F8] =	sst s0  }
0x77: {  	(v2sf) =	vpush v8, $0x1;
	s23 =	sshra.s32 s19, $0x1F;
	s18 =	spop (v2sf);
	s22 =	smulhi.u32 $0x92492493, s19  }
0x78: {  	(v2sf) =	vpush v8, $0xC;
	[smem:$0x7F7] =	sst s31;
	s17 =	sshra.s32 s18, $0x1F;
	s9 =	spop (v2sf)  }
0x79: {  	_ =	sdelay $0x3  }
0x7a: {  	s0 =	smul.u32 $0x92492493, s23  }
0x7b: {  	s7 =	spop (v2sf)  }
0x7c: {  	[smem:$0x7EE] =	sst s0;
	s21 =	spop (v2sf);
	s26 =	sshra.s32 s7, $0x1F  }
0x7d: {  	s1 =	spop (v2sf);
	s0 =	smul.u32 $0x92492493, s26  }
0x7e: {  	s10 =	smul.u32 $0x92492493, s20;
	s3 =	sshra.s32 s1, $0x1F  }
0x7f: {  	[smem:$0x7ED] =	sst s0;
	s0 =	smul.u32 $0x92492493, s3  }
0x80: {  	s31 =	smov.u32 s5;
	s2 =	spop (v2sf);
	s3 =	smulhi.u32 $0x92492493, s1  }
0x81: {  	s19 =	ssub.s32 s22, s19;
	s30 =	sshra.s32 s2, $0x1F;
	s22 =	smulhi.u32 $0x92492493, s2  }
0x82: {  	s15 =	ssub.s32 s15, s14;
	s4 =	spop (v2sf);
	s30 =	smul.u32 $0x92492493, s30  }
0x83: {  	s5 =	spop (v2sf);
	s24 =	sshra.s32 s4, $0x1F;
	s14 =	smulhi.u32 $0x92492493, s4  }
0x84: {  	s6 =	spop (v2sf);
	s23 =	smul.u32 $0x92492493, s24  }
0x85: {  	[smem:$0x7EC] =	sst s0;
	s13 =	sshra.s32 s5, $0x1F;
	s0 =	smulhi.u32 $0x92492493, s18  }
0x86: {  	s28 =	sshra.s32 s6, $0x1F;
	s13 =	smul.u32 $0x92492493, s13  }
0x87: {  	s10 =	sadd.s32 s10, s15;
	s20 =	spop (v2sf);
	s28 =	smul.u32 $0x92492493, s28  }
0x88: {  	s24 =	spop (v2sf);
	s0 =	ssub.s32 s0, s18;
	s18 =	smulhi.u32 $0x92492493, s6  }
0x89: {  	s2 =	ssub.s32 s22, s2;
	s26 =	spop (v2sf);
	s22 =	smulhi.u32 $0x92492493, s24  }
0x8a: {  	s1 =	ssub.s32 s3, s1;
	s29 =	sshra.s32 s26, $0x1F;
	s15 =	smulhi.u32 $0x92492493, s26  }
0x8b: {  	v12 =	vsel vm4, s8, v12;
	s6 =	ssub.s32 s18, s6;
	s18 =	sshra.s32 s24, $0x1F;
	s29 =	smul.u32 $0x92492493, s29  }
0x8c: {  	v12 =	vsel vm5, s12, v12;
	s4 =	ssub.s32 s14, s4;
	s3 =	smul.u32 $0x92492493, s18;
	s6 =	sadd.s32 s28, s6  }
0x8d: {  	v12 =	vsel vm6, s11, v12;
	s28 =	sshra.s32 s20, $0x1F;
	s14 =	ssub.s32 s15, s26;
	s26 =	smulhi.u32 $0x92492493, s5  }
0x8e: {  	v12 =	vsel vm7, s16, v12;
	s16 =	sld [smem:$0x7ED];
	s2 =	sadd.s32 s30, s2;
	s30 =	smul.u32 $0x92492493, s28  }
0x8f: {  	s4 =	sadd.s32 s23, s4;
	s15 =	ssub.s32 s22, s24;
	s22 =	smulhi.u32 $0x92492493, s9  }
0x90: {  	s24 =	sshra.s32 s21, $0x1F;
	s14 =	sadd.s32 s29, s14;
	s29 =	smulhi.u32 $0x92492493, s20  }
0x91: {  	s18 =	sld [smem:$0x7EE];
	s28 =	sshra.s32 s9, $0x1F;
	s11 =	smul.u32 $0x92492493, s24  }
0x92: {  	s5 =	ssub.s32 s26, s5;
	s26 =	smulhi.u32 $0x92492493, s7;
	s12 =	ssub.s32 s22, s9  }
0x93: {  	s9 =	smul.u32 $0x92492493, s28;
	s5 =	sadd.s32 s13, s5;
	s13 =	ssub.s32 s29, s20  }
0x94: {  	s3 =	sadd.s32 s3, s15;
	v14 =	vmov s14;
	s14 =	smul.u32 $0x92492493, s17;
	s8 =	sadd.s32 s30, s13  }
0x95: {  	s15 =	sshra.s32 s31, $0x1F;
	s20 =	smulhi.u32 $0x92492493, s21;
	s30 =	sld [smem:$0x7EC];
	v13 =	vmov s8  }
0x96: {  	v11 =	vperm.xlane v11, v4;
	s17 =	sld [smem:$0x7F7];
	s29 =	ssub.s32 s26, s7;
	v15 =	vmov s5;
	s5 =	sadd.s32 s18, s19;
	v13 =	vnsel vm3, $0x0, v13  }
0x97: {  	v12 =	vperm.xlane v12, v5;
	v14 =	vsel vm0, s4, v14;
	s19 =	sld [smem:$0x7F6];
	s23 =	ssub.s32 s20, s21;
	s4 =	sadd.s32 s16, s29;
	v13 =	vsel vm0, s3, v13  }
0x98: {  	s20 =	sld [smem:$0x7F5];
	s13 =	sadd.s32 s11, s23;
	s1 =	sadd.s32 s30, s1;
	v13 =	vsel vm1, s2, v13  }
0x99: {  	v11 =	vsel vm8, v12, v11;
	s21 =	sld [smem:$0x7F8];
	s3 =	sadd.s32 s9, s12;
	v15 =	vsel vm0, s1, v15;
	s2 =	smul.u32 $0x92492493, s15;
	v13 =	vsel vm2, s13, v13  }
0x9a: {  	v14 =	vsel vm1, s6, v14;
	s0 =	sadd.s32 s14, s0;
	s1 =	ssub.s32 s17, s31;
	v15 =	vsel vm1, s3, v15;
	v13 =	vsel vm4, s4, v13  }
0x9b: {  	v14 =	vsel vm2, s10, v14;
	s1 =	sadd.s32 s2, s1;
	s2 =	ssub.s32 s20, s19;
	v15 =	vsel vm2, s0, v15;
	v13 =	vsel vm5, s5, v13  }
0x9c: {  	v11 =	vadd.s32 v7, v11;
	s0 =	sadd.s32 s21, s2;
	v12 =	vsel vm6, s1, v13;
	v13 =	vcombine.low v15, v14  }
0x9d: {  	v14 =	vshrl.u32 v11, $0x1F;
	v11 =	vshra.s32 v11, $0x2;
	v12 =	vsel vm7, s0, v12  }
0x9e: {  	v11 =	vadd.s32 v14, v11;
	v13 =	vperm.xlane v13, v4;
	v12 =	vperm.xlane v12, v5  }
0x9f: {  	v14 =	vmul.u32 $0xFFFFFFF9, v11  }
0xa0: {  	v15 =	vsub.s32 $0x0, v7;
	v12 =	vsel vm8, v12, v13  }
0xa1: {  	vm9 =	vlt.s32 v7, $0x1;
	vm10 =	vne.s32 v14, v15;
	v12 =	vadd.s32 v8, v12  }
0xa2: {  	vm9 =	vmand vm9, vm10;
	v13 =	vshrl.u32 v12, $0x1F;
	v12 =	vshra.s32 v12, $0x2  }
0xa3: {  	v14 =	vsel vm9, $0xFFFFFFFF, v3;
	v12 =	vadd.s32 v13, v12  }
0xa4: {  	v11 =	vadd.s32 v14, v11;
	v13 =	vmul.u32 $0xFFFFFFF9, v12  }
0xa5: {  	v15 =	vsub.s32 $0x0, v8;
	v14 =	vmul.u32 $0xFFFFFFF9, v11  }
0xa6: {  	vm9 =	vlt.s32 v8, $0x1;
	vm10 =	vne.s32 v13, v15  }
0xa7: {  	v7 =	vadd.s32 v7, v14;
	vm9 =	vmand vm9, vm10  }
0xa8: {  	s22 =	simm.s32 $0x0;
	v7 =	vmul.u32 $0x2802, v7;
	v13 =	vsel vm9, $0xFFFFFFFF, v3  }
0xa9: {  	v10 =	vadd.s32 v10, v11;
	v14 =	vor.u32 s22, v2;
	v11 =	vadd.s32 v13, v12  }
0xaa: {  	v12 =	vmulhi.u32 $0x5397829D, v14;
	v7 =	vadd.s32 v7, v10;
	v10 =	vmul.u32 $0xFFFFFFF9, v11;
	_ =	sdelay $0x1  }
0xab: {  	vm9 =	vlt.s32 v7, $0x1180D;
	v12 =	vshrl.u32 v12, $0x4;
	v8 =	vadd.s32 v8, v10  }
0xac: {  	v10 =	vmov s22;
	v13 =	vmul.u32 $0xFFFFFFCF, v12;
	v8 =	vmul.u32 $0x2802, v8  }
0xad: {  	s24 =	sld [smem:$0x7F4];
	v9 =	vadd.s32 v9, v11;
	v7 =	vnsel vm9, $0x1180D, v7;
	v15 =	vsub.s32 v6, v10  }
0xae: {  	vm9 =	veq.s32 v10, v2;
	vm10 =	vne.s32 v13, v15;
	v8 =	vadd.s32 v8, v9  }
0xaf: {  	vm9 =	vmand vm9, vm10;
	vm10 =	vlt.s32 v8, $0x1180D  }
0xb0: {  	[tilespmem:s24+$0x0] =	vst v7;
	v7 =	vnsel vm10, $0x1180D, v8  }
0xb1: {  	[tilespmem:s25+$0x0] =	vst v7;
	s25 =	sld [smem:$0x7F9]  }
0xb2: {  	s28 =	simm.s32 $0x1E100;
	s26 =	simm.s32 $0x8D0  }
0xb3: {  	s29 =	simm.s32 $0x5;
	s23 =	simm.s32 $0x10;
	s0 =	simm.s32 $0x1D800  }
0xb4: {  	v13 =	vor.u32 s23, v2;
	[tilespmem:s28], [sflag:$0x5] =	stream.indirect.gather [hbm4b:s25+s26], $0x1, s0, s26, $0xb8;
	[tilespmem:$0x1EA00] =	vst v63  }
0xb5: {  	v9 =	vmulhi.u32 $0x5397829D, v13;
	v10 =	vsel vm9, $0xFFFFFFFF, v3;
	_ =	swait.ge [sflag:s29], $0x8D0  }
0xb6: {  	v8 =	vadd.s32 v10, v12;
	[sflag:s29] =	ssyncset.done $0x0  }
0xb7: {  	vm9 =	vlt.u32 v14, $0x8CE;
	v10 =	vshrl.u32 v9, $0x4;
	v7 =	vmul.u32 $0xFFFFFFCF, v8;
	[sflag:s29] =	ssyncadd.s32 $0xFFFFF730  }
0xb8: {  	v9 =	vmov s23;
	vm9 =	vmmov vm9;
	v11 =	vmul.u32 $0xFFFFFFCF, v10;
	s31 =	rddreg [dreg:$0x1]  }
0xb9: {  	v8 =	vshll.u32 v8, $0x7;
	v12 =	vsub.s32 v6, v9;
	v7 =	vadd.s32 v14, v7;
	[tilespmem:s0], [sflag:$0x5] =	stream.indirect.gather [hbm4b:s31+s26], $0x1, s28, s26, $0xb8;
	[tilespmem:$0x1EA00] =	vst v63  }
0xba: {  	s30 =	simm.s32 $0x20;
	vm10 =	veq.s32 v9, v2;
	vm11 =	vne.s32 v11, v12;
	v9 =	vand.u32 $0xFFFFFF80, v7;
	_ =	swait.ge [sflag:s29], $0x8D0  }
0xbb: {  	v11 =	vand.u32 $0x7F, v7;
	v7 =	vor.u32 s30, v2;
	vm10 =	vmand vm10, vm11;
	[sflag:s29] =	ssyncset.done $0x0  }
0xbc: {  	v8 =	vadd.s32 v8, v9;
	v12 =	vmulhi.u32 $0x5397829D, v7;
	v14 =	vsel vm10, $0xFFFFFFFF, v3;
	[sflag:s29] =	ssyncadd.s32 $0xFFFFF730  }
0xbd: {  	v9 =	vor.u32 v11, v8;
	v10 =	vadd.s32 v14, v10;
	v11 =	vld [tilespmem:s0+$0x0]  }
0xbe: {  	vm10 =	vlt.u32 v13, $0x8CE;
	v8 =	vshrl.u32 v12, $0x4;
	v15 =	vmul.u32 $0xFFFFFFCF, v10  }
0xbf: {  	v14 =	vmov s30;
	v10 =	vshll.u32 v10, $0x7;
	v12 =	vmul.u32 $0xFFFFFFCF, v8  }
0xc0: {  	s3 =	simm.s32 $0x1C000;
	s1 =	simm.s32 $0x30;
	vm11 =	veq.s32 v14, v2;
	v14 =	vsub.s32 v6, v14;
	v13 =	vadd.s32 v13, v15  }
.LBB2_4:
0xc1: {  	p0 =	sne.s32 s1, $0x8C0;
	vm12 =	vne.s32 v12, v14  }
0xc2: {  	v12 =	vand.u32 $0xFFFFFF80, v13;
	v13 =	vand.u32 $0x7F, v13;
	[tilespmem:v9+s3+$0x0] =	vst.idx.msk vm9, v11;
	s0 =	sadd.s32 $0x10, s0;
	vm9 =	vmmov vm10;
	s2 =	smov.u32 s1;
	s1 =	sadd.s32 $0x10, s1  }
0xc3: {  	v15 =	vor.u32 s2, v2;
	vm10 =	vmand vm11, vm12;
	v9 =	vadd.s32 v10, v12  }
.Ltmp1:
0xc4: {  	v10 =	vmulhi.u32 $0x5397829D, v15;
	v12 =	vsel vm10, $0xFFFFFFFF, v3;
	v11 =	vld [tilespmem:s0+$0x0];
	v9 =	vor.u32 v13, v9;
	(pc) =	sbr.rel @p0 .LBB2_4-.Ltmp1, $4  }
0xc5: {  	v12 =	vadd.s32 v12, v8  }
0xc6: {  	v8 =	vshrl.u32 v10, $0x4;
	v13 =	vmul.u32 $0xFFFFFFCF, v12;
	v10 =	vshll.u32 v12, $0x7  }
0xc7: {  	v14 =	vmov s2;
	vm10 =	vlt.u32 v7, $0x8CE;
	v12 =	vmul.u32 $0xFFFFFFCF, v8  }
0xc8: {  	vm11 =	veq.s32 v14, v2;
	v14 =	vsub.s32 v6, v14;
	v13 =	vadd.s32 v7, v13;
	v7 =	vmovc v15  }
0xc9: {  	_ =	sdelay $0x2  }
0xca: {  	vm12 =	vne.s32 v12, v14  }
0xcb: {  	v60 =	vand.u32 $0xFFFFFF80, v13;
	v61 =	vand.u32 $0x7F, v13;
	vm11 =	vmand vm11, vm12  }
0xcc: {  	[tilespmem:v9+s3+$0x0] =	vst.idx.msk vm9, v11;
	s0 =	sadd.s32 $0x10, s0;
	vm9 =	vmmov vm10;
	v62 =	vadd.s32 v10, v60;
	v63 =	vsel vm11, $0xFFFFFFFF, v3  }
0xcd: {  	v11 =	vld [tilespmem:s0+$0x0];
	v9 =	vor.u32 v61, v62;
	v8 =	vadd.s32 v63, v8  }
0xce: {  	v10 =	vmul.u32 $0xFFFFFFCF, v8;
	_ =	sdelay $0x1  }
0xcf: {  	v10 =	vadd.s32 v7, v10  }
0xd0: {  	vm10 =	vlt.u32 v7, $0x8CE;
	v8 =	vshll.u32 v8, $0x7;
	v7 =	vand.u32 $0xFFFFFF80, v10  }
0xd1: {  	s0 =	sadd.s32 $0x10, s0;
	v10 =	vand.u32 $0x7F, v10;
	[tilespmem:v9+s3+$0x0] =	vst.idx.msk vm9, v11;
	v7 =	vadd.s32 v8, v7  }
0xd2: {  	v8 =	vld [tilespmem:s0+$0x0];
	v7 =	vor.u32 v10, v7;
	_ =	sdelay $0x4  }
0xd3: {  	s2 =	simm.s32 $0x0;
	s29 =	rddreg [dreg:$0x0];
	s1 =	simm.s32 $0x31;
	[tilespmem:v7+s3+$0x0] =	vst.idx.msk vm10, v8  }
0xd4: {  	[tilespmem:s2], [sflag:$0x1] =	stream.indirect.gather [hbm4b:s29+s1], $0x400, s3, s1, $0xb8;
	[tilespmem:$0x1EA00] =	vst v63  }
0xd5: {  	s30 =	simm.s32 $0x1C080;
	s31 =	simm.s32 $0xC400  }
0xd6: {  	[tilespmem:s31], [sflag:$0x2] =	stream.indirect.gather [hbm4b:s29+s1], $0x400, s30, s1, $0xb8;
	[tilespmem:$0x1EA00] =	vst v63  }
0xd7: {  	vm9 =	vmmov vm10;
	s1 =	simm.s32 $0x0  }
.LBB2_6:
0xd8: {  	[smem:$0x7EA] =	sst s1;
	s0 =	simm.s32 $0x1  }
0xd9: {  	_ =	swait.ge [sflag:s0], $0xC400  }
0xda: {  	p1 =	seq.s32 s1, $0x0;
	[sflag:s0] =	ssyncset.done $0x0  }
0xdb: {  	s1 =	simm.s32 @!p1 $0x3;
	[sflag:s0] =	ssyncadd.s32 $0xFFFF3C00  }
0xdc: {  	s2 =	simm.s32 $0x0;
	_ =	swait.ge @!p1 [sflag:s1], $0x1C00  }
0xdd: {  	s17 =	sand.u32 $0x60, s2;
	[sflag:s1] =	ssyncset.done @!p1 $0x0  }
0xde: {  	s5 =	sand.u32 $0x7FFFFF80, s2;
	[sflag:s1] =	ssyncadd.s32 @!p1 $0xFFFFE400;
	s1 =	sor.u32 $0x10, s17  }
0xdf: {  	s4 =	sadd.s32 $0x400, s5;
	v7 =	vld [tilespmem:s2+$0x0];
	s9 =	sor.u32 s1, s5  }
0xe0: {  	s11 =	sadd.s32 $0x800, s5;
	s10 =	sor.u32 s1, s4;
	v8 =	vld [tilespmem:s9+$0x0]  }
0xe1: {  	s12 =	sadd.s32 $0xC00, s5;
	s2 =	sor.u32 s1, s11;
	v9 =	vld [tilespmem:s10+$0x0]  }
0xe2: {  	s13 =	sadd.s32 $0x1000, s5;
	s6 =	sor.u32 s1, s12;
	v10 =	vld [tilespmem:s2+$0x0]  }
0xe3: {  	s14 =	sadd.s32 $0x1400, s5;
	s15 =	sadd.s32 $0x1800, s5;
	s7 =	sor.u32 s1, s13;
	v11 =	vld [tilespmem:s6+$0x0]  }
0xe4: {  	s3 =	sor.u32 s1, s14;
	s16 =	sor.u32 s1, s15;
	v12 =	vld [tilespmem:s7+$0x0]  }
0xe5: {  	v13 =	vld [tilespmem:s3+$0x0];
	[smem:$0x7E4] =	sst s16  }
0xe6: {  	s8 =	sor.u32 s17, s4;
	v8 =	vmax.f32 v8, v9;
	v9 =	vld [tilespmem:s16+$0x0]  }
0xe7: {  	s23 =	sor.u32 s17, s13;
	s4 =	sor.u32 s17, s11;
	v14 =	vld [tilespmem:s8+$0x0];
	v8 =	vmax.f32 v8, v10  }
0xe8: {  	s24 =	sor.u32 s17, s14;
	s11 =	sor.u32 s17, s12;
	v10 =	vld [tilespmem:s4+$0x0];
	[smem:$0x7C1] =	sst s23;
	v8 =	vmax.f32 v8, v11  }
0xe9: {  	v11 =	vld [tilespmem:s11+$0x0];
	[smem:$0x7C8] =	sst s24;
	v8 =	vmax.f32 v8, v12  }
0xea: {  	s25 =	sor.u32 s17, s15;
	v12 =	vld [tilespmem:s23+$0x0];
	v8 =	vmax.f32 v8, v13  }
0xeb: {  	s26 =	sadd.s32 $0x1C00, s5;
	v13 =	vld [tilespmem:s24+$0x0];
	[dreg:$0x5] =	wrdreg s25;
	v8 =	vmax.f32 v8, v9  }
0xec: {  	s13 =	sadd.s32 $0x2000, s5;
	s16 =	sor.u32 s1, s26;
	v9 =	vld [tilespmem:s25+$0x0];
	[tilespmem:s9+$0x18800] =	vst v8  }
0xed: {  	s14 =	sadd.s32 $0x2400, s5;
	s18 =	sor.u32 s1, s13;
	v8 =	vld [tilespmem:s16+$0x0]  }
0xee: {  	s15 =	sadd.s32 $0x2800, s5;
	s19 =	sor.u32 s1, s14;
	v15 =	vld [tilespmem:s18+$0x0]  }
0xef: {  	s20 =	sor.u32 s1, s15;
	s16 =	sadd.s32 $0x2C00, s5;
	v16 =	vld [tilespmem:s19+$0x0]  }
0xf0: {  	s0 =	sadd.s32 $0x3000, s5;
	v17 =	vld [tilespmem:s20+$0x0];
	s21 =	sor.u32 s1, s16  }
0xf1: {  	s22 =	sor.u32 s1, s0;
	s19 =	sadd.s32 $0x3400, s5;
	v18 =	vld [tilespmem:s21+$0x0]  }
0xf2: {  	v7 =	vmax.f32 v7, v14;
	v14 =	vld [tilespmem:s22+$0x0];
	s23 =	sor.u32 s1, s19  }
0xf3: {  	v7 =	vmax.f32 v7, v10;
	v10 =	vld [tilespmem:s23+$0x0];
	v8 =	vmax.f32 v8, v15  }
0xf4: {  	v7 =	vmax.f32 v7, v11;
	v8 =	vmax.f32 v8, v16  }
0xf5: {  	v7 =	vmax.f32 v7, v12;
	v8 =	vmax.f32 v8, v17  }
0xf6: {  	v7 =	vmax.f32 v7, v13;
	v8 =	vmax.f32 v8, v18  }
0xf7: {  	s24 =	simm.s32 $0x18800;
	v7 =	vmax.f32 v7, v9;
	v8 =	vmax.f32 v8, v14  }
0xf8: {  	s12 =	sor.u32 s17, s26;
	s9 =	sadd.s32 $0x3800, s5;
	[tilespmem:s24+$0x0] =	vst v7;
	v7 =	vmax.f32 v8, v10  }
0xf9: {  	s18 =	sadd.s32 $0x3C00, s5;
	s25 =	sor.u32 s1, s9;
	v8 =	vld [tilespmem:s12+$0x0];
	[tilespmem:s10+$0x18800] =	vst v7  }
0xfa: {  	s20 =	sadd.s32 $0x4000, s5;
	s26 =	sor.u32 s1, s18;
	v7 =	vld [tilespmem:s25+$0x0]  }
0xfb: {  	s21 =	sadd.s32 $0x4400, s5;
	s12 =	sor.u32 s1, s20;
	v9 =	vld [tilespmem:s26+$0x0]  }
0xfc: {  	s22 =	sadd.s32 $0x4800, s5;
	s23 =	sor.u32 s1, s21;
	v10 =	vld [tilespmem:s12+$0x0]  }
0xfd: {  	s24 =	sor.u32 s1, s22;
	v11 =	vld [tilespmem:s23+$0x0];
	s23 =	sadd.s32 $0x4C00, s5  }
0xfe: {  	v12 =	vld [tilespmem:s24+$0x0];
	s26 =	sadd.s32 $0x5000, s5;
	s25 =	sor.u32 s1, s23  }
0xff: {  	s12 =	sor.u32 s1, s26;
	v13 =	vld [tilespmem:s25+$0x0]  }
0x100: {  	s13 =	sor.u32 s17, s13;
	v14 =	vld [tilespmem:s12+$0x0];
	v7 =	vmax.f32 v7, v9  }
0x101: {  	s24 =	sor.u32 s17, s14;
	v9 =	vld [tilespmem:s13+$0x0];
	v7 =	vmax.f32 v7, v10  }
0x102: {  	s25 =	sor.u32 s17, s15;
	v10 =	vld [tilespmem:s24+$0x0];
	v7 =	vmax.f32 v7, v11  }
0x103: {  	s13 =	sor.u32 s17, s16;
	v11 =	vld [tilespmem:s25+$0x0];
	v7 =	vmax.f32 v7, v12  }
0x104: {  	s14 =	sor.u32 s17, s0;
	v12 =	vld [tilespmem:s13+$0x0];
	v7 =	vmax.f32 v7, v13  }
0x105: {  	s10 =	sadd.s32 $0x5400, s5;
	s15 =	sor.u32 s17, s19;
	v13 =	vld [tilespmem:s14+$0x0];
	v7 =	vmax.f32 v7, v14  }
0x106: {  	s12 =	sadd.s32 $0x5800, s5;
	s16 =	sor.u32 s1, s10;
	v14 =	vld [tilespmem:s15+$0x0];
	[tilespmem:s2+$0x18800] =	vst v7  }
0x107: {  	s19 =	sor.u32 s1, s12;
	s2 =	sadd.s32 $0x5C00, s5;
	v7 =	vld [tilespmem:s16+$0x0]  }
0x108: {  	s16 =	sadd.s32 $0x6000, s5;
	v15 =	vld [tilespmem:s19+$0x0];
	s24 =	sor.u32 s1, s2  }
0x109: {  	s0 =	sadd.s32 $0x6400, s5;
	v38 =	vld [tilespmem:s24+$0x0];
	s25 =	sor.u32 s1, s16  }
0x10a: {  	s14 =	sor.u32 s1, s0;
	s19 =	sadd.s32 $0x6800, s5;
	v39 =	vld [tilespmem:s25+$0x0]  }
0x10b: {  	v40 =	vld [tilespmem:s14+$0x0];
	s14 =	sadd.s32 $0x6C00, s5;
	s15 =	sor.u32 s1, s19  }
0x10c: {  	v8 =	vmax.f32 v8, v9;
	s24 =	sor.u32 s1, s14;
	v19 =	vld [tilespmem:s15+$0x0]  }
0x10d: {  	v8 =	vmax.f32 v8, v10;
	v9 =	vld [tilespmem:s24+$0x0];
	v7 =	vmax.f32 v7, v15  }
0x10e: {  	v8 =	vmax.f32 v8, v11;
	v7 =	vmax.f32 v7, v38  }
0x10f: {  	v8 =	vmax.f32 v8, v12;
	v7 =	vmax.f32 v7, v39  }
0x110: {  	v8 =	vmax.f32 v8, v13;
	v7 =	vmax.f32 v7, v40  }
0x111: {  	v8 =	vmax.f32 v8, v14;
	v7 =	vmax.f32 v7, v19  }
0x112: {  	s9 =	sor.u32 s17, s9;
	[tilespmem:s8+$0x18800] =	vst v8;
	s8 =	sadd.s32 $0x7000, s5;
	v7 =	vmax.f32 v7, v9  }
0x113: {  	s15 =	sadd.s32 $0x7400, s5;
	v8 =	vld [tilespmem:s9+$0x0];
	s25 =	sor.u32 s1, s8;
	[tilespmem:s6+$0x18800] =	vst v7  }
0x114: {  	s9 =	sor.u32 s1, s15;
	v7 =	vld [tilespmem:s25+$0x0];
	s25 =	sadd.s32 $0x7800, s5  }
0x115: {  	s24 =	sadd.s32 $0x7C00, s5;
	v9 =	vld [tilespmem:s9+$0x0];
	s13 =	sor.u32 s1, s25  }
0x116: {  	s9 =	sor.u32 s1, s24;
	v10 =	vld [tilespmem:s13+$0x0];
	s13 =	sadd.s32 $0x8000, s5  }
0x117: {  	v11 =	vld [tilespmem:s9+$0x0];
	s9 =	sadd.s32 $0x8400, s5;
	s6 =	sor.u32 s1, s13  }
0x118: {  	s31 =	sadd.s32 $0x8800, s5;
	v12 =	vld [tilespmem:s6+$0x0];
	s6 =	sor.u32 s1, s9  }
0x119: {  	v13 =	vld [tilespmem:s6+$0x0];
	s6 =	sor.u32 s1, s31  }
0x11a: {  	s18 =	sor.u32 s17, s18;
	v7 =	vmax.f32 v7, v9;
	v14 =	vld [tilespmem:s6+$0x0]  }
0x11b: {  	s20 =	sor.u32 s17, s20;
	v9 =	vld [tilespmem:s18+$0x0];
	v7 =	vmax.f32 v7, v10  }
0x11c: {  	s21 =	sor.u32 s17, s21;
	v10 =	vld [tilespmem:s20+$0x0];
	v7 =	vmax.f32 v7, v11  }
0x11d: {  	s22 =	sor.u32 s17, s22;
	v11 =	vld [tilespmem:s21+$0x0];
	v7 =	vmax.f32 v7, v12  }
0x11e: {  	s18 =	sor.u32 s17, s23;
	s21 =	sadd.s32 $0x8C00, s5;
	v12 =	vld [tilespmem:s22+$0x0];
	v7 =	vmax.f32 v7, v13  }
0x11f: {  	v13 =	vld [tilespmem:s18+$0x0];
	[smem:$0x7C2] =	sst s21;
	v7 =	vmax.f32 v7, v14  }
0x120: {  	s20 =	sor.u32 s17, s26;
	s22 =	sadd.s32 $0x9000, s5;
	[tilespmem:s7+$0x18800] =	vst v7  }
0x121: {  	s26 =	sadd.s32 $0x9400, s5;
	s23 =	sor.u32 s1, s21;
	v14 =	vld [tilespmem:s20+$0x0];
	[smem:$0x7C3] =	sst s22  }
0x122: {  	v8 =	vmax.f32 v8, v9;
	s21 =	sadd.s32 $0x9800, s5;
	s20 =	sor.u32 s1, s22;
	v7 =	vld [tilespmem:s23+$0x0];
	[smem:$0x7C4] =	sst s26  }
0x123: {  	v8 =	vmax.f32 v8, v10;
	s22 =	sor.u32 s1, s26;
	v9 =	vld [tilespmem:s20+$0x0];
	[smem:$0x7C5] =	sst s21  }
0x124: {  	s30 =	sadd.s32 $0x9C00, s5;
	v8 =	vmax.f32 v8, v11;
	s23 =	sor.u32 s1, s21;
	s26 =	sadd.s32 $0xA000, s5;
	v10 =	vld [tilespmem:s22+$0x0]  }
0x125: {  	s18 =	sor.u32 s1, s30;
	v8 =	vmax.f32 v8, v12;
	s20 =	sadd.s32 $0xA400, s5;
	v11 =	vld [tilespmem:s23+$0x0];
	[smem:$0x7C6] =	sst s26  }
0x126: {  	v8 =	vmax.f32 v8, v13;
	s21 =	sor.u32 s1, s26;
	v12 =	vld [tilespmem:s18+$0x0];
	[smem:$0x7C7] =	sst s20  }
0x127: {  	v8 =	vmax.f32 v8, v14;
	s22 =	sor.u32 s1, s20;
	v13 =	vld [tilespmem:s21+$0x0]  }
0x128: {  	s23 =	sor.u32 s17, s10;
	[tilespmem:s4+$0x18800] =	vst v8;
	v8 =	vld [tilespmem:s22+$0x0]  }
0x129: {  	s26 =	sor.u32 s17, s12;
	v14 =	vld [tilespmem:s23+$0x0];
	v7 =	vmax.f32 v7, v9  }
0x12a: {  	s6 =	sor.u32 s17, s0;
	v15 =	vld [tilespmem:s26+$0x0];
	v7 =	vmax.f32 v7, v10  }
0x12b: {  	s2 =	sor.u32 s17, s2;
	v41 =	vld [tilespmem:s6+$0x0];
	v7 =	vmax.f32 v7, v11  }
0x12c: {  	s10 =	sadd.s32 $0xA800, s5;
	s4 =	sor.u32 s17, s16;
	v11 =	vld [tilespmem:s2+$0x0];
	v7 =	vmax.f32 v7, v12  }
0x12d: {  	s7 =	sor.u32 s17, s19;
	s12 =	sadd.s32 $0xAC00, s5;
	v12 =	vld [tilespmem:s4+$0x0];
	[smem:$0x7C9] =	sst s10;
	v7 =	vmax.f32 v7, v13  }
0x12e: {  	v42 =	vld [tilespmem:s7+$0x0];
	[smem:$0x7CA] =	sst s12;
	v7 =	vmax.f32 v7, v8  }
0x12f: {  	s18 =	sadd.s32 $0xB000, s5;
	s16 =	sor.u32 s1, s10;
	[tilespmem:s3+$0x18800] =	vst v7  }
0x130: {  	s19 =	sor.u32 s1, s12;
	s20 =	sadd.s32 $0xB400, s5;
	v8 =	vld [tilespmem:s16+$0x0];
	[smem:$0x7CB] =	sst s18  }
0x131: {  	s21 =	sor.u32 s1, s18;
	s4 =	simm.s32 $0x20;
	v10 =	vld [tilespmem:s19+$0x0];
	[smem:$0x7CC] =	sst s20  }
0x132: {  	s22 =	sor.u32 s1, s20;
	s10 =	sand.u32 $0x60, s4;
	v9 =	vld [tilespmem:s21+$0x0]  }
0x133: {  	s23 =	sor.u32 s17, s14;
	s14 =	sand.u32 $0x7FFFFF80, s4;
	s3 =	sor.u32 $0x10, s10;
	v7 =	vld [tilespmem:s22+$0x0]  }
0x134: {  	s6 =	sadd.s32 $0x1400, s14;
	s7 =	sor.u32 s3, s14;
	v43 =	vld [tilespmem:s23+$0x0]  }
0x135: {  	v14 =	vmax.f32 v14, v15;
	s28 =	sor.u32 s3, s6;
	s20 =	sadd.s32 $0x400, s14;
	v13 =	vld [tilespmem:s7+$0x0]  }
0x136: {  	v11 =	vmax.f32 v14, v11;
	s19 =	sadd.s32 $0xC00, s14;
	s12 =	sor.u32 s3, s20;
	v14 =	vld [tilespmem:s28+$0x0]  }
0x137: {  	s2 =	sadd.s32 $0x1000, s14;
	s21 =	sor.u32 s3, s19;
	v44 =	vld [tilespmem:s12+$0x0]  }
0x138: {  	s23 =	sadd.s32 $0x800, s14;
	s22 =	sor.u32 s3, s2;
	v21 =	vld [tilespmem:s21+$0x0]  }
0x139: {  	s0 =	sadd.s32 $0xB800, s5;
	s16 =	sadd.s32 $0x1800, s14;
	s18 =	sor.u32 s3, s23;
	v15 =	vld [tilespmem:s22+$0x0]  }
0x13a: {  	s26 =	sor.u32 s3, s16;
	v20 =	vld [tilespmem:s18+$0x0];
	[smem:$0x7D1] =	sst s0  }
0x13b: {  	[smem:$0x7E6] =	sst s26  }
0x13c: {  	v45 =	vld [tilespmem:s26+$0x0];
	s26 =	sadd.s32 $0xBC00, s5  }
0x13d: {  	s29 =	sor.u32 s1, s0;
	v11 =	vmax.f32 v11, v12;
	s0 =	sadd.s32 $0xC000, s5;
	[smem:$0x7D2] =	sst s26  }
0x13e: {  	v11 =	vmax.f32 v11, v41;
	s26 =	sor.u32 s1, s26;
	v12 =	vmax.f32 v13, v44;
	v13 =	vld [tilespmem:s29+$0x0];
	[smem:$0x7D3] =	sst s0  }
0x13f: {  	v17 =	vmax.f32 v11, v42;
	s1 =	sor.u32 s1, s0;
	v46 =	vmax.f32 v12, v20;
	v12 =	vld [tilespmem:s26+$0x0]  }
0x140: {  	v17 =	vmax.f32 v17, v43;
	v11 =	vld [tilespmem:s1+$0x0];
	v16 =	vmax.f32 v46, v21  }
0x141: {  	v47 =	vld [tilespmem:s4+$0x0];
	[tilespmem:s11+$0x18800] =	vst v17;
	s4 =	sor.u32 s17, s8;
	v15 =	vmax.f32 v16, v15  }
0x142: {  	s5 =	sor.u32 s17, s15;
	v15 =	vmax.f32 v15, v14;
	v14 =	vld [tilespmem:s4+$0x0]  }
0x143: {  	v48 =	vmax.f32 v15, v45;
	v15 =	vld [tilespmem:s5+$0x0];
	s5 =	sor.u32 s10, s20  }
0x144: {  	s15 =	sadd.s32 $0x1C00, s14;
	s20 =	sor.u32 s10, s23;
	v22 =	vld [tilespmem:s5+$0x0]  }
0x145: {  	s1 =	sadd.s32 $0x2000, s14;
	s8 =	sor.u32 s3, s15;
	[tilespmem:s7+$0x18800] =	vst v48;
	v23 =	vld [tilespmem:s20+$0x0]  }
0x146: {  	s11 =	sor.u32 s3, s1;
	s4 =	sadd.s32 $0x2400, s14;
	v17 =	vld [tilespmem:s8+$0x0]  }
0x147: {  	s26 =	sor.u32 s3, s4;
	v49 =	vld [tilespmem:s11+$0x0];
	s8 =	sadd.s32 $0x2800, s14  }
0x148: {  	v50 =	vld [tilespmem:s26+$0x0];
	s11 =	sadd.s32 $0x2C00, s14;
	s0 =	sor.u32 s3, s8  }
0x149: {  	s26 =	sor.u32 s10, s19;
	s19 =	sor.u32 s10, s2;
	s7 =	sor.u32 s3, s11;
	v51 =	vld [tilespmem:s0+$0x0]  }
0x14a: {  	v52 =	vld [tilespmem:s7+$0x0];
	[smem:$0x7CD] =	sst s19  }
0x14b: {  	s6 =	sor.u32 s10, s6;
	v24 =	vld [tilespmem:s26+$0x0]  }
0x14c: {  	s23 =	sor.u32 s10, s16;
	v25 =	vld [tilespmem:s19+$0x0];
	[dreg:$0x7] =	wrdreg s6  }
0x14d: {  	s7 =	sadd.s32 $0x3000, s14;
	v26 =	vld [tilespmem:s6+$0x0];
	[dreg:$0x6] =	wrdreg s23  }
0x14e: {  	s19 =	sadd.s32 $0x3400, s14;
	s0 =	sor.u32 s3, s7;
	v16 =	vmax.f32 v47, v22;
	v53 =	vld [tilespmem:s23+$0x0]  }
0x14f: {  	s6 =	sor.u32 s3, s19;
	v27 =	vld [tilespmem:s0+$0x0];
	v16 =	vmax.f32 v16, v23  }
0x150: {  	s16 =	sor.u32 s17, s25;
	v54 =	vld [tilespmem:s6+$0x0];
	v17 =	vmax.f32 v17, v49;
	v16 =	vmax.f32 v16, v24  }
0x151: {  	s25 =	sor.u32 s17, s9;
	v55 =	vld [tilespmem:s16+$0x0];
	v17 =	vmax.f32 v17, v50;
	v16 =	vmax.f32 v16, v25  }
0x152: {  	s23 =	sor.u32 s17, s24;
	v58 =	vld [tilespmem:s25+$0x0];
	v17 =	vmax.f32 v17, v51;
	v16 =	vmax.f32 v16, v26  }
0x153: {  	s24 =	sor.u32 s17, s13;
	s0 =	simm.s32 $0x18820;
	v56 =	vld [tilespmem:s23+$0x0];
	v17 =	vmax.f32 v17, v52;
	v16 =	vmax.f32 v16, v53  }
0x154: {  	s9 =	sor.u32 s10, s15;
	v57 =	vld [tilespmem:s24+$0x0];
	v59 =	vmax.f32 v17, v27;
	[tilespmem:s0+$0x0] =	vst v16  }
0x155: {  	s1 =	sor.u32 s10, s1;
	s6 =	sadd.s32 $0x3C00, s14;
	v16 =	vmax.f32 v59, v54;
	v60 =	vld [tilespmem:s9+$0x0]  }
0x156: {  	s13 =	sor.u32 s3, s6;
	s9 =	sadd.s32 $0x3800, s14;
	v61 =	vld [tilespmem:s1+$0x0];
	[tilespmem:s12+$0x18800] =	vst v16  }
0x157: {  	s16 =	sadd.s32 $0x4000, s14;
	s12 =	sor.u32 s3, s9;
	v62 =	vld [tilespmem:s13+$0x0]  }
0x158: {  	s15 =	sor.u32 s3, s16;
	s1 =	sadd.s32 $0x4400, s14;
	v16 =	vld [tilespmem:s12+$0x0]  }
0x159: {  	v63 =	vld [tilespmem:s15+$0x0];
	s15 =	sadd.s32 $0x4800, s14;
	s23 =	sor.u32 s3, s1  }
0x15a: {  	s2 =	sadd.s32 $0x4C00, s14;
	v32 =	vld [tilespmem:s23+$0x0];
	s24 =	sor.u32 s3, s15  }
0x15b: {  	s25 =	sor.u32 s3, s2;
	v33 =	vld [tilespmem:s24+$0x0];
	s24 =	sadd.s32 $0x5000, s14  }
0x15c: {  	v34 =	vld [tilespmem:s25+$0x0];
	s0 =	sor.u32 s3, s24  }
0x15d: {  	s4 =	sor.u32 s10, s4;
	v28 =	vld [tilespmem:s0+$0x0];
	v16 =	vmax.f32 v16, v62  }
0x15e: {  	v35 =	vld [tilespmem:s4+$0x0];
	s13 =	sor.u32 s10, s11;
	v16 =	vmax.f32 v16, v63  }
0x15f: {  	s25 =	sor.u32 s10, s19;
	v37 =	vld [tilespmem:s13+$0x0];
	v16 =	vmax.f32 v16, v32  }
0x160: {  	s12 =	sor.u32 s10, s8;
	v39 =	vld [tilespmem:s25+$0x0];
	v16 =	vmax.f32 v16, v33  }
0x161: {  	s23 =	sor.u32 s10, s7;
	v36 =	vld [tilespmem:s12+$0x0];
	v16 =	vmax.f32 v16, v34  }
0x162: {  	s13 =	sadd.s32 $0x5400, s14;
	v38 =	vld [tilespmem:s23+$0x0];
	s0 =	sor.u32 s17, s31;
	v16 =	vmax.f32 v16, v28  }
0x163: {  	s25 =	sadd.s32 $0x5800, s14;
	s7 =	sor.u32 s3, s13;
	v40 =	vld [tilespmem:s0+$0x0];
	[tilespmem:s18+$0x18800] =	vst v16  }
0x164: {  	s8 =	sor.u32 s3, s25;
	s31 =	sadd.s32 $0x5C00, s14;
	v16 =	vld [tilespmem:s7+$0x0]  }
0x165: {  	s4 =	sadd.s32 $0x6000, s14;
	v17 =	vmax.f32 v60, v61;
	s11 =	sor.u32 s3, s31;
	v41 =	vld [tilespmem:s8+$0x0]  }
0x166: {  	s19 =	sadd.s32 $0x6400, s14;
	s12 =	sor.u32 s3, s4;
	v17 =	vmax.f32 v17, v35;
	v42 =	vld [tilespmem:s11+$0x0]  }
0x167: {  	v17 =	vmax.f32 v17, v36;
	s18 =	sor.u32 s3, s19;
	v43 =	vld [tilespmem:s12+$0x0];
	s12 =	sadd.s32 $0x6800, s14  }
0x168: {  	v17 =	vmax.f32 v17, v37;
	v44 =	vld [tilespmem:s18+$0x0];
	s7 =	sadd.s32 $0x6C00, s14;
	s23 =	sor.u32 s3, s12  }
0x169: {  	v17 =	vmax.f32 v17, v38;
	s0 =	sor.u32 s3, s7;
	v45 =	vld [tilespmem:s23+$0x0]  }
0x16a: {  	v17 =	vmax.f32 v17, v39;
	v46 =	vld [tilespmem:s0+$0x0];
	v16 =	vmax.f32 v16, v41  }
0x16b: {  	[tilespmem:s5+$0x18800] =	vst v17;
	s8 =	sor.u32 s10, s9;
	v16 =	vmax.f32 v16, v42  }
0x16c: {  	s9 =	sor.u32 s10, s6;
	v47 =	vld [tilespmem:s8+$0x0];
	v16 =	vmax.f32 v16, v43  }
0x16d: {  	s11 =	sor.u32 s10, s16;
	v29 =	vld [tilespmem:s9+$0x0];
	v16 =	vmax.f32 v16, v44  }
0x16e: {  	s16 =	sor.u32 s10, s15;
	v30 =	vld [tilespmem:s11+$0x0];
	v16 =	vmax.f32 v16, v45  }
0x16f: {  	v14 =	vmax.f32 v14, v15;
	s18 =	sor.u32 s10, s2;
	v48 =	vld [tilespmem:s16+$0x0];
	s11 =	sadd.s32 $0x7000, s14;
	v16 =	vmax.f32 v16, v46  }
0x170: {  	v14 =	vmax.f32 v14, v55;
	v49 =	vld [tilespmem:s18+$0x0];
	s9 =	sadd.s32 $0x7C00, s14;
	[tilespmem:s21+$0x18800] =	vst v16;
	s21 =	sor.u32 s3, s11  }
0x171: {  	v14 =	vmax.f32 v14, v56;
	s15 =	sadd.s32 $0x7400, s14;
	s2 =	sor.u32 s3, s9;
	v16 =	vld [tilespmem:s21+$0x0]  }
0x172: {  	v14 =	vmax.f32 v14, v57;
	s16 =	sadd.s32 $0x7800, s14;
	s23 =	sor.u32 s3, s15;
	v51 =	vld [tilespmem:s2+$0x0];
	s2 =	sld [smem:$0x7C1]  }
0x173: {  	v14 =	vmax.f32 v14, v58;
	s8 =	sadd.s32 $0x8000, s14;
	s0 =	sor.u32 s3, s16;
	v50 =	vld [tilespmem:s23+$0x0]  }
0x174: {  	v14 =	vmax.f32 v14, v40;
	s6 =	sadd.s32 $0x8400, s14;
	s5 =	sor.u32 s3, s8;
	v15 =	vld [tilespmem:s0+$0x0]  }
0x175: {  	s18 =	sor.u32 s3, s6;
	v52 =	vld [tilespmem:s5+$0x0];
	s23 =	sadd.s32 $0x8800, s14;
	[tilespmem:s2+$0x18800] =	vst v14  }
0x176: {  	v53 =	vld [tilespmem:s18+$0x0];
	s21 =	sor.u32 s3, s23;
	s0 =	sld [smem:$0x7C2]  }
0x177: {  	s24 =	sor.u32 s10, s24;
	v54 =	vld [tilespmem:s21+$0x0];
	s18 =	sld [smem:$0x7C3]  }
0x178: {  	s1 =	sor.u32 s10, s1;
	v14 =	vld [tilespmem:s24+$0x0];
	s24 =	sld [smem:$0x7C4];
	v16 =	vmax.f32 v16, v50  }
0x179: {  	v31 =	vld [tilespmem:s1+$0x0];
	s1 =	sld [smem:$0x7C5];
	v15 =	vmax.f32 v16, v15;
	s5 =	sor.u32 s17, s0  }
0x17a: {  	s21 =	sor.u32 s17, s18;
	v15 =	vmax.f32 v15, v51;
	v21 =	vld [tilespmem:s5+$0x0]  }
0x17b: {  	s0 =	sor.u32 s17, s24;
	v25 =	vld [tilespmem:s21+$0x0];
	v15 =	vmax.f32 v15, v52  }
0x17c: {  	s2 =	sor.u32 s17, s1;
	s18 =	sadd.s32 $0x8C00, s14;
	v23 =	vld [tilespmem:s0+$0x0];
	v15 =	vmax.f32 v15, v53  }
0x17d: {  	v22 =	vld [tilespmem:s2+$0x0];
	[smem:$0x7CE] =	sst s18;
	v15 =	vmax.f32 v15, v54  }
0x17e: {  	s5 =	sor.u32 s17, s30;
	s21 =	sadd.s32 $0x9000, s14;
	[tilespmem:s22+$0x18800] =	vst v15  }
0x17f: {  	v24 =	vld [tilespmem:s5+$0x0];
	s22 =	sor.u32 s3, s18;
	[smem:$0x7CF] =	sst s21  }
0x180: {  	v55 =	vmax.f32 v47, v29;
	s30 =	sadd.s32 $0x9400, s14;
	s24 =	sor.u32 s3, s21;
	v15 =	vld [tilespmem:s22+$0x0]  }
0x181: {  	s29 =	sadd.s32 $0x9800, s14;
	v16 =	vmax.f32 v55, v30;
	s0 =	sor.u32 s3, s30;
	v56 =	vld [tilespmem:s24+$0x0]  }
0x182: {  	v16 =	vmax.f32 v16, v31;
	s2 =	sor.u32 s3, s29;
	s5 =	sadd.s32 $0xA000, s14;
	v57 =	vld [tilespmem:s0+$0x0];
	s24 =	sadd.s32 $0x9C00, s14  }
0x183: {  	v16 =	vmax.f32 v16, v48;
	s21 =	sadd.s32 $0xA400, s14;
	v58 =	vld [tilespmem:s2+$0x0];
	[smem:$0x7D4] =	sst s5;
	s18 =	sor.u32 s3, s24  }
0x184: {  	v16 =	vmax.f32 v16, v49;
	s22 =	sor.u32 s3, s5;
	v59 =	vld [tilespmem:s18+$0x0];
	[smem:$0x7D5] =	sst s21  }
0x185: {  	v14 =	vmax.f32 v16, v14;
	s0 =	sor.u32 s3, s21;
	v60 =	vld [tilespmem:s22+$0x0]  }
0x186: {  	s2 =	sor.u32 s10, s13;
	[tilespmem:s20+$0x18800] =	vst v14;
	v14 =	vld [tilespmem:s0+$0x0];
	v15 =	vmax.f32 v15, v56  }
0x187: {  	s5 =	sor.u32 s10, s25;
	v61 =	vld [tilespmem:s2+$0x0];
	v15 =	vmax.f32 v15, v57  }
0x188: {  	s13 =	sor.u32 s10, s31;
	v62 =	vld [tilespmem:s5+$0x0];
	v15 =	vmax.f32 v15, v58  }
0x189: {  	s18 =	sor.u32 s10, s4;
	v63 =	vld [tilespmem:s13+$0x0];
	v15 =	vmax.f32 v15, v59  }
0x18a: {  	s20 =	sor.u32 s10, s19;
	s22 =	sadd.s32 $0xA800, s14;
	v36 =	vld [tilespmem:s18+$0x0];
	v15 =	vmax.f32 v15, v60  }
0x18b: {  	v37 =	vld [tilespmem:s20+$0x0];
	[smem:$0x7D6] =	sst s22;
	v14 =	vmax.f32 v15, v14  }
0x18c: {  	s25 =	sadd.s32 $0xAC00, s14;
	s21 =	sor.u32 s10, s12;
	[tilespmem:s28+$0x18800] =	vst v14  }
0x18d: {  	s4 =	sadd.s32 $0xB000, s14;
	s0 =	sor.u32 s3, s22;
	v38 =	vld [tilespmem:s21+$0x0];
	[smem:$0x7D7] =	sst s25  }
0x18e: {  	s12 =	sadd.s32 $0xB400, s14;
	v18 =	vld [tilespmem:s0+$0x0];
	[smem:$0x7D8] =	sst s4  }
0x18f: {  	s5 =	sor.u32 s3, s25;
	s13 =	sor.u32 s3, s4;
	s4 =	sld [smem:$0x7C6]  }
0x190: {  	s18 =	sadd.s32 $0xB800, s14;
	v20 =	vld [tilespmem:s5+$0x0];
	[smem:$0x7DA] =	sst s12  }
0x191: {  	s19 =	sor.u32 s3, s12;
	s20 =	sadd.s32 $0xBC00, s14;
	v19 =	vld [tilespmem:s13+$0x0];
	[smem:$0x7DC] =	sst s18  }
0x192: {  	s22 =	sadd.s32 $0xC000, s14;
	s21 =	sor.u32 s3, s18;
	v17 =	vld [tilespmem:s19+$0x0];
	[smem:$0x7DD] =	sst s20  }
0x193: {  	s25 =	sor.u32 s3, s20;
	v16 =	vld [tilespmem:s21+$0x0];
	[smem:$0x7DE] =	sst s22  }
0x194: {  	s0 =	sor.u32 s3, s22;
	s12 =	sld [smem:$0x7C7];
	v15 =	vld [tilespmem:s25+$0x0]  }
0x195: {  	s2 =	sor.u32 s10, s7;
	s3 =	simm.s32 $0x40;
	v14 =	vld [tilespmem:s0+$0x0]  }
0x196: {  	s7 =	sand.u32 $0x60, s3;
	s5 =	sor.u32 s17, s4;
	v34 =	vld [tilespmem:s2+$0x0]  }
0x197: {  	s20 =	sor.u32 $0x10, s7;
	s13 =	sor.u32 s17, s12;
	v32 =	vld [tilespmem:s5+$0x0];
	s2 =	sand.u32 $0x7FFFFF80, s3  }
0x198: {  	v33 =	vld [tilespmem:s13+$0x0];
	s4 =	sadd.s32 $0x400, s2;
	s12 =	sor.u32 s20, s2  }
0x199: {  	s0 =	sadd.s32 $0x800, s2;
	v39 =	vld [tilespmem:s12+$0x0];
	s5 =	sor.u32 s20, s4  }
0x19a: {  	s19 =	sadd.s32 $0xC00, s2;
	s13 =	sor.u32 s20, s0;
	v40 =	vld [tilespmem:s5+$0x0]  }
0x19b: {  	v27 =	vmax.f32 v61, v62;
	s21 =	sadd.s32 $0x1000, s2;
	s22 =	sadd.s32 $0x1400, s2;
	s18 =	sor.u32 s20, s19;
	v41 =	vld [tilespmem:s13+$0x0]  }
0x19c: {  	v27 =	vmax.f32 v27, v63;
	s25 =	sor.u32 s20, s21;
	s14 =	sor.u32 s20, s22;
	v42 =	vld [tilespmem:s18+$0x0]  }
0x19d: {  	v26 =	vmax.f32 v27, v36;
	s1 =	sadd.s32 $0x1800, s2;
	v35 =	vld [tilespmem:s25+$0x0];
	[smem:$0x7D9] =	sst s14  }
0x19e: {  	v26 =	vmax.f32 v26, v37;
	v43 =	vld [tilespmem:s14+$0x0];
	s14 =	sor.u32 s20, s1  }
0x19f: {  	v26 =	vmax.f32 v26, v38;
	[smem:$0x7E8] =	sst s14  }
0x1a0: {  	v26 =	vmax.f32 v26, v34;
	v36 =	vld [tilespmem:s14+$0x0]  }
0x1a1: {  	s11 =	sor.u32 s10, s11;
	[tilespmem:s26+$0x18800] =	vst v26;
	v45 =	vld [tilespmem:s3+$0x0];
	v28 =	vmax.f32 v39, v40  }
0x1a2: {  	s14 =	sor.u32 s10, s15;
	v26 =	vld [tilespmem:s11+$0x0];
	v27 =	vmax.f32 v28, v41  }
0x1a3: {  	s15 =	sor.u32 s10, s16;
	v31 =	vld [tilespmem:s14+$0x0];
	v27 =	vmax.f32 v27, v42  }
0x1a4: {  	s9 =	sor.u32 s10, s9;
	v30 =	vld [tilespmem:s15+$0x0];
	v27 =	vmax.f32 v27, v35  }
0x1a5: {  	s8 =	sor.u32 s10, s8;
	v29 =	vld [tilespmem:s9+$0x0];
	v44 =	vmax.f32 v27, v43  }
0x1a6: {  	s6 =	sor.u32 s10, s6;
	v27 =	vld [tilespmem:s8+$0x0];
	s8 =	sadd.s32 $0x1C00, s2;
	v34 =	vmax.f32 v44, v36  }
0x1a7: {  	s0 =	sor.u32 s7, s0;
	v28 =	vld [tilespmem:s6+$0x0];
	s16 =	sor.u32 s20, s8;
	[tilespmem:s12+$0x18800] =	vst v34  }
0x1a8: {  	s26 =	sor.u32 s7, s4;
	v34 =	vld [tilespmem:s16+$0x0];
	[smem:$0x7D0] =	sst s0  }
0x1a9: {  	s19 =	sor.u32 s7, s19;
	v46 =	vld [tilespmem:s26+$0x0]  }
0x1aa: {  	s21 =	sor.u32 s7, s21;
	v37 =	vld [tilespmem:s0+$0x0];
	[dreg:$0xb] =	wrdreg s19  }
0x1ab: {  	s0 =	sor.u32 s7, s22;
	v38 =	vld [tilespmem:s19+$0x0];
	[dreg:$0x9] =	wrdreg s21  }
0x1ac: {  	s9 =	sor.u32 s7, s1;
	v39 =	vld [tilespmem:s21+$0x0];
	[dreg:$0xa] =	wrdreg s0  }
0x1ad: {  	s1 =	sadd.s32 $0x2000, s2;
	v40 =	vld [tilespmem:s0+$0x0];
	[dreg:$0x8] =	wrdreg s9  }
0x1ae: {  	s4 =	sadd.s32 $0x2400, s2;
	s11 =	sor.u32 s20, s1;
	v47 =	vld [tilespmem:s9+$0x0]  }
0x1af: {  	s6 =	sadd.s32 $0x2800, s2;
	s12 =	sor.u32 s20, s4;
	v41 =	vld [tilespmem:s11+$0x0]  }
0x1b0: {  	s14 =	sadd.s32 $0x2C00, s2;
	s16 =	sor.u32 s20, s6;
	v48 =	vld [tilespmem:s12+$0x0];
	v35 =	vmax.f32 v45, v46  }
0x1b1: {  	s19 =	sadd.s32 $0x3000, s2;
	s21 =	sor.u32 s20, s14;
	v49 =	vld [tilespmem:s16+$0x0];
	v35 =	vmax.f32 v35, v37  }
0x1b2: {  	s22 =	sor.u32 s20, s19;
	v50 =	vld [tilespmem:s21+$0x0];
	s16 =	sadd.s32 $0x3400, s2;
	v35 =	vmax.f32 v35, v38  }
0x1b3: {  	v51 =	vld [tilespmem:s22+$0x0];
	s0 =	sor.u32 s20, s16;
	v35 =	vmax.f32 v35, v39  }
0x1b4: {  	v52 =	vld [tilespmem:s0+$0x0];
	v35 =	vmax.f32 v35, v40;
	v34 =	vmax.f32 v34, v41  }
0x1b5: {  	s11 =	simm.s32 $0x18840;
	v35 =	vmax.f32 v35, v47;
	v34 =	vmax.f32 v34, v48  }
0x1b6: {  	s8 =	sor.u32 s7, s8;
	[tilespmem:s11+$0x0] =	vst v35;
	v34 =	vmax.f32 v34, v49  }
0x1b7: {  	s4 =	sor.u32 s7, s4;
	v35 =	vld [tilespmem:s8+$0x0];
	v34 =	vmax.f32 v34, v50  }
0x1b8: {  	s15 =	sor.u32 s7, s19;
	v54 =	vld [tilespmem:s4+$0x0];
	v34 =	vmax.f32 v34, v51  }
0x1b9: {  	s8 =	sor.u32 s7, s6;
	s6 =	sadd.s32 $0x3800, s2;
	v57 =	vld [tilespmem:s15+$0x0];
	v34 =	vmax.f32 v34, v52  }
0x1ba: {  	v55 =	vld [tilespmem:s8+$0x0];
	s8 =	sadd.s32 $0x3C00, s2;
	s19 =	sor.u32 s20, s6;
	[tilespmem:s5+$0x18800] =	vst v34  }
0x1bb: {  	v21 =	vmax.f32 v21, v25;
	s15 =	sadd.s32 $0x4000, s2;
	s21 =	sor.u32 s20, s8;
	v34 =	vld [tilespmem:s19+$0x0]  }
0x1bc: {  	v21 =	vmax.f32 v21, v23;
	s22 =	sor.u32 s20, s15;
	v58 =	vld [tilespmem:s21+$0x0];
	s19 =	sadd.s32 $0x4800, s2  }
0x1bd: {  	v21 =	vmax.f32 v21, v22;
	s0 =	sadd.s32 $0x4400, s2;
	v42 =	vld [tilespmem:s22+$0x0];
	s5 =	sor.u32 s20, s19  }
0x1be: {  	v21 =	vmax.f32 v21, v24;
	s4 =	sor.u32 s20, s0;
	v43 =	vld [tilespmem:s5+$0x0];
	s5 =	sld [smem:$0x7C8]  }
0x1bf: {  	v21 =	vmax.f32 v21, v32;
	s1 =	sor.u32 s7, s1;
	v59 =	vld [tilespmem:s4+$0x0];
	s21 =	sadd.s32 $0x4C00, s2  }
0x1c0: {  	v21 =	vmax.f32 v21, v33;
	v53 =	vld [tilespmem:s1+$0x0];
	s1 =	sadd.s32 $0x5000, s2;
	s9 =	sor.u32 s20, s21  }
0x1c1: {  	s12 =	sor.u32 s20, s1;
	v60 =	vld [tilespmem:s9+$0x0];
	[tilespmem:s5+$0x18800] =	vst v21  }
0x1c2: {  	s14 =	sor.u32 s7, s14;
	v44 =	vld [tilespmem:s12+$0x0];
	v61 =	vmax.f32 v34, v58;
	s22 =	sld [smem:$0x7C9]  }
0x1c3: {  	v56 =	vld [tilespmem:s14+$0x0];
	s14 =	sor.u32 s7, s16;
	s16 =	sor.u32 s10, s23;
	v23 =	vmax.f32 v61, v42;
	s23 =	sld [smem:$0x7CA]  }
0x1c4: {  	v62 =	vld [tilespmem:s14+$0x0];
	s9 =	sld [smem:$0x7CC];
	v42 =	vmax.f32 v23, v59  }
0x1c5: {  	v63 =	vld [tilespmem:s16+$0x0];
	s5 =	sld [smem:$0x7CB];
	v21 =	vmax.f32 v42, v43;
	s4 =	sor.u32 s17, s22  }
0x1c6: {  	v21 =	vmax.f32 v21, v60;
	v23 =	vld [tilespmem:s4+$0x0];
	s4 =	sor.u32 s17, s23  }
0x1c7: {  	s12 =	sor.u32 s17, s9;
	v21 =	vmax.f32 v21, v44;
	v24 =	vld [tilespmem:s4+$0x0]  }
0x1c8: {  	s23 =	sadd.s32 $0x5C00, s2;
	s4 =	sor.u32 s17, s5;
	[tilespmem:s13+$0x18800] =	vst v21;
	v21 =	vld [tilespmem:s12+$0x0]  }
0x1c9: {  	s5 =	sadd.s32 $0x5800, s2;
	s16 =	sor.u32 s20, s23;
	v22 =	vld [tilespmem:s4+$0x0]  }
0x1ca: {  	s4 =	sadd.s32 $0x5400, s2;
	s14 =	sor.u32 s20, s5;
	v46 =	vld [tilespmem:s16+$0x0]  }
0x1cb: {  	s9 =	sadd.s32 $0x6000, s2;
	v44 =	vmax.f32 v35, v53;
	s13 =	sor.u32 s20, s4;
	v45 =	vld [tilespmem:s14+$0x0]  }
0x1cc: {  	s22 =	sor.u32 s20, s9;
	v34 =	vmax.f32 v44, v54;
	s12 =	sadd.s32 $0x6400, s2;
	v43 =	vld [tilespmem:s13+$0x0]  }
0x1cd: {  	v34 =	vmax.f32 v34, v55;
	v47 =	vld [tilespmem:s22+$0x0];
	s14 =	sor.u32 s20, s12  }
0x1ce: {  	v34 =	vmax.f32 v34, v56;
	s13 =	sadd.s32 $0x6800, s2;
	v48 =	vld [tilespmem:s14+$0x0];
	s14 =	sadd.s32 $0x6C00, s2  }
0x1cf: {  	v34 =	vmax.f32 v34, v57;
	[smem:$0x7DF] =	sst s14;
	s22 =	sor.u32 s20, s13  }
0x1d0: {  	v32 =	vmax.f32 v34, v62;
	v49 =	vld [tilespmem:s22+$0x0];
	s22 =	sor.u32 s20, s14  }
0x1d1: {  	s6 =	sor.u32 s7, s6;
	[tilespmem:s26+$0x18800] =	vst v32;
	v50 =	vld [tilespmem:s22+$0x0];
	v25 =	vmax.f32 v43, v45  }
0x1d2: {  	s14 =	sor.u32 s7, s8;
	v51 =	vld [tilespmem:s6+$0x0];
	v25 =	vmax.f32 v25, v46  }
0x1d3: {  	s16 =	sor.u32 s7, s15;
	v52 =	vld [tilespmem:s14+$0x0];
	v25 =	vmax.f32 v25, v47  }
0x1d4: {  	s26 =	sor.u32 s7, s19;
	v53 =	vld [tilespmem:s16+$0x0];
	v25 =	vmax.f32 v25, v48  }
0x1d5: {  	s22 =	sor.u32 s7, s0;
	v55 =	vld [tilespmem:s26+$0x0];
	v25 =	vmax.f32 v25, v49  }
0x1d6: {  	s15 =	sadd.s32 $0x7000, s2;
	s0 =	sor.u32 s7, s21;
	v54 =	vld [tilespmem:s22+$0x0];
	v25 =	vmax.f32 v25, v50  }
0x1d7: {  	s8 =	sor.u32 s20, s15;
	s14 =	sadd.s32 $0x7800, s2;
	v56 =	vld [tilespmem:s0+$0x0];
	s22 =	sadd.s32 $0x7400, s2;
	[tilespmem:s18+$0x18800] =	vst v25  }
0x1d8: {  	s16 =	sor.u32 s20, s22;
	s18 =	sadd.s32 $0x7C00, s2;
	v25 =	vld [tilespmem:s8+$0x0];
	[smem:$0x7E0] =	sst s14  }
0x1d9: {  	s19 =	sor.u32 s20, s14;
	v57 =	vld [tilespmem:s16+$0x0];
	[smem:$0x7E1] =	sst s18  }
0x1da: {  	s31 =	sadd.s32 $0x8000, s2;
	v26 =	vmax.f32 v26, v31;
	s21 =	sor.u32 s20, s18;
	v58 =	vld [tilespmem:s19+$0x0]  }
0x1db: {  	v26 =	vmax.f32 v26, v30;
	s26 =	sor.u32 s20, s31;
	v59 =	vld [tilespmem:s21+$0x0];
	s21 =	sadd.s32 $0x8400, s2  }
0x1dc: {  	s28 =	sadd.s32 $0x8800, s2;
	v26 =	vmax.f32 v26, v29;
	v60 =	vld [tilespmem:s26+$0x0];
	s0 =	sor.u32 s20, s21  }
0x1dd: {  	v26 =	vmax.f32 v26, v27;
	s8 =	sor.u32 s20, s28;
	s14 =	sld [smem:$0x7CD];
	v61 =	vld [tilespmem:s0+$0x0]  }
0x1de: {  	v26 =	vmax.f32 v26, v28;
	v62 =	vld [tilespmem:s8+$0x0];
	v25 =	vmax.f32 v25, v57  }
0x1df: {  	v26 =	vmax.f32 v26, v63;
	v25 =	vmax.f32 v25, v58  }
0x1e0: {  	[tilespmem:s14+$0x18800] =	vst v26;
	v25 =	vmax.f32 v25, v59  }
0x1e1: {  	s1 =	sor.u32 s7, s1;
	s0 =	sld [smem:$0x7CE];
	v25 =	vmax.f32 v25, v60  }
0x1e2: {  	v46 =	vmax.f32 v51, v52;
	v63 =	vld [tilespmem:s1+$0x0];
	s26 =	sor.u32 s10, s30;
	s18 =	sld [smem:$0x7CF];
	v25 =	vmax.f32 v25, v61  }
0x1e3: {  	s6 =	sor.u32 s10, s24;
	v31 =	vmax.f32 v46, v53;
	v43 =	vld [tilespmem:s26+$0x0];
	v25 =	vmax.f32 v25, v62  }
0x1e4: {  	v31 =	vmax.f32 v31, v54;
	v44 =	vld [tilespmem:s6+$0x0];
	s16 =	sor.u32 s10, s0;
	[tilespmem:s25+$0x18800] =	vst v25  }
0x1e5: {  	v31 =	vmax.f32 v31, v55;
	s19 =	sor.u32 s10, s18;
	v28 =	vld [tilespmem:s16+$0x0];
	s1 =	sld [smem:$0x7D0]  }
0x1e6: {  	s24 =	sadd.s32 $0x8C00, s2;
	v31 =	vmax.f32 v31, v56;
	s0 =	sor.u32 s10, s29;
	v42 =	vld [tilespmem:s19+$0x0]  }
0x1e7: {  	s8 =	sor.u32 s20, s24;
	s26 =	sadd.s32 $0x9C00, s2;
	v31 =	vmax.f32 v31, v63;
	v26 =	vld [tilespmem:s0+$0x0]  }
0x1e8: {  	s30 =	sadd.s32 $0x9000, s2;
	s0 =	sor.u32 s20, s26;
	v45 =	vld [tilespmem:s8+$0x0];
	[tilespmem:s1+$0x18800] =	vst v31  }
0x1e9: {  	s14 =	sor.u32 s20, s30;
	s25 =	sadd.s32 $0x9400, s2;
	v50 =	vld [tilespmem:s0+$0x0];
	s0 =	sld [smem:$0x7D1]  }
0x1ea: {  	s19 =	sadd.s32 $0x9800, s2;
	v47 =	vld [tilespmem:s14+$0x0];
	s16 =	sor.u32 s20, s25;
	s6 =	sld [smem:$0x7D2]  }
0x1eb: {  	s18 =	sor.u32 s20, s19;
	v48 =	vld [tilespmem:s16+$0x0];
	s16 =	sadd.s32 $0xA000, s2;
	s8 =	sld [smem:$0x7D3]  }
0x1ec: {  	v49 =	vld [tilespmem:s18+$0x0];
	s29 =	sor.u32 s20, s16;
	s18 =	sld [smem:$0x7D4]  }
0x1ed: {  	s4 =	sor.u32 s7, s4;
	s14 =	sadd.s32 $0xA400, s2;
	v51 =	vld [tilespmem:s29+$0x0];
	s1 =	sld [smem:$0x7D6]  }
0x1ee: {  	s29 =	sor.u32 s20, s14;
	v53 =	vld [tilespmem:s4+$0x0];
	s4 =	sld [smem:$0x7D7];
	s0 =	sor.u32 s17, s0  }
0x1ef: {  	v52 =	vld [tilespmem:s29+$0x0];
	[smem:$0x7E5] =	sst s0;
	s0 =	sor.u32 s17, s6  }
0x1f0: {  	[smem:$0x7E7] =	sst s0;
	s0 =	sor.u32 s17, s8  }
0x1f1: {  	s5 =	sor.u32 s7, s5;
	v29 =	vmax.f32 v45, v47;
	[smem:$0x7E9] =	sst s0  }
0x1f2: {  	v29 =	vmax.f32 v29, v48;
	s6 =	sld [smem:$0x7D8];
	s0 =	sor.u32 s7, s9;
	v54 =	vld [tilespmem:s5+$0x0]  }
0x1f3: {  	v29 =	vmax.f32 v29, v49;
	s17 =	sor.u32 s7, s23;
	s9 =	sld [smem:$0x7D9];
	v56 =	vld [tilespmem:s0+$0x0];
	s0 =	sor.u32 s10, s1  }
0x1f4: {  	v29 =	vmax.f32 v29, v50;
	v55 =	vld [tilespmem:s17+$0x0];
	[dreg:$0x1c] =	wrdreg s0;
	s0 =	sor.u32 s10, s4  }
0x1f5: {  	v29 =	vmax.f32 v29, v51;
	s5 =	sor.u32 s7, s12;
	[dreg:$0x19] =	wrdreg s0;
	s0 =	sor.u32 s10, s6  }
0x1f6: {  	v29 =	vmax.f32 v29, v52;
	v57 =	vld [tilespmem:s5+$0x0];
	[dreg:$0x1a] =	wrdreg s0  }
0x1f7: {  	s23 =	sld [smem:$0x7D5];
	[tilespmem:s9+$0x18800] =	vst v29  }
0x1f8: {  	s0 =	sld [smem:$0x7DA];
	_ =	sdelay $0x1  }
0x1f9: {  	s17 =	sor.u32 s10, s23;
	s23 =	sld [smem:$0x7DC]  }
0x1fa: {  	s8 =	sor.u32 s7, s13;
	s5 =	sld [smem:$0x7DD];
	s0 =	sor.u32 s10, s0  }
0x1fb: {  	s12 =	sadd.s32 $0xA800, s2;
	v58 =	vld [tilespmem:s8+$0x0];
	[smem:$0x7DB] =	sst s0  }
0x1fc: {  	s13 =	sor.u32 s20, s12;
	s0 =	sor.u32 s10, s23;
	s23 =	sld [smem:$0x7DE]  }
0x1fd: {  	s9 =	sadd.s32 $0xAC00, s2;
	v29 =	vld [tilespmem:s13+$0x0];
	[dreg:$0x1b] =	wrdreg s0  }
0x1fe: {  	v8 =	vmax.f32 v8, v10;
	v10 =	vmax.f32 v18, v20;
	s1 =	sor.u32 s20, s9;
	s0 =	sor.u32 s10, s5;
	s5 =	sld [smem:$0x7DF]  }
0x1ff: {  	v8 =	vmax.f32 v8, v9;
	v9 =	vmax.f32 v10, v19;
	s13 =	sadd.s32 $0xB000, s2;
	v59 =	vld [tilespmem:s1+$0x0];
	[dreg:$0x1d] =	wrdreg s0;
	s0 =	sor.u32 s10, s23  }
0x200: {  	v7 =	vmax.f32 v8, v7;
	v8 =	vmax.f32 v9, v17;
	s8 =	sadd.s32 $0xB400, s2;
	s6 =	sor.u32 s20, s13;
	[dreg:$0x1e] =	wrdreg s0  }
0x201: {  	v8 =	vmax.f32 v8, v16;
	s1 =	sor.u32 s20, s8;
	v60 =	vld [tilespmem:s6+$0x0]  }
0x202: {  	v8 =	vmax.f32 v8, v15;
	s0 =	sor.u32 s7, s5;
	v10 =	vld [tilespmem:s1+$0x0]  }
0x203: {  	v7 =	vmax.f32 v7, v13;
	v8 =	vmax.f32 v8, v14;
	s18 =	sor.u32 s10, s18;
	s5 =	sadd.s32 $0xBC00, s2;
	v14 =	vld [tilespmem:s0+$0x0]  }
0x204: {  	v7 =	vmax.f32 v7, v12;
	s6 =	sadd.s32 $0xB800, s2;
	s23 =	sor.u32 s20, s5;
	v12 =	vld [tilespmem:s18+$0x0]  }
0x205: {  	s1 =	sadd.s32 $0xC000, s2;
	s10 =	sor.u32 s20, s6;
	v61 =	vld [tilespmem:s23+$0x0]  }
0x206: {  	s29 =	sor.u32 s7, s21;
	s21 =	sor.u32 s7, s19;
	v9 =	vld [tilespmem:s10+$0x0];
	s10 =	sor.u32 s20, s1  }
0x207: {  	s2 =	sor.u32 s7, s26;
	v15 =	vld [tilespmem:s10+$0x0];
	[smem:$0x7E2] =	sst s21  }
0x208: {  	v13 =	vmax.f32 v23, v24;
	[smem:$0x7E3] =	sst s2  }
0x209: {  	v63 =	vmax.f32 v13, v22;
	v13 =	vld [tilespmem:s17+$0x0];
	s17 =	sld [smem:$0x7E4];
	_ =	sdelay $0x1  }
0x20a: {  	v7 =	vmax.f32 v7, v11;
	s4 =	sld [smem:$0x7E0]  }
0x20b: {  	s20 =	sld [smem:$0x7E1];
	[tilespmem:s17+$0x18800] =	vst v7  }
0x20c: {  	s19 =	sld [smem:$0x7E6]  }
0x20d: {  	v11 =	vmax.f32 v29, v59  }
0x20e: {  	v11 =	vmax.f32 v11, v60;
	s0 =	sld [smem:$0x7E5]  }
0x20f: {  	v10 =	vmax.f32 v11, v10;
	[tilespmem:s19+$0x18800] =	vst v8  }
0x210: {  	v11 =	vmax.f32 v28, v42;
	v10 =	vmax.f32 v10, v9;
	s21 =	sld [smem:$0x7E8]  }
0x211: {  	v7 =	vmax.f32 v11, v43;
	v16 =	vmax.f32 v10, v61;
	v9 =	vld [tilespmem:s0+$0x0];
	s0 =	sld [smem:$0x7E7]  }
0x212: {  	s15 =	sor.u32 s7, s15;
	s22 =	sor.u32 s7, s22;
	s28 =	sor.u32 s7, s28;
	v8 =	vmax.f32 v7, v26;
	v7 =	vmax.f32 v16, v15  }
0x213: {  	s24 =	sor.u32 s7, s24;
	s25 =	sor.u32 s7, s25;
	s18 =	sor.u32 s7, s16;
	[tilespmem:s21+$0x18800] =	vst v7  }
0x214: {  	v62 =	vmax.f32 v53, v54;
	s16 =	sor.u32 s7, s14;
	s5 =	sor.u32 s7, s5;
	v10 =	vld [tilespmem:s0+$0x0];
	s0 =	sld [smem:$0x7E9]  }
0x215: {  	v17 =	vmax.f32 v62, v55;
	s23 =	sor.u32 s7, s4;
	s4 =	sor.u32 s7, s31;
	s26 =	sld [smem:$0x7EA]  }
0x216: {  	v17 =	vmax.f32 v17, v56;
	s31 =	simm.s32 $0x4;
	s1 =	sor.u32 s7, s1;
	s2 =	sor.u32 s7, s12  }
0x217: {  	s12 =	sor.u32 s7, s13;
	s10 =	sor.u32 s7, s20;
	s20 =	sor.u32 s7, s30;
	v11 =	vmax.f32 v17, v57  }
0x218: {  	s30 =	sor.u32 s7, s8;
	s8 =	sor.u32 s7, s6;
	v17 =	vmax.f32 v11, v58;
	v11 =	vld [tilespmem:s0+$0x0];
	s0 =	sshll.u32 s26, $0xA  }
0x219: {  	s17 =	sor.u32 s7, s9;
	s7 =	simm.s32 $0x60;
	v14 =	vmax.f32 v17, v14;
	v8 =	vmax.f32 v8, v44;
	v7 =	vmax.f32 v63, v21;
	[smem:$0x7EB] =	sst s0  }
.LBB2_7:
0x21a: {  	[smem:$0x7BB] =	sst s18  }
0x21b: {  	[smem:$0x7BC] =	sst s16  }
0x21c: {  	[smem:$0x7BE] =	sst s5  }
0x21d: {  	[smem:$0x7BD] =	sst s8  }
0x21e: {  	s0 =	rddreg [dreg:$0xb];
	s3 =	sadd.s32 $0x20, s3  }
0x21f: {  	v15 =	vld [tilespmem:s7+$0x0];
	s8 =	rddreg [dreg:$0xa];
	[tilespmem:s0+$0x18800] =	vst v14;
	s14 =	sand.u32 $0x60, s3  }
0x220: {  	s9 =	smov.u32 s8;
	s8 =	sand.u32 $0x7FFFFF80, s3;
	s26 =	sor.u32 $0x10, s14;
	v8 =	vmax.f32 v8, v12;
	v12 =	vld [tilespmem:s15+$0x0];
	v7 =	vmax.f32 v7, v9  }
0x221: {  	s6 =	rddreg [dreg:$0x7];
	s5 =	sor.u32 s26, s8;
	v8 =	vmax.f32 v8, v13;
	v13 =	vld [tilespmem:s22+$0x0];
	v7 =	vmax.f32 v7, v10  }
0x222: {  	[smem:$0x7C0] =	sst s1;
	[tilespmem:s6+$0x18800] =	vst v8;
	v7 =	vmax.f32 v7, v11;
	v11 =	vld [tilespmem:s5+$0x0]  }
0x223: {  	s18 =	rddreg [dreg:$0x8];
	v8 =	vld [tilespmem:s23+$0x0]  }
0x224: {  	v9 =	vld [tilespmem:s10+$0x0];
	s10 =	rddreg [dreg:$0x5]  }
0x225: {  	s13 =	rddreg [dreg:$0x6];
	s19 =	smov.u32 s18;
	s16 =	sadd.s32 $0x400, s8;
	v10 =	vld [tilespmem:s4+$0x0];
	[tilespmem:s10+$0x18800] =	vst v7  }
0x226: {  	s21 =	sadd.s32 $0x800, s8;
	s15 =	smov.u32 s13;
	s1 =	sor.u32 s26, s16;
	v7 =	vld [tilespmem:s29+$0x0]  }
0x227: {  	s6 =	sadd.s32 $0xC00, s8;
	[dreg:$0x5] =	wrdreg s15;
	s15 =	sor.u32 s26, s21;
	v12 =	vmax.f32 v12, v13;
	v13 =	vld [tilespmem:s1+$0x0]  }
0x228: {  	[dreg:$0x6] =	wrdreg s19;
	s13 =	sadd.s32 $0x1000, s8;
	s4 =	sor.u32 s26, s6;
	v8 =	vmax.f32 v12, v8;
	v12 =	vld [tilespmem:s15+$0x0]  }
0x229: {  	s22 =	sadd.s32 $0x1400, s8;
	s10 =	sor.u32 s14, s13;
	s13 =	sor.u32 s26, s13;
	v8 =	vmax.f32 v8, v9;
	v9 =	vld [tilespmem:s4+$0x0]  }
0x22a: {  	s0 =	sor.u32 s14, s21;
	s23 =	sadd.s32 $0x1800, s8;
	s21 =	sor.u32 s26, s22;
	v8 =	vmax.f32 v8, v10;
	v10 =	vld [tilespmem:s13+$0x0]  }
0x22b: {  	s19 =	sor.u32 s14, s6;
	s6 =	sor.u32 s14, s22;
	s22 =	sor.u32 s26, s23;
	v7 =	vmax.f32 v8, v7;
	v8 =	vld [tilespmem:s21+$0x0]  }
0x22c: {  	[dreg:$0x7] =	wrdreg s9;
	s9 =	sor.u32 s14, s16;
	v11 =	vmax.f32 v11, v13;
	v13 =	vld [tilespmem:s22+$0x0]  }
0x22d: {  	v14 =	vld [tilespmem:s9+$0x0];
	v11 =	vmax.f32 v11, v12  }
0x22e: {  	[smem:$0x7BA] =	sst s21;
	v12 =	vld [tilespmem:s0+$0x0];
	v9 =	vmax.f32 v11, v9  }
0x22f: {  	[dreg:$0xb] =	wrdreg s19;
	v11 =	vld [tilespmem:s19+$0x0];
	v9 =	vmax.f32 v9, v10  }
0x230: {  	[dreg:$0xa] =	wrdreg s6;
	v10 =	vld [tilespmem:s10+$0x0];
	v8 =	vmax.f32 v9, v8  }
0x231: {  	s18 =	sor.u32 s14, s23;
	s23 =	sadd.s32 $0x1C00, s8;
	[smem:$0x7BF] =	sst s22;
	v9 =	vld [tilespmem:s6+$0x0];
	v8 =	vmax.f32 v8, v13  }
0x232: {  	s16 =	sadd.s32 $0x2000, s8;
	[dreg:$0x8] =	wrdreg s18;
	s22 =	sor.u32 s26, s23;
	v13 =	vmax.f32 v15, v14;
	v14 =	vld [tilespmem:s18+$0x0];
	[tilespmem:s5+$0x18800] =	vst v8  }
0x233: {  	s21 =	sadd.s32 $0x2400, s8;
	s18 =	sor.u32 s14, s23;
	s23 =	sor.u32 s26, s16;
	v8 =	vmax.f32 v13, v12;
	v12 =	vld [tilespmem:s22+$0x0]  }
0x234: {  	s19 =	sadd.s32 $0x2800, s8;
	s6 =	sor.u32 s14, s16;
	s16 =	sor.u32 s26, s21;
	v8 =	vmax.f32 v8, v11;
	v11 =	vld [tilespmem:s23+$0x0]  }
0x235: {  	s5 =	sor.u32 s26, s19;
	s22 =	sor.u32 s14, s21;
	s23 =	sadd.s32 $0x2C00, s8;
	v8 =	vmax.f32 v8, v10;
	v10 =	vld [tilespmem:s16+$0x0]  }
0x236: {  	s21 =	sor.u32 s14, s19;
	s19 =	sadd.s32 $0x3000, s8;
	v8 =	vmax.f32 v8, v9;
	v9 =	vld [tilespmem:s5+$0x0];
	s5 =	sor.u32 s26, s23  }
0x237: {  	s11 =	sadd.s32 $0x20, s11;
	s29 =	sadd.s32 $0x3400, s8;
	v8 =	vmax.f32 v8, v14;
	v13 =	vld [tilespmem:s5+$0x0];
	s5 =	sor.u32 s26, s19  }
0x238: {  	[tilespmem:s11+$0x0] =	vst v8;
	v8 =	vld [tilespmem:s5+$0x0];
	s5 =	sor.u32 s26, s29  }
0x239: {  	v11 =	vmax.f32 v12, v11;
	v12 =	vld [tilespmem:s5+$0x0]  }
0x23a: {  	v14 =	vld [tilespmem:s18+$0x0];
	v10 =	vmax.f32 v11, v10  }
0x23b: {  	v11 =	vld [tilespmem:s6+$0x0];
	v9 =	vmax.f32 v10, v9  }
0x23c: {  	s16 =	smov.u32 s25;
	v10 =	vld [tilespmem:s22+$0x0];
	v9 =	vmax.f32 v9, v13  }
0x23d: {  	s25 =	smov.u32 s20;
	s20 =	smov.u32 s24;
	s24 =	sor.u32 s14, s23;
	v13 =	vld [tilespmem:s21+$0x0];
	v8 =	vmax.f32 v9, v8  }
0x23e: {  	s23 =	sor.u32 s14, s19;
	s6 =	sadd.s32 $0x3800, s8;
	v9 =	vld [tilespmem:s24+$0x0];
	v8 =	vmax.f32 v8, v12  }
0x23f: {  	s19 =	sor.u32 s14, s29;
	s18 =	sadd.s32 $0x3C00, s8;
	s21 =	sor.u32 s26, s6;
	v12 =	vld [tilespmem:s23+$0x0];
	[tilespmem:s1+$0x18800] =	vst v8  }
0x240: {  	s24 =	sadd.s32 $0x4000, s8;
	s23 =	sor.u32 s14, s18;
	s18 =	sor.u32 s26, s18;
	v8 =	vmax.f32 v14, v11;
	v11 =	vld [tilespmem:s21+$0x0]  }
0x241: {  	s29 =	sor.u32 s14, s24;
	s5 =	sor.u32 s26, s24;
	v8 =	vmax.f32 v8, v10;
	s21 =	sadd.s32 $0x4400, s8;
	v10 =	vld [tilespmem:s18+$0x0]  }
0x242: {  	s18 =	sadd.s32 $0x4800, s8;
	v8 =	vmax.f32 v8, v13;
	s24 =	sor.u32 s14, s21;
	v13 =	vld [tilespmem:s5+$0x0];
	s21 =	sor.u32 s26, s21  }
0x243: {  	s1 =	sor.u32 s26, s18;
	v8 =	vmax.f32 v8, v9;
	v9 =	vld [tilespmem:s21+$0x0]  }
0x244: {  	s22 =	sor.u32 s14, s6;
	s6 =	sadd.s32 $0x4C00, s8;
	v8 =	vmax.f32 v8, v12;
	v12 =	vld [tilespmem:s1+$0x0]  }
0x245: {  	v15 =	vld [tilespmem:s19+$0x0];
	s5 =	sor.u32 s14, s18;
	s21 =	sadd.s32 $0x5000, s8;
	s1 =	sor.u32 s26, s6  }
0x246: {  	s18 =	sor.u32 s14, s6;
	s6 =	sor.u32 s14, s21;
	s21 =	sor.u32 s26, s21;
	v14 =	vld [tilespmem:s1+$0x0];
	v10 =	vmax.f32 v11, v10  }
0x247: {  	s19 =	smov.u32 s2;
	v11 =	vld [tilespmem:s21+$0x0];
	s21 =	rddreg [dreg:$0x1c];
	v10 =	vmax.f32 v10, v13  }
0x248: {  	[dreg:$0x1c] =	wrdreg s19;
	v9 =	vmax.f32 v10, v9  }
0x249: {  	s2 =	smov.u32 s17;
	v9 =	vmax.f32 v9, v12;
	v12 =	vld [tilespmem:s21+$0x0];
	s21 =	rddreg [dreg:$0x19]  }
0x24a: {  	s19 =	sadd.s32 $0x5400, s8;
	[dreg:$0x19] =	wrdreg s2  }
0x24b: {  	s1 =	sor.u32 s26, s19;
	v10 =	vld [tilespmem:s28+$0x0];
	s2 =	sor.u32 s14, s19;
	s19 =	sld [smem:$0x7DB]  }
0x24c: {  	v9 =	vmax.f32 v9, v14;
	v13 =	vld [tilespmem:s21+$0x0];
	s21 =	rddreg [dreg:$0x1a]  }
0x24d: {  	s17 =	smov.u32 s12;
	v9 =	vmax.f32 v9, v11;
	v11 =	vld [tilespmem:s21+$0x0]  }
0x24e: {  	v8 =	vmax.f32 v8, v15;
	[dreg:$0x1a] =	wrdreg s17;
	s17 =	sadd.s32 $0x5800, s8;
	s21 =	sadd.s32 $0x5C00, s8;
	[tilespmem:s15+$0x18800] =	vst v9;
	v9 =	vld [tilespmem:s19+$0x0]  }
0x24f: {  	s12 =	sor.u32 s14, s17;
	[tilespmem:s9+$0x18800] =	vst v8;
	s19 =	sor.u32 s26, s17;
	s17 =	sor.u32 s14, s21;
	v8 =	vld [tilespmem:s1+$0x0]  }
0x250: {  	s15 =	sadd.s32 $0x6000, s8;
	s9 =	sadd.s32 $0x6400, s8;
	v7 =	vmax.f32 v7, v10;
	v10 =	vld [tilespmem:s19+$0x0];
	s1 =	sor.u32 s26, s21  }
0x251: {  	s21 =	rddreg [dreg:$0x9];
	s19 =	sor.u32 s14, s15;
	v14 =	vld [tilespmem:s1+$0x0];
	s1 =	sor.u32 s26, s15  }
0x252: {  	[tilespmem:s21+$0x18800] =	vst v7;
	s21 =	sor.u32 s14, s9;
	s15 =	sadd.s32 $0x6800, s8;
	s9 =	sor.u32 s26, s9;
	v7 =	vmax.f32 v12, v13;
	v12 =	vld [tilespmem:s1+$0x0]  }
0x253: {  	s28 =	sadd.s32 $0x6C00, s8;
	s1 =	sor.u32 s14, s15;
	s15 =	sor.u32 s26, s15;
	v7 =	vmax.f32 v7, v11;
	v11 =	vld [tilespmem:s9+$0x0]  }
0x254: {  	v7 =	vmax.f32 v7, v9;
	v9 =	vld [tilespmem:s15+$0x0];
	s15 =	sor.u32 s26, s28  }
0x255: {  	v8 =	vmax.f32 v8, v10;
	v10 =	vld [tilespmem:s15+$0x0]  }
0x256: {  	v13 =	vld [tilespmem:s22+$0x0];
	v8 =	vmax.f32 v8, v14  }
0x257: {  	v14 =	vld [tilespmem:s23+$0x0];
	v8 =	vmax.f32 v8, v12  }
0x258: {  	v12 =	vld [tilespmem:s29+$0x0];
	v8 =	vmax.f32 v8, v11  }
0x259: {  	s9 =	sor.u32 s14, s28;
	s15 =	smov.u32 s30;
	v11 =	vld [tilespmem:s24+$0x0];
	v8 =	vmax.f32 v8, v9  }
0x25a: {  	s28 =	smov.u32 s10;
	s10 =	sadd.s32 $0x7000, s8;
	[smem:$0x7DB] =	sst s15;
	v9 =	vld [tilespmem:s5+$0x0];
	v8 =	vmax.f32 v8, v10  }
0x25b: {  	s15 =	sor.u32 s14, s10;
	s23 =	sor.u32 s26, s10;
	v10 =	vld [tilespmem:s18+$0x0];
	s18 =	sadd.s32 $0x7400, s8;
	[tilespmem:s4+$0x18800] =	vst v8  }
0x25c: {  	s24 =	sadd.s32 $0x7800, s8;
	v8 =	vmax.f32 v13, v14;
	s22 =	sor.u32 s14, s18;
	s10 =	sor.u32 s26, s18;
	v13 =	vld [tilespmem:s23+$0x0]  }
0x25d: {  	s18 =	sadd.s32 $0x7C00, s8;
	v8 =	vmax.f32 v8, v12;
	s23 =	sor.u32 s14, s24;
	v12 =	vld [tilespmem:s10+$0x0];
	s24 =	sor.u32 s26, s24  }
0x25e: {  	s5 =	sadd.s32 $0x8000, s8;
	s10 =	sor.u32 s14, s18;
	s18 =	sor.u32 s26, s18;
	v8 =	vmax.f32 v8, v11;
	v11 =	vld [tilespmem:s24+$0x0]  }
0x25f: {  	s4 =	sor.u32 s14, s5;
	s5 =	sor.u32 s26, s5;
	v8 =	vmax.f32 v8, v9;
	v9 =	vld [tilespmem:s18+$0x0]  }
0x260: {  	s24 =	sadd.s32 $0x8400, s8;
	v8 =	vmax.f32 v8, v10;
	v10 =	vld [tilespmem:s5+$0x0]  }
0x261: {  	v15 =	vld [tilespmem:s6+$0x0];
	s29 =	sor.u32 s14, s24;
	s18 =	sadd.s32 $0x8800, s8;
	s24 =	sor.u32 s26, s24  }
0x262: {  	v14 =	vld [tilespmem:s24+$0x0];
	s24 =	sor.u32 s26, s18;
	v12 =	vmax.f32 v13, v12  }
0x263: {  	v13 =	vld [tilespmem:s24+$0x0];
	v11 =	vmax.f32 v12, v11  }
0x264: {  	v12 =	vld [tilespmem:s16+$0x0];
	v9 =	vmax.f32 v11, v9  }
0x265: {  	s16 =	sld [smem:$0x7E2];
	v9 =	vmax.f32 v9, v10;
	v10 =	vld [tilespmem:s25+$0x0];
	s25 =	sadd.s32 $0x8C00, s8  }
0x266: {  	s24 =	sor.u32 s14, s25;
	s5 =	sor.u32 s26, s25;
	s25 =	sld [smem:$0x7E3]  }
0x267: {  	v11 =	vld [tilespmem:s20+$0x0];
	v9 =	vmax.f32 v9, v14  }
0x268: {  	v9 =	vmax.f32 v9, v13;
	v13 =	vld [tilespmem:s16+$0x0]  }
0x269: {  	[dreg:$0x9] =	wrdreg s28;
	s28 =	sor.u32 s14, s18;
	s18 =	sadd.s32 $0x9000, s8;
	[tilespmem:s13+$0x18800] =	vst v9;
	v9 =	vld [tilespmem:s25+$0x0]  }
0x26a: {  	v8 =	vmax.f32 v8, v15;
	s16 =	sor.u32 s26, s18;
	s13 =	sadd.s32 $0x9400, s8;
	v14 =	vld [tilespmem:s5+$0x0]  }
0x26b: {  	s20 =	sor.u32 s14, s18;
	s18 =	sadd.s32 $0x9800, s8;
	[tilespmem:s0+$0x18800] =	vst v8;
	v15 =	vld [tilespmem:s16+$0x0];
	s0 =	sor.u32 s26, s13  }
0x26c: {  	s25 =	sor.u32 s14, s13;
	s13 =	sor.u32 s14, s18;
	s16 =	sor.u32 s26, s18;
	v8 =	vmax.f32 v11, v10;
	v10 =	vld [tilespmem:s0+$0x0]  }
0x26d: {  	s5 =	sadd.s32 $0x9C00, s8;
	[smem:$0x7E2] =	sst s13;
	v11 =	vld [tilespmem:s16+$0x0]  }
0x26e: {  	s18 =	sor.u32 s14, s5;
	s13 =	sadd.s32 $0xA000, s8;
	s5 =	sor.u32 s26, s5;
	v17 =	vld [tilespmem:s9+$0x0];
	v8 =	vmax.f32 v8, v12  }
0x26f: {  	s16 =	sadd.s32 $0xA400, s8;
	v12 =	vld [tilespmem:s5+$0x0];
	s6 =	sor.u32 s26, s13;
	v8 =	vmax.f32 v8, v13  }
0x270: {  	[smem:$0x7E3] =	sst s18;
	s18 =	sor.u32 s26, s16;
	v8 =	vmax.f32 v8, v9;
	v9 =	vld [tilespmem:s6+$0x0]  }
0x271: {  	v13 =	vmax.f32 v14, v15;
	v14 =	vld [tilespmem:s18+$0x0]  }
0x272: {  	v15 =	vld [tilespmem:s2+$0x0];
	v10 =	vmax.f32 v13, v10  }
0x273: {  	s0 =	sor.u32 s14, s13;
	v13 =	vld [tilespmem:s12+$0x0];
	v10 =	vmax.f32 v10, v11  }
0x274: {  	s5 =	sor.u32 s14, s16;
	s13 =	sld [smem:$0x7BA];
	s16 =	sadd.s32 $0xB000, s8;
	v11 =	vld [tilespmem:s17+$0x0];
	v10 =	vmax.f32 v10, v12  }
0x275: {  	s18 =	sadd.s32 $0xB400, s8;
	s12 =	sor.u32 s14, s16;
	v12 =	vld [tilespmem:s19+$0x0];
	s19 =	sadd.s32 $0xA800, s8;
	v9 =	vmax.f32 v10, v9  }
0x276: {  	s30 =	sor.u32 s14, s18;
	s2 =	sor.u32 s14, s19;
	s6 =	sor.u32 s26, s19;
	v10 =	vld [tilespmem:s21+$0x0];
	v9 =	vmax.f32 v9, v14  }
0x277: {  	s19 =	sor.u32 s26, s16;
	s16 =	sor.u32 s26, s18;
	s21 =	sadd.s32 $0xAC00, s8;
	v14 =	vld [tilespmem:s1+$0x0];
	[tilespmem:s13+$0x18800] =	vst v9  }
0x278: {  	s18 =	sadd.s32 $0xBC00, s8;
	s17 =	sor.u32 s14, s21;
	s1 =	sor.u32 s26, s21;
	v9 =	vmax.f32 v15, v13;
	v13 =	vld [tilespmem:s6+$0x0]  }
0x279: {  	s21 =	sadd.s32 $0xB800, s8;
	s8 =	sadd.s32 $0xC000, s8;
	s13 =	sor.u32 s14, s18;
	v9 =	vmax.f32 v9, v11;
	v11 =	vld [tilespmem:s1+$0x0]  }
0x27a: {  	s6 =	sor.u32 s14, s21;
	s14 =	sor.u32 s14, s8;
	s8 =	sor.u32 s26, s8;
	v9 =	vmax.f32 v9, v12;
	v12 =	vld [tilespmem:s19+$0x0]  }
0x27b: {  	v16 =	vld [tilespmem:s8+$0x0]  }
0x27c: {  	s9 =	sld [smem:$0x7BB];
	s19 =	sor.u32 s26, s21;
	v9 =	vmax.f32 v9, v10;
	v10 =	vld [tilespmem:s16+$0x0]  }
0x27d: {  	s21 =	sor.u32 s26, s18;
	s8 =	smov.u32 s6;
	s6 =	sld [smem:$0x7BE];
	v14 =	vmax.f32 v9, v14;
	v9 =	vld [tilespmem:s19+$0x0]  }
0x27e: {  	v15 =	vld [tilespmem:s21+$0x0];
	s16 =	sld [smem:$0x7BC]  }
0x27f: {  	s21 =	sld [smem:$0x7BD];
	v11 =	vmax.f32 v13, v11  }
0x280: {  	s19 =	rddreg [dreg:$0x1b];
	v11 =	vmax.f32 v11, v12  }
0x281: {  	s31 =	sadd.s32 $0x2, s31;
	v13 =	vld [tilespmem:s16+$0x0];
	s16 =	smov.u32 s5;
	s5 =	rddreg [dreg:$0x1d];
	v10 =	vmax.f32 v11, v10  }
0x282: {  	p0 =	slt.u32 s31, $0x3E;
	s26 =	smov.u32 s21;
	s21 =	sld [smem:$0x7C0];
	v9 =	vmax.f32 v10, v9  }
.Ltmp2:
0x283: {  	v12 =	vld [tilespmem:s9+$0x0];
	[dreg:$0x1b] =	wrdreg s26;
	v10 =	vmax.f32 v9, v15;
	(pc) =	sbr.rel @p0 .LBB2_7-.Ltmp2, $4  }
0x284: {  	s9 =	smov.u32 s6;
	v11 =	vmax.f32 v10, v16;
	v10 =	vld [tilespmem:s5+$0x0];
	s5 =	smov.u32 s13;
	s13 =	sld [smem:$0x7BF]  }
0x285: {  	[dreg:$0x1d] =	wrdreg s9  }
0x286: {  	s7 =	sadd.s32 $0x20, s7;
	s26 =	smov.u32 s21;
	v9 =	vld [tilespmem:s19+$0x0];
	s19 =	rddreg [dreg:$0x1e]  }
0x287: {  	s18 =	smov.u32 s0;
	s1 =	smov.u32 s14;
	v14 =	vmax.f32 v14, v17;
	[dreg:$0x1e] =	wrdreg s26;
	[tilespmem:s13+$0x18800] =	vst v11;
	v11 =	vld [tilespmem:s19+$0x0]  }
0x288: {  	s0 =	rddreg [dreg:$0xb]  }
0x289: {  	[tilespmem:s0+$0x18800] =	vst v14  }
0x28a: {  	v14 =	vld [tilespmem:s15+$0x0]  }
0x28b: {  	v15 =	vld [tilespmem:s22+$0x0]  }
0x28c: {  	v16 =	vld [tilespmem:s23+$0x0]  }
0x28d: {  	v17 =	vld [tilespmem:s10+$0x0]  }
0x28e: {  	v18 =	vld [tilespmem:s4+$0x0]  }
0x28f: {  	v19 =	vld [tilespmem:s29+$0x0]  }
0x290: {  	v20 =	vld [tilespmem:s28+$0x0];
	v14 =	vmax.f32 v14, v15  }
0x291: {  	v8 =	vmax.f32 v8, v12;
	v14 =	vmax.f32 v14, v16  }
0x292: {  	v8 =	vmax.f32 v8, v13;
	s0 =	rddreg [dreg:$0x7];
	v14 =	vmax.f32 v14, v17  }
0x293: {  	[tilespmem:s0+$0x18800] =	vst v8;
	v12 =	vmax.f32 v14, v18  }
0x294: {  	s0 =	rddreg [dreg:$0x1c];
	v12 =	vmax.f32 v12, v19  }
0x295: {  	s7 =	rddreg [dreg:$0x9];
	v8 =	vmax.f32 v12, v20  }
0x296: {  	v12 =	vld [tilespmem:s0+$0x0];
	[tilespmem:s7+$0x18800] =	vst v8  }
0x297: {  	v8 =	vld [tilespmem:s24+$0x0];
	s0 =	sld [smem:$0x7E2]  }
0x298: {  	v13 =	vld [tilespmem:s20+$0x0];
	s9 =	sld [smem:$0x7E3]  }
0x299: {  	v14 =	vld [tilespmem:s25+$0x0]  }
0x29a: {  	v15 =	vld [tilespmem:s0+$0x0]  }
0x29b: {  	v37 =	vld [tilespmem:s9+$0x0]  }
0x29c: {  	v38 =	vld [tilespmem:s18+$0x0];
	s10 =	rddreg [dreg:$0x19]  }
0x29d: {  	s13 =	sld [smem:$0x7DB];
	v8 =	vmax.f32 v8, v13;
	v13 =	vld [tilespmem:s16+$0x0]  }
0x29e: {  	s14 =	rddreg [dreg:$0x1b];
	v39 =	vld [tilespmem:s10+$0x0];
	v8 =	vmax.f32 v8, v14  }
0x29f: {  	s15 =	rddreg [dreg:$0x1d];
	v40 =	vld [tilespmem:s14+$0x0];
	v8 =	vmax.f32 v8, v15  }
0x2a0: {  	s11 =	rddreg [dreg:$0x1a];
	v41 =	vld [tilespmem:s15+$0x0];
	v8 =	vmax.f32 v8, v37  }
0x2a1: {  	s18 =	rddreg [dreg:$0xa];
	v14 =	vld [tilespmem:s11+$0x0];
	v8 =	vmax.f32 v8, v38  }
0x2a2: {  	s16 =	rddreg [dreg:$0x1e];
	v15 =	vld [tilespmem:s13+$0x0];
	v8 =	vmax.f32 v8, v13  }
0x2a3: {  	v13 =	vld [tilespmem:s16+$0x0];
	[tilespmem:s18+$0x18800] =	vst v8  }
0x2a4: {  	v8 =	vld [tilespmem:s2+$0x0]  }
0x2a5: {  	v42 =	vld [tilespmem:s17+$0x0]  }
0x2a6: {  	v43 =	vld [tilespmem:s12+$0x0]  }
0x2a7: {  	v7 =	vmax.f32 v7, v9;
	v12 =	vmax.f32 v12, v39;
	v21 =	vld [tilespmem:s30+$0x0]  }
0x2a8: {  	v7 =	vmax.f32 v7, v10;
	v12 =	vmax.f32 v12, v14;
	v22 =	vld [tilespmem:s8+$0x0]  }
0x2a9: {  	v7 =	vmax.f32 v7, v11;
	v44 =	vld [tilespmem:s5+$0x0];
	v9 =	vmax.f32 v12, v15;
	s0 =	rddreg [dreg:$0x5]  }
0x2aa: {  	v14 =	vld [tilespmem:s1+$0x0];
	s3 =	sld [smem:$0x7EA];
	v9 =	vmax.f32 v9, v40;
	[tilespmem:s0+$0x18800] =	vst v7;
	v8 =	vmax.f32 v8, v42  }
0x2ab: {  	v9 =	vmax.f32 v9, v41;
	s0 =	sld [smem:$0x7EB];
	v8 =	vmax.f32 v8, v43  }
0x2ac: {  	s19 =	rddreg [dreg:$0x6];
	v7 =	vmax.f32 v9, v13;
	v8 =	vmax.f32 v8, v21  }
0x2ad: {  	p0 =	seq.s32 s3, $0x16;
	[tilespmem:s19+$0x18800] =	vst v7;
	v8 =	vmax.f32 v8, v22  }
0x2ae: {  	s0 =	sshrl.u32 @!p0 s0, $0x2;
	s1 =	rddreg [dreg:$0x8];
	v8 =	vmax.f32 v8, v44  }
0x2af: {  	[smem:$0x77D] =	sst s0;
	v7 =	vmax.f32 v8, v14  }
0x2b0: {  	s20 =	smul.u32 $0xE, s3;
	s3 =	rddreg [dreg:$0x0];
	[tilespmem:s1+$0x18800] =	vst v7  }
0x2b1: {  	s21 =	sld [smem:$0x7FB]  }
0x2b2: {  	s2 =	simm.s32 @!p0 $0x0;
	s0 =	sadd.s32 @!p0 $0x1C100, s0;
	s1 =	simm.s32 @!p0 $0x31  }
0x2b3: {  	[tilespmem:s2], [sflag:$0x1] =	stream.indirect.gather @!p0 [hbm4b:s3+s1], $0x400, s0, s1, $0xb8;
	[tilespmem:$0x1EA00] =	vst v63  }
0x2b4: {  	s0 =	sadd.s32 s21, s20  }
0x2b5: {  	p2 =	slt.s32 s0, $0x27FB  }
0x2b6: {  	s22 =	rddreg [dreg:$0x3];
	s0 =	simm.s32 @!p2 $0x27FB  }
0x2b7: {  	s23 =	simm.s32 $0x0;
	s24 =	simm.s32 $0x18800;
	s0 =	sshll.u32 s0, $0x7  }
0x2b8: {  	s25 =	simm.s32 $0x2;
	[smem:$0x77E] =	sst s20;
	s0 =	sadd.s32 s22, s0  }
0x2b9: {  	[hbm4b:s0+s23] =	stream.linear.scatter [tilespmem:s24], [sflag:$0x3], $0x1C00, $0x38;
	[tilespmem:$0x1EA00] =	vst v63  }
0x2ba: {  	_ =	swait.ge [sflag:s25], $0xC400  }
0x2bb: {  	[sflag:s25] =	ssyncset.done $0x0  }
0x2bc: {  	s26 =	simm.s32 $0x0;
	s0 =	simm.s32 @!p1 $0x4;
	[sflag:s25] =	ssyncadd.s32 $0xFFFF3C00  }
0x2bd: {  	s30 =	sand.u32 $0x60, s26;
	s3 =	sand.u32 $0x7FFFFF80, s26;
	_ =	swait.ge @!p1 [sflag:s0], $0x1C00  }
0x2be: {  	s31 =	sor.u32 $0x10, s30;
	s1 =	sadd.s32 $0xC400, s3;
	[sflag:s0] =	ssyncset.done @!p1 $0x0  }
0x2bf: {  	s28 =	sadd.s32 $0xC800, s3;
	s12 =	sor.u32 s31, s1;
	[sflag:s0] =	ssyncadd.s32 @!p1 $0xFFFFE400  }
0x2c0: {  	s9 =	sadd.s32 $0xCC00, s3;
	s13 =	sor.u32 s31, s28;
	v7 =	vld [tilespmem:s12+$0x0]  }
0x2c1: {  	s11 =	sadd.s32 $0xD000, s3;
	s14 =	sor.u32 s31, s9;
	v8 =	vld [tilespmem:s13+$0x0]  }
0x2c2: {  	s15 =	sor.u32 s31, s11;
	s12 =	sadd.s32 $0xD400, s3;
	v9 =	vld [tilespmem:s14+$0x0]  }
0x2c3: {  	s13 =	sadd.s32 $0xD800, s3;
	v10 =	vld [tilespmem:s15+$0x0];
	s16 =	sor.u32 s31, s12  }
0x2c4: {  	s14 =	sadd.s32 $0xDC00, s3;
	s17 =	sor.u32 s31, s13;
	v11 =	vld [tilespmem:s16+$0x0]  }
0x2c5: {  	s18 =	sor.u32 s31, s14;
	v12 =	vld [tilespmem:s17+$0x0]  }
0x2c6: {  	v7 =	vmax.f32 v7, v8;
	v8 =	vld [tilespmem:s18+$0x0]  }
0x2c7: {  	v7 =	vmax.f32 v7, v9  }
0x2c8: {  	v7 =	vmax.f32 v7, v10  }
0x2c9: {  	v7 =	vmax.f32 v7, v11  }
0x2ca: {  	s8 =	sadd.s32 $0x1A400, s3;
	v7 =	vmax.f32 v7, v12  }
0x2cb: {  	s1 =	sor.u32 s30, s1;
	s19 =	sor.u32 s31, s8;
	s0 =	sadd.s32 $0xE000, s3;
	v7 =	vmax.f32 v7, v8  }
0x2cc: {  	s20 =	sor.u32 s31, s0;
	v8 =	vld [tilespmem:s1+$0x0];
	s1 =	sadd.s32 $0xE400, s3;
	[tilespmem:s19+$0x0] =	vst v7  }
0x2cd: {  	s2 =	sadd.s32 $0xE800, s3;
	s21 =	sor.u32 s31, s1;
	v7 =	vld [tilespmem:s20+$0x0]  }
0x2ce: {  	s6 =	sadd.s32 $0xEC00, s3;
	s22 =	sor.u32 s31, s2;
	v9 =	vld [tilespmem:s21+$0x0]  }
0x2cf: {  	s7 =	sadd.s32 $0xF000, s3;
	s23 =	sor.u32 s31, s6;
	v10 =	vld [tilespmem:s22+$0x0]  }
0x2d0: {  	s10 =	sadd.s32 $0xF400, s3;
	s24 =	sor.u32 s31, s7;
	v11 =	vld [tilespmem:s23+$0x0]  }
0x2d1: {  	s5 =	sadd.s32 $0xF800, s3;
	s25 =	sor.u32 s31, s10;
	v12 =	vld [tilespmem:s24+$0x0]  }
0x2d2: {  	s26 =	sor.u32 s31, s5;
	v13 =	vld [tilespmem:s25+$0x0]  }
0x2d3: {  	s4 =	sor.u32 s30, s28;
	v7 =	vmax.f32 v7, v9;
	v9 =	vld [tilespmem:s26+$0x0]  }
0x2d4: {  	s9 =	sor.u32 s30, s9;
	v14 =	vld [tilespmem:s4+$0x0];
	v7 =	vmax.f32 v7, v10  }
0x2d5: {  	s28 =	sor.u32 s30, s11;
	v10 =	vld [tilespmem:s9+$0x0];
	v7 =	vmax.f32 v7, v11  }
0x2d6: {  	s11 =	sor.u32 s30, s12;
	v11 =	vld [tilespmem:s28+$0x0];
	v7 =	vmax.f32 v7, v12  }
0x2d7: {  	s12 =	sor.u32 s30, s13;
	s18 =	sadd.s32 $0x1A800, s3;
	v12 =	vld [tilespmem:s11+$0x0];
	v7 =	vmax.f32 v7, v13  }
0x2d8: {  	s4 =	sadd.s32 $0xFC00, s3;
	s13 =	sor.u32 s30, s14;
	s14 =	sor.u32 s31, s18;
	v13 =	vld [tilespmem:s12+$0x0];
	v7 =	vmax.f32 v7, v9  }
0x2d9: {  	s15 =	sor.u32 s31, s4;
	s20 =	sadd.s32 $0x10000, s3;
	v9 =	vld [tilespmem:s13+$0x0];
	[tilespmem:s14+$0x0] =	vst v7  }
0x2da: {  	s22 =	sadd.s32 $0x10400, s3;
	s16 =	sor.u32 s31, s20;
	v7 =	vld [tilespmem:s15+$0x0]  }
0x2db: {  	s23 =	sadd.s32 $0x10800, s3;
	s17 =	sor.u32 s31, s22;
	v15 =	vld [tilespmem:s16+$0x0]  }
0x2dc: {  	s25 =	sadd.s32 $0x10C00, s3;
	s19 =	sor.u32 s31, s23;
	v45 =	vld [tilespmem:s17+$0x0]  }
0x2dd: {  	s21 =	sor.u32 s31, s25;
	s26 =	sadd.s32 $0x11000, s3;
	v46 =	vld [tilespmem:s19+$0x0]  }
0x2de: {  	s24 =	sor.u32 s31, s26;
	s14 =	sadd.s32 $0x11400, s3;
	v47 =	vld [tilespmem:s21+$0x0]  }
0x2df: {  	v8 =	vmax.f32 v8, v14;
	v14 =	vld [tilespmem:s24+$0x0];
	s28 =	sor.u32 s31, s14  }
0x2e0: {  	v8 =	vmax.f32 v8, v10;
	v10 =	vld [tilespmem:s28+$0x0];
	v7 =	vmax.f32 v7, v15  }
0x2e1: {  	v8 =	vmax.f32 v8, v11;
	v7 =	vmax.f32 v7, v45  }
0x2e2: {  	v8 =	vmax.f32 v8, v12;
	v7 =	vmax.f32 v7, v46  }
0x2e3: {  	v8 =	vmax.f32 v8, v13;
	v7 =	vmax.f32 v7, v47  }
0x2e4: {  	s11 =	sor.u32 s30, s8;
	s8 =	sadd.s32 $0x1AC00, s3;
	v8 =	vmax.f32 v8, v9;
	v7 =	vmax.f32 v7, v14  }
0x2e5: {  	s12 =	sor.u32 s30, s0;
	s0 =	sadd.s32 $0x11800, s3;
	s13 =	sor.u32 s31, s8;
	[tilespmem:s11+$0x0] =	vst v8;
	v7 =	vmax.f32 v7, v10  }
0x2e6: {  	s15 =	sor.u32 s31, s0;
	s11 =	sadd.s32 $0x11C00, s3;
	v8 =	vld [tilespmem:s12+$0x0];
	[tilespmem:s13+$0x0] =	vst v7  }
0x2e7: {  	s12 =	sadd.s32 $0x12000, s3;
	s16 =	sor.u32 s31, s11;
	v7 =	vld [tilespmem:s15+$0x0]  }
0x2e8: {  	s9 =	sadd.s32 $0x12400, s3;
	s17 =	sor.u32 s31, s12;
	v9 =	vld [tilespmem:s16+$0x0]  }
0x2e9: {  	s19 =	sor.u32 s31, s9;
	s13 =	sadd.s32 $0x12800, s3;
	v10 =	vld [tilespmem:s17+$0x0]  }
0x2ea: {  	v11 =	vld [tilespmem:s19+$0x0];
	s15 =	sadd.s32 $0x12C00, s3;
	s21 =	sor.u32 s31, s13  }
0x2eb: {  	s16 =	sadd.s32 $0x13000, s3;
	v12 =	vld [tilespmem:s21+$0x0];
	s24 =	sor.u32 s31, s15  }
0x2ec: {  	s28 =	sor.u32 s31, s16;
	v13 =	vld [tilespmem:s24+$0x0]  }
0x2ed: {  	s1 =	sor.u32 s30, s1;
	v14 =	vld [tilespmem:s28+$0x0];
	v7 =	vmax.f32 v7, v9  }
0x2ee: {  	s17 =	sor.u32 s30, s2;
	v9 =	vld [tilespmem:s1+$0x0];
	v7 =	vmax.f32 v7, v10  }
0x2ef: {  	s19 =	sor.u32 s30, s6;
	v10 =	vld [tilespmem:s17+$0x0];
	v7 =	vmax.f32 v7, v11  }
0x2f0: {  	s21 =	sor.u32 s30, s7;
	v11 =	vld [tilespmem:s19+$0x0];
	v7 =	vmax.f32 v7, v12  }
0x2f1: {  	s24 =	sor.u32 s30, s10;
	s10 =	sadd.s32 $0x1B000, s3;
	v12 =	vld [tilespmem:s21+$0x0];
	v7 =	vmax.f32 v7, v13  }
0x2f2: {  	s5 =	sor.u32 s30, s5;
	s28 =	sor.u32 s31, s10;
	s1 =	sadd.s32 $0x13400, s3;
	v13 =	vld [tilespmem:s24+$0x0];
	v7 =	vmax.f32 v7, v14  }
0x2f3: {  	s2 =	sadd.s32 $0x13800, s3;
	s7 =	sor.u32 s31, s1;
	v14 =	vld [tilespmem:s5+$0x0];
	[tilespmem:s28+$0x0] =	vst v7  }
0x2f4: {  	s6 =	sadd.s32 $0x13C00, s3;
	s17 =	sor.u32 s31, s2;
	v7 =	vld [tilespmem:s7+$0x0]  }
0x2f5: {  	s29 =	sadd.s32 $0x14000, s3;
	s19 =	sor.u32 s31, s6;
	v15 =	vld [tilespmem:s17+$0x0]  }
0x2f6: {  	s21 =	sor.u32 s31, s29;
	s5 =	sadd.s32 $0x14400, s3;
	v48 =	vld [tilespmem:s19+$0x0]  }
0x2f7: {  	v49 =	vld [tilespmem:s21+$0x0];
	s17 =	sadd.s32 $0x14800, s3;
	s19 =	sor.u32 s31, s5  }
0x2f8: {  	v8 =	vmax.f32 v8, v9;
	s28 =	sadd.s32 $0x14C00, s3;
	v50 =	vld [tilespmem:s19+$0x0];
	s24 =	sor.u32 s31, s17  }
0x2f9: {  	v8 =	vmax.f32 v8, v10;
	s7 =	sor.u32 s31, s28;
	v51 =	vld [tilespmem:s24+$0x0]  }
0x2fa: {  	v8 =	vmax.f32 v8, v11;
	v9 =	vld [tilespmem:s7+$0x0];
	v7 =	vmax.f32 v7, v15  }
0x2fb: {  	v8 =	vmax.f32 v8, v12;
	v7 =	vmax.f32 v7, v48  }
0x2fc: {  	s19 =	sadd.s32 $0x1B400, s3;
	v8 =	vmax.f32 v8, v13;
	v7 =	vmax.f32 v7, v49  }
0x2fd: {  	s18 =	sor.u32 s30, s18;
	[smem:$0x77F] =	sst s19;
	v8 =	vmax.f32 v8, v14;
	v7 =	vmax.f32 v7, v50  }
0x2fe: {  	s21 =	sadd.s32 $0x15000, s3;
	[tilespmem:s18+$0x0] =	vst v8;
	v7 =	vmax.f32 v7, v51  }
0x2ff: {  	s24 =	sor.u32 s31, s19;
	[smem:$0x780] =	sst s21;
	v7 =	vmax.f32 v7, v9  }
0x300: {  	s4 =	sor.u32 s30, s4;
	s7 =	sadd.s32 $0x15400, s3;
	[tilespmem:s24+$0x0] =	vst v7  }
0x301: {  	s21 =	sor.u32 s31, s21;
	v8 =	vld [tilespmem:s4+$0x0];
	s24 =	sadd.s32 $0x15800, s3;
	[smem:$0x781] =	sst s7  }
0x302: {  	s7 =	sor.u32 s31, s7;
	v7 =	vld [tilespmem:s21+$0x0];
	[smem:$0x782] =	sst s24;
	s21 =	sadd.s32 $0x15C00, s3  }
0x303: {  	s19 =	sadd.s32 $0x16000, s3;
	s18 =	sor.u32 s31, s24;
	v9 =	vld [tilespmem:s7+$0x0];
	[smem:$0x783] =	sst s21  }
0x304: {  	s24 =	sor.u32 s31, s21;
	s7 =	sadd.s32 $0x16400, s3;
	v10 =	vld [tilespmem:s18+$0x0];
	[smem:$0x784] =	sst s19  }
0x305: {  	s21 =	sor.u32 s31, s19;
	v11 =	vld [tilespmem:s24+$0x0];
	[smem:$0x785] =	sst s7;
	s24 =	sadd.s32 $0x16800, s3  }
0x306: {  	s7 =	sor.u32 s31, s7;
	v12 =	vld [tilespmem:s21+$0x0];
	[smem:$0x786] =	sst s24  }
0x307: {  	s18 =	sor.u32 s31, s24;
	v13 =	vld [tilespmem:s7+$0x0]  }
0x308: {  	s19 =	sor.u32 s30, s20;
	s20 =	sor.u32 s30, s22;
	v14 =	vld [tilespmem:s18+$0x0];
	v7 =	vmax.f32 v7, v9  }
0x309: {  	s22 =	sor.u32 s30, s25;
	v15 =	vld [tilespmem:s20+$0x0];
	v7 =	vmax.f32 v7, v10  }
0x30a: {  	s25 =	sor.u32 s30, s14;
	s21 =	sor.u32 s30, s23;
	v52 =	vld [tilespmem:s22+$0x0];
	v7 =	vmax.f32 v7, v11  }
0x30b: {  	s23 =	sor.u32 s30, s26;
	s24 =	sadd.s32 $0x1B800, s3;
	s26 =	sadd.s32 $0x16C00, s3;
	v9 =	vld [tilespmem:s19+$0x0];
	v7 =	vmax.f32 v7, v12  }
0x30c: {  	s7 =	sor.u32 s31, s24;
	s18 =	sadd.s32 $0x17000, s3;
	v11 =	vld [tilespmem:s21+$0x0];
	[smem:$0x787] =	sst s24;
	v7 =	vmax.f32 v7, v13  }
0x30d: {  	s20 =	sor.u32 s31, s26;
	s21 =	sadd.s32 $0x17400, s3;
	v53 =	vld [tilespmem:s23+$0x0];
	[smem:$0x789] =	sst s26;
	v7 =	vmax.f32 v7, v14  }
0x30e: {  	s22 =	sor.u32 s31, s18;
	s23 =	sadd.s32 $0x17800, s3;
	s24 =	sor.u32 s31, s21;
	[tilespmem:s7+$0x0] =	vst v7  }
0x30f: {  	s26 =	sor.u32 s31, s23;
	v14 =	vld [tilespmem:s25+$0x0];
	s25 =	sadd.s32 $0x17C00, s3;
	[smem:$0x78A] =	sst s18  }
0x310: {  	v7 =	vmax.f32 v8, v9;
	s7 =	sadd.s32 $0x18000, s3;
	s14 =	sor.u32 s31, s25;
	v10 =	vld [tilespmem:s20+$0x0];
	[smem:$0x78B] =	sst s21  }
0x311: {  	v7 =	vmax.f32 v7, v15;
	s18 =	sadd.s32 $0x18400, s3;
	s19 =	sor.u32 s31, s7;
	v13 =	vld [tilespmem:s22+$0x0];
	[smem:$0x78C] =	sst s23  }
0x312: {  	v7 =	vmax.f32 v7, v11;
	s20 =	sor.u32 s30, s8;
	s21 =	sor.u32 s31, s18;
	v12 =	vld [tilespmem:s24+$0x0];
	[smem:$0x78D] =	sst s25  }
0x313: {  	v7 =	vmax.f32 v7, v52;
	s23 =	simm.s32 $0x20;
	s24 =	sor.u32 s30, s12;
	v11 =	vld [tilespmem:s26+$0x0];
	[smem:$0x78E] =	sst s7  }
0x314: {  	v7 =	vmax.f32 v7, v53;
	s8 =	sand.u32 $0x60, s23;
	s12 =	sand.u32 $0x7FFFFF80, s23;
	v9 =	vld [tilespmem:s14+$0x0];
	[smem:$0x78F] =	sst s18  }
0x315: {  	s22 =	sor.u32 s30, s11;
	v7 =	vmax.f32 v7, v14;
	s4 =	sadd.s32 $0xC400, s12;
	s11 =	sor.u32 $0x10, s8;
	v8 =	vld [tilespmem:s19+$0x0]  }
0x316: {  	s25 =	sor.u32 s30, s9;
	s9 =	sadd.s32 $0xC800, s12;
	s26 =	sor.u32 s11, s4;
	[tilespmem:s20+$0x0] =	vst v7;
	v7 =	vld [tilespmem:s21+$0x0]  }
0x317: {  	s7 =	sor.u32 s11, s9;
	v56 =	vld [tilespmem:s26+$0x0]  }
0x318: {  	s0 =	sor.u32 s30, s0;
	v57 =	vld [tilespmem:s7+$0x0]  }
0x319: {  	v14 =	vld [tilespmem:s0+$0x0]  }
0x31a: {  	v15 =	vld [tilespmem:s22+$0x0]  }
0x31b: {  	s18 =	sadd.s32 $0xCC00, s12;
	v54 =	vld [tilespmem:s24+$0x0]  }
0x31c: {  	s19 =	sadd.s32 $0xD000, s12;
	s14 =	sor.u32 s11, s18;
	v55 =	vld [tilespmem:s25+$0x0]  }
0x31d: {  	v58 =	vld [tilespmem:s14+$0x0];
	s22 =	sadd.s32 $0xD400, s12;
	s20 =	sor.u32 s11, s19  }
0x31e: {  	s25 =	sadd.s32 $0xD800, s12;
	v59 =	vld [tilespmem:s20+$0x0];
	s21 =	sor.u32 s11, s22  }
0x31f: {  	s0 =	sadd.s32 $0xDC00, s12;
	s23 =	sor.u32 s11, s25;
	v60 =	vld [tilespmem:s21+$0x0]  }
0x320: {  	s24 =	sor.u32 s11, s0;
	v23 =	vld [tilespmem:s23+$0x0]  }
0x321: {  	s4 =	sor.u32 s8, s4;
	v24 =	vld [tilespmem:s24+$0x0];
	v18 =	vmax.f32 v56, v57  }
0x322: {  	s13 =	sor.u32 s30, s13;
	v32 =	vld [tilespmem:s4+$0x0];
	v18 =	vmax.f32 v18, v58  }
0x323: {  	s26 =	sor.u32 s30, s15;
	v61 =	vld [tilespmem:s13+$0x0];
	v18 =	vmax.f32 v18, v59  }
0x324: {  	s7 =	sor.u32 s30, s16;
	v62 =	vld [tilespmem:s26+$0x0];
	v18 =	vmax.f32 v18, v60  }
0x325: {  	s15 =	sor.u32 s8, s18;
	v63 =	vld [tilespmem:s7+$0x0];
	s14 =	sadd.s32 $0x1A400, s12;
	v18 =	vmax.f32 v18, v23  }
0x326: {  	s13 =	sor.u32 s8, s9;
	s9 =	sadd.s32 $0xE000, s12;
	v34 =	vld [tilespmem:s15+$0x0];
	s16 =	sor.u32 s11, s14;
	v18 =	vmax.f32 v18, v24  }
0x327: {  	v33 =	vld [tilespmem:s13+$0x0];
	s20 =	sadd.s32 $0xE400, s12;
	s18 =	sor.u32 s11, s9;
	[tilespmem:s16+$0x0] =	vst v18  }
0x328: {  	s21 =	sor.u32 s11, s20;
	s16 =	sadd.s32 $0xE800, s12;
	v18 =	vld [tilespmem:s18+$0x0]  }
0x329: {  	s13 =	sadd.s32 $0xEC00, s12;
	v25 =	vld [tilespmem:s21+$0x0];
	s23 =	sor.u32 s11, s16  }
0x32a: {  	s24 =	sor.u32 s11, s13;
	s18 =	sadd.s32 $0xF000, s12;
	v26 =	vld [tilespmem:s23+$0x0]  }
0x32b: {  	v27 =	vld [tilespmem:s24+$0x0];
	s21 =	sadd.s32 $0xF400, s12;
	s26 =	sor.u32 s11, s18  }
0x32c: {  	v14 =	vmax.f32 v14, v15;
	s23 =	sadd.s32 $0xF800, s12;
	s7 =	sor.u32 s11, s21;
	v28 =	vld [tilespmem:s26+$0x0]  }
0x32d: {  	v14 =	vmax.f32 v14, v54;
	v15 =	vld [tilespmem:s7+$0x0];
	s15 =	sor.u32 s11, s23  }
0x32e: {  	s19 =	sor.u32 s8, s19;
	v14 =	vmax.f32 v14, v55;
	v35 =	vld [tilespmem:s15+$0x0];
	v36 =	vmax.f32 v18, v25  }
0x32f: {  	v37 =	vld [tilespmem:s19+$0x0];
	s25 =	sor.u32 s8, s25;
	v14 =	vmax.f32 v14, v61;
	v17 =	vmax.f32 v36, v26  }
0x330: {  	s0 =	sor.u32 s8, s0;
	v39 =	vld [tilespmem:s25+$0x0];
	v14 =	vmax.f32 v14, v62;
	v17 =	vmax.f32 v17, v27  }
0x331: {  	v40 =	vld [tilespmem:s0+$0x0];
	v14 =	vmax.f32 v14, v63;
	s24 =	sor.u32 s8, s22;
	s26 =	sor.u32 s30, s10;
	v17 =	vmax.f32 v17, v28  }
0x332: {  	s1 =	sor.u32 s30, s1;
	v38 =	vld [tilespmem:s24+$0x0];
	[tilespmem:s26+$0x0] =	vst v14;
	s26 =	sadd.s32 $0x1A800, s12;
	v15 =	vmax.f32 v17, v15  }
0x333: {  	s2 =	sor.u32 s30, s2;
	s22 =	sadd.s32 $0xFC00, s12;
	v14 =	vld [tilespmem:s1+$0x0];
	s4 =	sor.u32 s11, s26;
	v16 =	vmax.f32 v15, v35  }
0x334: {  	s19 =	sadd.s32 $0x10000, s12;
	s7 =	sor.u32 s11, s22;
	v15 =	vld [tilespmem:s2+$0x0];
	[tilespmem:s4+$0x0] =	vst v16  }
0x335: {  	s10 =	sor.u32 s11, s19;
	v16 =	vld [tilespmem:s7+$0x0];
	s7 =	sadd.s32 $0x10400, s12  }
0x336: {  	s1 =	sadd.s32 $0x10800, s12;
	v41 =	vld [tilespmem:s10+$0x0];
	s15 =	sor.u32 s11, s7  }
0x337: {  	s24 =	sor.u32 s11, s1;
	s2 =	sadd.s32 $0x10C00, s12;
	v42 =	vld [tilespmem:s15+$0x0]  }
0x338: {  	v22 =	vmax.f32 v32, v33;
	s4 =	sadd.s32 $0x11000, s12;
	s25 =	sor.u32 s11, s2;
	v43 =	vld [tilespmem:s24+$0x0]  }
0x339: {  	v22 =	vmax.f32 v22, v34;
	v44 =	vld [tilespmem:s25+$0x0];
	s0 =	sor.u32 s11, s4;
	s15 =	sadd.s32 $0x11400, s12  }
0x33a: {  	v18 =	vmax.f32 v22, v37;
	v45 =	vld [tilespmem:s0+$0x0];
	s24 =	sor.u32 s11, s15  }
0x33b: {  	s6 =	sor.u32 s30, s6;
	v18 =	vmax.f32 v18, v38;
	v46 =	vld [tilespmem:s24+$0x0];
	v16 =	vmax.f32 v16, v41  }
0x33c: {  	s5 =	sor.u32 s30, s5;
	v47 =	vld [tilespmem:s6+$0x0];
	v18 =	vmax.f32 v18, v39;
	v16 =	vmax.f32 v16, v42  }
0x33d: {  	v49 =	vld [tilespmem:s5+$0x0];
	v18 =	vmax.f32 v18, v40;
	s25 =	sor.u32 s30, s29;
	s0 =	sor.u32 s8, s14;
	v16 =	vmax.f32 v16, v43  }
0x33e: {  	s9 =	sor.u32 s8, s9;
	v48 =	vld [tilespmem:s25+$0x0];
	[tilespmem:s0+$0x0] =	vst v18;
	v16 =	vmax.f32 v16, v44  }
0x33f: {  	s10 =	sor.u32 s8, s20;
	s14 =	sadd.s32 $0x1AC00, s12;
	v18 =	vld [tilespmem:s9+$0x0];
	v16 =	vmax.f32 v16, v45  }
0x340: {  	s16 =	sor.u32 s8, s16;
	s20 =	sor.u32 s11, s14;
	v50 =	vld [tilespmem:s10+$0x0];
	s24 =	sadd.s32 $0x11800, s12;
	v16 =	vmax.f32 v16, v46  }
0x341: {  	v51 =	vld [tilespmem:s16+$0x0];
	s25 =	sor.u32 s11, s24;
	[tilespmem:s20+$0x0] =	vst v16;
	s20 =	sadd.s32 $0x11C00, s12  }
0x342: {  	s9 =	sadd.s32 $0x12000, s12;
	v16 =	vld [tilespmem:s25+$0x0];
	s0 =	sor.u32 s11, s20  }
0x343: {  	s16 =	sadd.s32 $0x12400, s12;
	s6 =	sor.u32 s11, s9;
	v52 =	vld [tilespmem:s0+$0x0]  }
0x344: {  	s10 =	sor.u32 s11, s16;
	v53 =	vld [tilespmem:s6+$0x0];
	s6 =	sadd.s32 $0x12800, s12  }
0x345: {  	s5 =	sadd.s32 $0x12C00, s12;
	v54 =	vld [tilespmem:s10+$0x0];
	s25 =	sor.u32 s11, s6  }
0x346: {  	s0 =	sor.u32 s11, s5;
	v55 =	vld [tilespmem:s25+$0x0];
	s25 =	sadd.s32 $0x13000, s12  }
0x347: {  	v56 =	vld [tilespmem:s0+$0x0];
	s0 =	sor.u32 s11, s25  }
0x348: {  	s13 =	sor.u32 s8, s13;
	v57 =	vld [tilespmem:s0+$0x0];
	v16 =	vmax.f32 v16, v52  }
0x349: {  	s18 =	sor.u32 s8, s18;
	v58 =	vld [tilespmem:s13+$0x0];
	v16 =	vmax.f32 v16, v53  }
0x34a: {  	v59 =	vld [tilespmem:s18+$0x0];
	s13 =	sor.u32 s8, s23;
	v16 =	vmax.f32 v16, v54  }
0x34b: {  	s18 =	sor.u32 s30, s17;
	v61 =	vld [tilespmem:s13+$0x0];
	v16 =	vmax.f32 v16, v55  }
0x34c: {  	s13 =	sadd.s32 $0x1B000, s12;
	v62 =	vld [tilespmem:s18+$0x0];
	s0 =	sor.u32 s8, s21;
	v16 =	vmax.f32 v16, v56  }
0x34d: {  	s23 =	sadd.s32 $0x13400, s12;
	s21 =	sor.u32 s30, s28;
	s28 =	sor.u32 s11, s13;
	v60 =	vld [tilespmem:s0+$0x0];
	v16 =	vmax.f32 v16, v57  }
0x34e: {  	v63 =	vld [tilespmem:s21+$0x0];
	s21 =	sadd.s32 $0x13800, s12;
	s0 =	sor.u32 s11, s23;
	[tilespmem:s28+$0x0] =	vst v16  }
0x34f: {  	s18 =	sadd.s32 $0x13C00, s12;
	v18 =	vmax.f32 v18, v50;
	s17 =	sor.u32 s11, s21;
	v16 =	vld [tilespmem:s0+$0x0]  }
0x350: {  	v18 =	vmax.f32 v18, v51;
	s10 =	sadd.s32 $0x14000, s12;
	s28 =	sor.u32 s11, s18;
	v35 =	vld [tilespmem:s17+$0x0]  }
0x351: {  	v18 =	vmax.f32 v18, v58;
	v36 =	vld [tilespmem:s28+$0x0];
	s17 =	sadd.s32 $0x14400, s12;
	s0 =	sor.u32 s11, s10  }
0x352: {  	v18 =	vmax.f32 v18, v59;
	s28 =	sadd.s32 $0x14800, s12;
	v37 =	vld [tilespmem:s0+$0x0];
	s29 =	sor.u32 s11, s17;
	s0 =	sadd.s32 $0x14C00, s12  }
0x353: {  	v18 =	vmax.f32 v18, v60;
	v38 =	vld [tilespmem:s29+$0x0];
	[smem:$0x788] =	sst s0;
	s29 =	sor.u32 s11, s28  }
0x354: {  	s26 =	sor.u32 s8, s26;
	v18 =	vmax.f32 v18, v61;
	v39 =	vld [tilespmem:s29+$0x0];
	s29 =	sor.u32 s11, s0  }
0x355: {  	s22 =	sor.u32 s8, s22;
	[tilespmem:s26+$0x0] =	vst v18;
	v40 =	vld [tilespmem:s29+$0x0];
	v16 =	vmax.f32 v16, v35  }
0x356: {  	s19 =	sor.u32 s8, s19;
	v41 =	vld [tilespmem:s22+$0x0];
	v16 =	vmax.f32 v16, v36  }
0x357: {  	s26 =	sor.u32 s8, s7;
	v29 =	vld [tilespmem:s19+$0x0];
	v16 =	vmax.f32 v16, v37  }
0x358: {  	s1 =	sor.u32 s8, s1;
	v30 =	vld [tilespmem:s26+$0x0];
	s19 =	sadd.s32 $0x1B400, s12;
	v16 =	vmax.f32 v16, v38  }
0x359: {  	s7 =	sor.u32 s8, s2;
	v31 =	vld [tilespmem:s1+$0x0];
	s26 =	sadd.s32 $0x15000, s12;
	[smem:$0x790] =	sst s19;
	v16 =	vmax.f32 v16, v39  }
0x35a: {  	s1 =	sor.u32 s11, s19;
	v32 =	vld [tilespmem:s7+$0x0];
	[smem:$0x791] =	sst s26;
	v16 =	vmax.f32 v16, v40  }
0x35b: {  	s22 =	sor.u32 s8, s4;
	[tilespmem:s1+$0x0] =	vst v16;
	s1 =	sadd.s32 $0x15400, s12  }
0x35c: {  	s19 =	sadd.s32 $0x15800, s12;
	s7 =	sor.u32 s11, s26;
	v33 =	vld [tilespmem:s22+$0x0];
	[smem:$0x792] =	sst s1  }
0x35d: {  	s26 =	sadd.s32 $0x15C00, s12;
	s22 =	sor.u32 s11, s1;
	v16 =	vld [tilespmem:s7+$0x0];
	[smem:$0x793] =	sst s19  }
0x35e: {  	s4 =	sadd.s32 $0x16000, s12;
	s1 =	sor.u32 s11, s19;
	v42 =	vld [tilespmem:s22+$0x0];
	[smem:$0x794] =	sst s26  }
0x35f: {  	v14 =	vmax.f32 v14, v15;
	s7 =	sor.u32 s11, s26;
	s19 =	sadd.s32 $0x16400, s12;
	v15 =	vld [tilespmem:s1+$0x0];
	[smem:$0x795] =	sst s4  }
0x360: {  	v14 =	vmax.f32 v14, v47;
	v43 =	vld [tilespmem:s7+$0x0];
	[smem:$0x796] =	sst s19  }
0x361: {  	v14 =	vmax.f32 v14, v48;
	s22 =	sor.u32 s11, s4;
	s4 =	sor.u32 s11, s19;
	s19 =	sld [smem:$0x77F]  }
0x362: {  	v14 =	vmax.f32 v14, v49  }
0x363: {  	v14 =	vmax.f32 v14, v62;
	s26 =	sadd.s32 $0x16800, s12  }
0x364: {  	v14 =	vmax.f32 v14, v63;
	v44 =	vld [tilespmem:s22+$0x0];
	[smem:$0x797] =	sst s26;
	s0 =	sor.u32 s30, s19  }
0x365: {  	[tilespmem:s0+$0x0] =	vst v14  }
0x366: {  	s0 =	sld [smem:$0x780]  }
0x367: {  	s7 =	sor.u32 s11, s26;
	v45 =	vld [tilespmem:s4+$0x0];
	s26 =	sld [smem:$0x781]  }
0x368: {  	s22 =	sor.u32 s8, s15;
	v46 =	vld [tilespmem:s7+$0x0];
	v16 =	vmax.f32 v16, v42;
	s1 =	sld [smem:$0x782]  }
0x369: {  	v14 =	vld [tilespmem:s22+$0x0];
	v15 =	vmax.f32 v16, v15;
	s2 =	sld [smem:$0x783];
	s0 =	sor.u32 s30, s0  }
0x36a: {  	v15 =	vmax.f32 v15, v43;
	v21 =	vld [tilespmem:s0+$0x0];
	s0 =	sor.u32 s30, s26  }
0x36b: {  	s4 =	sadd.s32 $0x1B800, s12;
	s7 =	sld [smem:$0x784];
	v15 =	vmax.f32 v15, v44;
	v24 =	vld [tilespmem:s0+$0x0];
	s0 =	sor.u32 s30, s1  }
0x36c: {  	s15 =	sadd.s32 $0x16C00, s12;
	v15 =	vmax.f32 v15, v45;
	v22 =	vld [tilespmem:s0+$0x0];
	s0 =	sor.u32 s30, s2;
	[smem:$0x798] =	sst s4  }
0x36d: {  	v15 =	vmax.f32 v15, v46;
	s1 =	sor.u32 s11, s4;
	v23 =	vld [tilespmem:s0+$0x0];
	[smem:$0x799] =	sst s15  }
0x36e: {  	s19 =	sadd.s32 $0x17000, s12;
	s0 =	sor.u32 s30, s7;
	[tilespmem:s1+$0x0] =	vst v15  }
0x36f: {  	s22 =	sor.u32 s11, s15;
	s26 =	sadd.s32 $0x17400, s12;
	v25 =	vld [tilespmem:s0+$0x0];
	[smem:$0x79A] =	sst s19  }
0x370: {  	s4 =	sor.u32 s11, s19;
	s7 =	sadd.s32 $0x17800, s12;
	v15 =	vmax.f32 v41, v29;
	v17 =	vld [tilespmem:s22+$0x0];
	[smem:$0x79B] =	sst s26  }
0x371: {  	s15 =	sor.u32 s11, s26;
	v15 =	vmax.f32 v15, v30;
	s19 =	sadd.s32 $0x17C00, s12;
	v20 =	vld [tilespmem:s4+$0x0];
	[smem:$0x79C] =	sst s7  }
0x372: {  	v15 =	vmax.f32 v15, v31;
	s22 =	sor.u32 s11, s7;
	s26 =	sadd.s32 $0x18000, s12;
	v19 =	vld [tilespmem:s15+$0x0];
	[smem:$0x79D] =	sst s19  }
0x373: {  	v15 =	vmax.f32 v15, v32;
	s4 =	sor.u32 s11, s19;
	s7 =	sadd.s32 $0x18400, s12;
	v18 =	vld [tilespmem:s22+$0x0];
	[smem:$0x79E] =	sst s26  }
0x374: {  	v47 =	vmax.f32 v15, v33;
	s15 =	sor.u32 s11, s26;
	v16 =	vld [tilespmem:s4+$0x0];
	[smem:$0x79F] =	sst s7  }
0x375: {  	s19 =	sor.u32 s8, s14;
	v14 =	vmax.f32 v47, v14;
	s22 =	sor.u32 s11, s7;
	v15 =	vld [tilespmem:s15+$0x0]  }
0x376: {  	s24 =	sor.u32 s8, s24;
	[tilespmem:s19+$0x0] =	vst v14;
	v14 =	vld [tilespmem:s22+$0x0]  }
0x377: {  	s26 =	sor.u32 s8, s20;
	v48 =	vld [tilespmem:s24+$0x0]  }
0x378: {  	s1 =	sor.u32 s8, s9;
	v49 =	vld [tilespmem:s26+$0x0]  }
0x379: {  	s2 =	sor.u32 s8, s16;
	v50 =	vld [tilespmem:s1+$0x0]  }
0x37a: {  	s4 =	sor.u32 s8, s6;
	v51 =	vld [tilespmem:s2+$0x0];
	s15 =	sld [smem:$0x785]  }
0x37b: {  	s6 =	sor.u32 s8, s5;
	v52 =	vld [tilespmem:s4+$0x0];
	s16 =	sld [smem:$0x786]  }
0x37c: {  	s9 =	simm.s32 $0x40;
	s7 =	sor.u32 s8, s25;
	v53 =	vld [tilespmem:s6+$0x0]  }
0x37d: {  	s14 =	sand.u32 $0x60, s9;
	s25 =	sand.u32 $0x7FFFFF80, s9;
	v34 =	vld [tilespmem:s7+$0x0];
	s0 =	sor.u32 s30, s15  }
0x37e: {  	s20 =	sor.u32 $0x10, s14;
	s1 =	sadd.s32 $0xC400, s25;
	v30 =	vld [tilespmem:s0+$0x0];
	s0 =	sor.u32 s30, s16  }
0x37f: {  	s19 =	sor.u32 s20, s1;
	v31 =	vld [tilespmem:s0+$0x0];
	s0 =	sadd.s32 $0xC800, s25  }
0x380: {  	s2 =	sadd.s32 $0xCC00, s25;
	v35 =	vld [tilespmem:s19+$0x0];
	s22 =	sor.u32 s20, s0  }
0x381: {  	s4 =	sadd.s32 $0xD000, s25;
	s24 =	sor.u32 s20, s2;
	v36 =	vld [tilespmem:s22+$0x0]  }
0x382: {  	s26 =	sadd.s32 $0xD400, s25;
	s7 =	sor.u32 s20, s4;
	v37 =	vld [tilespmem:s24+$0x0]  }
0x383: {  	s9 =	sadd.s32 $0xD800, s25;
	v38 =	vld [tilespmem:s7+$0x0];
	s15 =	sor.u32 s20, s26  }
0x384: {  	s29 =	sadd.s32 $0xDC00, s25;
	v39 =	vld [tilespmem:s15+$0x0];
	s16 =	sor.u32 s20, s9  }
0x385: {  	s19 =	sor.u32 s20, s29;
	v40 =	vld [tilespmem:s16+$0x0]  }
0x386: {  	s1 =	sor.u32 s14, s1;
	v41 =	vld [tilespmem:s19+$0x0];
	v35 =	vmax.f32 v35, v36  }
0x387: {  	v54 =	vld [tilespmem:s1+$0x0];
	s24 =	sor.u32 s14, s4;
	v35 =	vmax.f32 v35, v37  }
0x388: {  	s1 =	sor.u32 s14, s9;
	v57 =	vld [tilespmem:s24+$0x0];
	v35 =	vmax.f32 v35, v38  }
0x389: {  	s26 =	sor.u32 s14, s26;
	v59 =	vld [tilespmem:s1+$0x0];
	v35 =	vmax.f32 v35, v39  }
0x38a: {  	v58 =	vld [tilespmem:s26+$0x0];
	s16 =	sadd.s32 $0x1A400, s25;
	s0 =	sor.u32 s14, s0;
	v35 =	vmax.f32 v35, v40  }
0x38b: {  	s15 =	sadd.s32 $0xE000, s25;
	v55 =	vld [tilespmem:s0+$0x0];
	s22 =	sor.u32 s14, s2;
	s2 =	sor.u32 s20, s16;
	v35 =	vmax.f32 v35, v41  }
0x38c: {  	s19 =	sadd.s32 $0xE400, s25;
	s4 =	sor.u32 s20, s15;
	v56 =	vld [tilespmem:s22+$0x0];
	[tilespmem:s2+$0x0] =	vst v35  }
0x38d: {  	s5 =	sor.u32 s20, s19;
	s22 =	sadd.s32 $0xE800, s25;
	v35 =	vld [tilespmem:s4+$0x0]  }
0x38e: {  	s24 =	sadd.s32 $0xEC00, s25;
	v26 =	vmax.f32 v48, v49;
	s6 =	sor.u32 s20, s22;
	v42 =	vld [tilespmem:s5+$0x0]  }
0x38f: {  	s26 =	sadd.s32 $0xF000, s25;
	s7 =	sor.u32 s20, s24;
	v26 =	vmax.f32 v26, v50;
	v60 =	vld [tilespmem:s6+$0x0]  }
0x390: {  	s9 =	sor.u32 s20, s26;
	v26 =	vmax.f32 v26, v51;
	v61 =	vld [tilespmem:s7+$0x0];
	s7 =	sadd.s32 $0xF400, s25  }
0x391: {  	v26 =	vmax.f32 v26, v52;
	v62 =	vld [tilespmem:s9+$0x0];
	s9 =	sadd.s32 $0xF800, s25;
	s1 =	sor.u32 s20, s7  }
0x392: {  	v26 =	vmax.f32 v26, v53;
	s2 =	sor.u32 s20, s9;
	v43 =	vld [tilespmem:s1+$0x0]  }
0x393: {  	v26 =	vmax.f32 v26, v34;
	s4 =	sor.u32 s8, s13;
	s5 =	sor.u32 s14, s29;
	v63 =	vld [tilespmem:s2+$0x0];
	v42 =	vmax.f32 v35, v42  }
0x394: {  	s6 =	sor.u32 s8, s23;
	[tilespmem:s4+$0x0] =	vst v26;
	v44 =	vld [tilespmem:s5+$0x0];
	v27 =	vmax.f32 v42, v60  }
0x395: {  	s13 =	sor.u32 s8, s21;
	v26 =	vld [tilespmem:s6+$0x0];
	v27 =	vmax.f32 v27, v61  }
0x396: {  	s18 =	sor.u32 s8, s18;
	v32 =	vld [tilespmem:s13+$0x0];
	v27 =	vmax.f32 v27, v62  }
0x397: {  	s21 =	sor.u32 s8, s10;
	s5 =	sadd.s32 $0x1A800, s25;
	v28 =	vld [tilespmem:s18+$0x0];
	v29 =	vmax.f32 v27, v43  }
0x398: {  	s23 =	sor.u32 s8, s17;
	s10 =	sadd.s32 $0xFC00, s25;
	s2 =	sor.u32 s20, s5;
	v27 =	vld [tilespmem:s21+$0x0];
	v29 =	vmax.f32 v29, v63  }
0x399: {  	s4 =	sor.u32 s20, s10;
	s6 =	sadd.s32 $0x10000, s25;
	[tilespmem:s2+$0x0] =	vst v29;
	v29 =	vld [tilespmem:s23+$0x0]  }
0x39a: {  	v46 =	vmax.f32 v54, v55;
	s13 =	sor.u32 s20, s6;
	v45 =	vld [tilespmem:s4+$0x0];
	s4 =	sadd.s32 $0x10400, s25  }
0x39b: {  	v35 =	vmax.f32 v46, v56;
	s2 =	sadd.s32 $0x10800, s25;
	v47 =	vld [tilespmem:s13+$0x0];
	s17 =	sor.u32 s20, s4  }
0x39c: {  	s0 =	sadd.s32 $0x10C00, s25;
	v35 =	vmax.f32 v35, v57;
	s18 =	sor.u32 s20, s2;
	v48 =	vld [tilespmem:s17+$0x0]  }
0x39d: {  	s1 =	sadd.s32 $0x11000, s25;
	v35 =	vmax.f32 v35, v58;
	s21 =	sor.u32 s20, s0;
	v49 =	vld [tilespmem:s18+$0x0]  }
0x39e: {  	s29 =	sadd.s32 $0x11400, s25;
	v35 =	vmax.f32 v35, v59;
	s23 =	sor.u32 s20, s1;
	v50 =	vld [tilespmem:s21+$0x0]  }
0x39f: {  	s16 =	sor.u32 s14, s16;
	v34 =	vmax.f32 v35, v44;
	v51 =	vld [tilespmem:s23+$0x0];
	s17 =	sor.u32 s20, s29  }
0x3a0: {  	s19 =	sor.u32 s14, s19;
	[tilespmem:s16+$0x0] =	vst v34;
	v52 =	vld [tilespmem:s17+$0x0];
	v33 =	vmax.f32 v45, v47  }
0x3a1: {  	v54 =	vld [tilespmem:s19+$0x0];
	s21 =	sor.u32 s14, s22;
	v33 =	vmax.f32 v33, v48  }
0x3a2: {  	s22 =	sor.u32 s14, s24;
	v55 =	vld [tilespmem:s21+$0x0];
	v33 =	vmax.f32 v33, v49  }
0x3a3: {  	s24 =	sadd.s32 $0x1AC00, s25;
	s18 =	sor.u32 s14, s15;
	v56 =	vld [tilespmem:s22+$0x0];
	v33 =	vmax.f32 v33, v50  }
0x3a4: {  	s23 =	sor.u32 s14, s26;
	s26 =	sadd.s32 $0x11800, s25;
	v53 =	vld [tilespmem:s18+$0x0];
	[smem:$0x7A0] =	sst s24;
	v33 =	vmax.f32 v33, v51  }
0x3a5: {  	s17 =	sor.u32 s20, s24;
	v57 =	vld [tilespmem:s23+$0x0];
	[smem:$0x7A1] =	sst s26;
	v33 =	vmax.f32 v33, v52  }
0x3a6: {  	s7 =	sor.u32 s14, s7;
	s18 =	sadd.s32 $0x11C00, s25;
	[tilespmem:s17+$0x0] =	vst v33  }
0x3a7: {  	s19 =	sor.u32 s20, s26;
	s21 =	sadd.s32 $0x12000, s25;
	v58 =	vld [tilespmem:s7+$0x0];
	[smem:$0x7A2] =	sst s18  }
0x3a8: {  	s22 =	sor.u32 s20, s18;
	s23 =	sadd.s32 $0x12400, s25;
	v33 =	vld [tilespmem:s19+$0x0];
	[smem:$0x7A3] =	sst s21  }
0x3a9: {  	v21 =	vmax.f32 v21, v24;
	s24 =	sor.u32 s20, s21;
	s26 =	sadd.s32 $0x12800, s25;
	v59 =	vld [tilespmem:s22+$0x0];
	[smem:$0x7A4] =	sst s23  }
0x3aa: {  	v21 =	vmax.f32 v21, v22;
	v60 =	vld [tilespmem:s24+$0x0];
	[smem:$0x7A5] =	sst s26  }
0x3ab: {  	v21 =	vmax.f32 v21, v23;
	s16 =	sor.u32 s20, s23;
	s18 =	sor.u32 s20, s26;
	s26 =	sld [smem:$0x787]  }
0x3ac: {  	v21 =	vmax.f32 v21, v25;
	s17 =	sadd.s32 $0x12C00, s25;
	s24 =	sor.u32 s8, s28;
	s28 =	sld [smem:$0x788]  }
0x3ad: {  	v21 =	vmax.f32 v21, v30;
	s19 =	sadd.s32 $0x13000, s25;
	v61 =	vld [tilespmem:s16+$0x0];
	[smem:$0x7A6] =	sst s17  }
0x3ae: {  	v21 =	vmax.f32 v21, v31;
	s21 =	sor.u32 s20, s17;
	v62 =	vld [tilespmem:s18+$0x0];
	[smem:$0x7A7] =	sst s19;
	s7 =	sor.u32 s30, s26  }
0x3af: {  	s22 =	sor.u32 s20, s19;
	v63 =	vld [tilespmem:s21+$0x0];
	[tilespmem:s7+$0x0] =	vst v21  }
0x3b0: {  	s23 =	sor.u32 s14, s9;
	v44 =	vld [tilespmem:s22+$0x0];
	s9 =	sor.u32 s8, s28;
	v40 =	vmax.f32 v33, v59;
	s7 =	sld [smem:$0x789]  }
0x3b1: {  	v47 =	vld [tilespmem:s9+$0x0];
	v22 =	vmax.f32 v40, v60;
	s9 =	sld [smem:$0x78A]  }
0x3b2: {  	v45 =	vld [tilespmem:s23+$0x0];
	v22 =	vmax.f32 v22, v61  }
0x3b3: {  	s13 =	sadd.s32 $0x1B000, s25;
	v46 =	vld [tilespmem:s24+$0x0];
	s15 =	sld [smem:$0x78B];
	v48 =	vmax.f32 v22, v62;
	s7 =	sor.u32 s30, s7  }
0x3b4: {  	s16 =	sadd.s32 $0x13400, s25;
	v21 =	vmax.f32 v48, v63;
	v22 =	vld [tilespmem:s7+$0x0];
	s7 =	sor.u32 s30, s9;
	[smem:$0x7A8] =	sst s13  }
0x3b5: {  	v21 =	vmax.f32 v21, v44;
	s9 =	sor.u32 s20, s13;
	v23 =	vld [tilespmem:s7+$0x0];
	[smem:$0x7A9] =	sst s16  }
0x3b6: {  	s17 =	sadd.s32 $0x13800, s25;
	s7 =	sor.u32 s30, s15;
	[tilespmem:s9+$0x0] =	vst v21  }
0x3b7: {  	s18 =	sor.u32 s20, s16;
	v21 =	vld [tilespmem:s7+$0x0];
	[smem:$0x7AA] =	sst s17  }
0x3b8: {  	v50 =	vmax.f32 v53, v54;
	s19 =	sor.u32 s20, s17;
	s15 =	sadd.s32 $0x13C00, s25;
	v49 =	vld [tilespmem:s18+$0x0]  }
0x3b9: {  	v33 =	vmax.f32 v50, v55;
	s16 =	sadd.s32 $0x14000, s25;
	s21 =	sor.u32 s20, s15;
	v51 =	vld [tilespmem:s19+$0x0]  }
0x3ba: {  	s23 =	sadd.s32 $0x14800, s25;
	v33 =	vmax.f32 v33, v56;
	s22 =	sor.u32 s20, s16;
	s17 =	sadd.s32 $0x14400, s25;
	v52 =	vld [tilespmem:s21+$0x0]  }
0x3bb: {  	s26 =	sadd.s32 $0x14C00, s25;
	v33 =	vmax.f32 v33, v57;
	v53 =	vld [tilespmem:s22+$0x0];
	[smem:$0x7AB] =	sst s23;
	s24 =	sor.u32 s20, s17  }
0x3bc: {  	s28 =	sor.u32 s20, s23;
	v33 =	vmax.f32 v33, v58;
	v54 =	vld [tilespmem:s24+$0x0];
	[smem:$0x7AD] =	sst s26  }
0x3bd: {  	s5 =	sor.u32 s14, s5;
	v25 =	vmax.f32 v33, v45;
	s9 =	sor.u32 s20, s26;
	v55 =	vld [tilespmem:s28+$0x0]  }
0x3be: {  	s10 =	sor.u32 s14, s10;
	[tilespmem:s5+$0x0] =	vst v25;
	v56 =	vld [tilespmem:s9+$0x0];
	v24 =	vmax.f32 v49, v51  }
0x3bf: {  	s13 =	sor.u32 s14, s6;
	v57 =	vld [tilespmem:s10+$0x0];
	v24 =	vmax.f32 v24, v52  }
0x3c0: {  	s4 =	sor.u32 s14, s4;
	v58 =	vld [tilespmem:s13+$0x0];
	v24 =	vmax.f32 v24, v53  }
0x3c1: {  	s2 =	sor.u32 s14, s2;
	s18 =	sadd.s32 $0x1B400, s25;
	v59 =	vld [tilespmem:s4+$0x0];
	v24 =	vmax.f32 v24, v54  }
0x3c2: {  	s0 =	sor.u32 s14, s0;
	s21 =	sadd.s32 $0x15000, s25;
	v60 =	vld [tilespmem:s2+$0x0];
	[smem:$0x7AF] =	sst s18;
	v24 =	vmax.f32 v24, v55  }
0x3c3: {  	s22 =	sor.u32 s20, s18;
	v61 =	vld [tilespmem:s0+$0x0];
	[smem:$0x7B1] =	sst s21;
	v24 =	vmax.f32 v24, v56  }
0x3c4: {  	[tilespmem:s22+$0x0] =	vst v24  }
0x3c5: {  	s23 =	sld [smem:$0x78C]  }
0x3c6: {  	s28 =	sld [smem:$0x78D]  }
0x3c7: {  	s7 =	sadd.s32 $0x1BC00, s3;
	s19 =	sor.u32 s14, s1;
	s2 =	sld [smem:$0x78E]  }
0x3c8: {  	s26 =	sadd.s32 $0x15400, s25;
	s24 =	sor.u32 s20, s21;
	s5 =	sld [smem:$0x78F]  }
0x3c9: {  	s1 =	sor.u32 s20, s26;
	s18 =	sld [smem:$0x790];
	s0 =	sor.u32 s30, s23  }
0x3ca: {  	v62 =	vld [tilespmem:s19+$0x0];
	[smem:$0x7B9] =	sst s0;
	s0 =	sor.u32 s30, s28;
	s28 =	sadd.s32 $0x15800, s25  }
0x3cb: {  	v26 =	vmax.f32 v26, v32;
	v24 =	vld [tilespmem:s24+$0x0];
	[dreg:$0xd] =	wrdreg s0;
	s0 =	sor.u32 s30, s2;
	s24 =	sadd.s32 $0x15C00, s25  }
0x3cc: {  	v26 =	vmax.f32 v26, v28;
	s4 =	sor.u32 s20, s28;
	v63 =	vld [tilespmem:s1+$0x0];
	[dreg:$0x15] =	wrdreg s0;
	s0 =	sor.u32 s30, s5  }
0x3cd: {  	v26 =	vmax.f32 v26, v27;
	s22 =	sadd.s32 $0x16000, s25;
	s6 =	sor.u32 s20, s24;
	v39 =	vld [tilespmem:s4+$0x0];
	[dreg:$0x14] =	wrdreg s0  }
0x3ce: {  	v26 =	vmax.f32 v26, v29;
	s10 =	sor.u32 s30, s7;
	s9 =	sor.u32 s20, s22;
	s3 =	sld [smem:$0x792];
	v40 =	vld [tilespmem:s6+$0x0]  }
0x3cf: {  	v26 =	vmax.f32 v26, v46;
	s0 =	sor.u32 s31, s7;
	v41 =	vld [tilespmem:s9+$0x0];
	[dreg:$0xc] =	wrdreg s10  }
0x3d0: {  	v26 =	vmax.f32 v26, v47;
	[smem:$0x7B6] =	sst s0;
	s0 =	sor.u32 s8, s18  }
0x3d1: {  	s2 =	sld [smem:$0x791];
	[tilespmem:s0+$0x0] =	vst v26  }
0x3d2: {  	s0 =	sld [smem:$0x793]  }
0x3d3: {  	s7 =	sld [smem:$0x796]  }
0x3d4: {  	s23 =	sadd.s32 $0x16400, s25;
	s9 =	sld [smem:$0x797]  }
0x3d5: {  	s21 =	sadd.s32 $0x16800, s25;
	s13 =	sor.u32 s20, s23;
	s10 =	sld [smem:$0x798]  }
0x3d6: {  	s19 =	sor.u32 s20, s21;
	v42 =	vld [tilespmem:s13+$0x0];
	s13 =	sld [smem:$0x799]  }
0x3d7: {  	s1 =	sor.u32 s8, s2;
	v43 =	vld [tilespmem:s19+$0x0];
	s18 =	sld [smem:$0x79A]  }
0x3d8: {  	s4 =	sor.u32 s14, s29;
	v45 =	vld [tilespmem:s1+$0x0];
	s19 =	sld [smem:$0x79B];
	s1 =	sor.u32 s8, s7  }
0x3d9: {  	v44 =	vld [tilespmem:s4+$0x0];
	[smem:$0x7B7] =	sst s1;
	s1 =	sor.u32 s8, s9  }
0x3da: {  	[smem:$0x7B8] =	sst s1;
	s1 =	sor.u32 s8, s10  }
0x3db: {  	s2 =	sor.u32 s8, s3;
	[dreg:$0x16] =	wrdreg s1;
	s1 =	sor.u32 s8, s13  }
0x3dc: {  	v46 =	vld [tilespmem:s2+$0x0];
	[dreg:$0x13] =	wrdreg s1;
	s1 =	sor.u32 s8, s18  }
0x3dd: {  	[dreg:$0x18] =	wrdreg s1;
	s1 =	sor.u32 s8, s19  }
0x3de: {  	[dreg:$0x17] =	wrdreg s1  }
0x3df: {  	s1 =	sld [smem:$0x79C]  }
0x3e0: {  	s2 =	sld [smem:$0x79D]  }
0x3e1: {  	s5 =	sld [smem:$0x794];
	s0 =	sor.u32 s8, s0  }
0x3e2: {  	v47 =	vld [tilespmem:s0+$0x0];
	s0 =	sor.u32 s8, s1  }
0x3e3: {  	[dreg:$0xf] =	wrdreg s0;
	s0 =	sor.u32 s8, s2  }
0x3e4: {  	v24 =	vmax.f32 v24, v63;
	s3 =	sor.u32 s8, s5;
	[dreg:$0x10] =	wrdreg s0  }
0x3e5: {  	v24 =	vmax.f32 v24, v39;
	v48 =	vld [tilespmem:s3+$0x0];
	s3 =	sld [smem:$0x79E]  }
0x3e6: {  	v24 =	vmax.f32 v24, v40  }
0x3e7: {  	v24 =	vmax.f32 v24, v41  }
0x3e8: {  	s6 =	sld [smem:$0x795];
	v24 =	vmax.f32 v24, v42;
	s13 =	sadd.s32 $0x1B800, s25;
	s0 =	sor.u32 s8, s3  }
0x3e9: {  	v24 =	vmax.f32 v24, v43;
	s5 =	sor.u32 s20, s13;
	[dreg:$0x11] =	wrdreg s0  }
0x3ea: {  	[tilespmem:s5+$0x0] =	vst v24  }
0x3eb: {  	s4 =	sor.u32 s8, s6;
	s6 =	sld [smem:$0x79F];
	_ =	sdelay $0x1  }
0x3ec: {  	v51 =	vmax.f32 v57, v58;
	s9 =	sadd.s32 $0x1BC00, s12;
	s3 =	sld [smem:$0x7A0]  }
0x3ed: {  	v32 =	vmax.f32 v51, v59;
	s10 =	sadd.s32 $0x17000, s25;
	s19 =	sadd.s32 $0x16C00, s25;
	s0 =	sor.u32 s8, s6  }
0x3ee: {  	v32 =	vmax.f32 v32, v60;
	s12 =	sor.u32 s20, s10;
	s7 =	sor.u32 s20, s19;
	v49 =	vld [tilespmem:s4+$0x0];
	[dreg:$0x12] =	wrdreg s0  }
0x3ef: {  	v32 =	vmax.f32 v32, v61;
	s18 =	sor.u32 s8, s9;
	s5 =	sld [smem:$0x7A1];
	s2 =	sor.u32 s14, s3;
	v50 =	vld [tilespmem:s7+$0x0]  }
0x3f0: {  	v25 =	vmax.f32 v32, v62;
	v52 =	vld [tilespmem:s12+$0x0];
	[dreg:$0xe] =	wrdreg s18;
	s12 =	sadd.s32 $0x17800, s25;
	s18 =	sor.u32 s11, s9  }
0x3f1: {  	v25 =	vmax.f32 v25, v44;
	s9 =	sadd.s32 $0x17C00, s25;
	s7 =	sld [smem:$0x7A2];
	s1 =	sor.u32 s20, s12  }
0x3f2: {  	s4 =	sor.u32 s20, s9;
	v54 =	vld [tilespmem:s1+$0x0];
	s1 =	sld [smem:$0x7A3];
	[tilespmem:s2+$0x0] =	vst v25  }
0x3f3: {  	s3 =	sor.u32 s14, s5;
	v55 =	vld [tilespmem:s4+$0x0];
	s4 =	sld [smem:$0x7A4]  }
0x3f4: {  	v58 =	vld [tilespmem:s3+$0x0];
	s3 =	sld [smem:$0x7A8]  }
0x3f5: {  	s8 =	sadd.s32 $0x18400, s25;
	s5 =	sor.u32 s14, s7;
	s2 =	sld [smem:$0x7A5]  }
0x3f6: {  	s30 =	sor.u32 s20, s8;
	v59 =	vld [tilespmem:s5+$0x0];
	s5 =	sld [smem:$0x7AA]  }
0x3f7: {  	s29 =	sadd.s32 $0x17400, s25;
	v57 =	vld [tilespmem:s30+$0x0];
	s30 =	sor.u32 s14, s3;
	s3 =	sld [smem:$0x7A9]  }
0x3f8: {  	s0 =	sor.u32 s20, s29  }
0x3f9: {  	v53 =	vld [tilespmem:s0+$0x0];
	s0 =	sor.u32 s14, s1;
	s1 =	sor.u32 s14, s4;
	s4 =	sor.u32 s14, s2  }
0x3fa: {  	s2 =	sor.u32 s14, s3;
	s3 =	sor.u32 s14, s5;
	s5 =	sld [smem:$0x7AB]  }
0x3fb: {  	_ =	sdelay $0x1  }
0x3fc: {  	v60 =	vld [tilespmem:s0+$0x0];
	s0 =	sor.u32 s14, s5;
	s5 =	sld [smem:$0x7AD]  }
0x3fd: {  	s11 =	sadd.s32 $0x18000, s25  }
0x3fe: {  	s6 =	sor.u32 s20, s11  }
0x3ff: {  	v56 =	vld [tilespmem:s6+$0x0];
	[smem:$0x7AC] =	sst s0;
	s0 =	sor.u32 s14, s5  }
0x400: {  	[smem:$0x7AE] =	sst s0  }
0x401: {  	v61 =	vld [tilespmem:s1+$0x0];
	s1 =	sld [smem:$0x7AF]  }
0x402: {  	s6 =	sld [smem:$0x7A6]  }
0x403: {  	s5 =	sld [smem:$0x7B1]  }
0x404: {  	v10 =	vmax.f32 v10, v13;
	s7 =	sld [smem:$0x7A7];
	s0 =	sor.u32 s14, s1  }
0x405: {  	v10 =	vmax.f32 v10, v12;
	v12 =	vmax.f32 v17, v20;
	s1 =	sor.u32 s14, s26;
	[smem:$0x7B0] =	sst s0  }
0x406: {  	v10 =	vmax.f32 v10, v11;
	v11 =	vmax.f32 v12, v19;
	s0 =	sor.u32 s14, s5;
	[smem:$0x7B2] =	sst s1  }
0x407: {  	v9 =	vmax.f32 v10, v9;
	v10 =	vmax.f32 v11, v18;
	s22 =	sor.u32 s14, s22;
	[dreg:$0x1f] =	wrdreg s0  }
0x408: {  	v8 =	vmax.f32 v9, v8;
	v9 =	vmax.f32 v10, v16;
	v10 =	vmax.f32 v50, v52;
	v62 =	vld [tilespmem:s4+$0x0];
	[smem:$0x7B5] =	sst s22  }
0x409: {  	v7 =	vmax.f32 v8, v7;
	v8 =	vmax.f32 v9, v15;
	v9 =	vmax.f32 v10, v53;
	s5 =	sor.u32 s14, s24;
	s22 =	sor.u32 s14, s23;
	s23 =	sld [smem:$0x7B6]  }
0x40a: {  	v9 =	vmax.f32 v9, v54;
	s4 =	sor.u32 s14, s28;
	[smem:$0x7B4] =	sst s5  }
0x40b: {  	s15 =	sor.u32 s14, s15;
	v11 =	vmax.f32 v45, v46;
	v9 =	vmax.f32 v9, v55;
	[smem:$0x7B3] =	sst s4  }
0x40c: {  	v8 =	vmax.f32 v8, v14;
	s16 =	sor.u32 s14, s16;
	s17 =	sor.u32 s14, s17;
	v9 =	vmax.f32 v9, v56;
	s24 =	sadd.s32 $0x1BC00, s25;
	[tilespmem:s23+$0x0] =	vst v7;
	v7 =	vmax.f32 v11, v47  }
0x40d: {  	s6 =	sor.u32 s14, s6;
	s26 =	sor.u32 s20, s24;
	s1 =	sld [smem:$0x7B7];
	[tilespmem:s18+$0x0] =	vst v8;
	v63 =	vmax.f32 v7, v48;
	v7 =	vmax.f32 v9, v57  }
0x40e: {  	s21 =	sor.u32 s14, s21;
	s7 =	sor.u32 s14, s7;
	v12 =	vld [tilespmem:s6+$0x0];
	s25 =	sld [smem:$0x7B8];
	[tilespmem:s26+$0x0] =	vst v7  }
0x40f: {  	s31 =	sor.u32 s14, s10;
	s13 =	sor.u32 s14, s13;
	v15 =	vmax.f32 v58, v59;
	v13 =	vld [tilespmem:s7+$0x0];
	s28 =	sld [smem:$0x7B9]  }
0x410: {  	s29 =	sor.u32 s14, s29;
	v15 =	vmax.f32 v15, v60;
	s0 =	sor.u32 s14, s19;
	s19 =	sor.u32 s14, s8;
	v10 =	vld [tilespmem:s1+$0x0]  }
0x411: {  	v14 =	vmax.f32 v22, v23;
	v15 =	vmax.f32 v15, v61;
	s10 =	sor.u32 s14, s24;
	s20 =	simm.s32 $0x4;
	s6 =	sor.u32 s14, s12;
	v11 =	vld [tilespmem:s25+$0x0]  }
0x412: {  	s12 =	sor.u32 s14, s11;
	v7 =	vmax.f32 v14, v21;
	v9 =	vmax.f32 v63, v49;
	v14 =	vmax.f32 v15, v62;
	s1 =	sor.u32 s14, s9;
	s25 =	simm.s32 $0x60;
	v8 =	vld [tilespmem:s28+$0x0]  }
.LBB2_9:
0x413: {  	[smem:$0x77A] =	sst s22  }
0x414: {  	[smem:$0x77B] =	sst s21  }
0x415: {  	[smem:$0x77C] =	sst s6  }
0x416: {  	s4 =	rddreg [dreg:$0xd]  }
0x417: {  	s5 =	rddreg [dreg:$0x10]  }
0x418: {  	s28 =	sand.u32 $0x60, s25;
	s26 =	sand.u32 $0x7FFFFF80, s25;
	s24 =	rddreg [dreg:$0x15]  }
0x419: {  	s6 =	smov.u32 s1;
	s14 =	sor.u32 $0x10, s28;
	s7 =	sadd.s32 $0xC800, s26;
	v12 =	vmax.f32 v14, v12;
	v14 =	vld [tilespmem:s4+$0x0]  }
0x41a: {  	s9 =	rddreg [dreg:$0x14];
	s22 =	smov.u32 s5;
	s11 =	sor.u32 s14, s7;
	v9 =	vmax.f32 v9, v10;
	v12 =	vmax.f32 v12, v13;
	v13 =	vld [tilespmem:s24+$0x0]  }
0x41b: {  	s23 =	sadd.s32 $0xC400, s26;
	[dreg:$0x10] =	wrdreg s6;
	s8 =	sadd.s32 $0xCC00, s26;
	v9 =	vmax.f32 v9, v11;
	v11 =	vld [tilespmem:s11+$0x0];
	[tilespmem:s30+$0x0] =	vst v12  }
0x41c: {  	[dreg:$0xd] =	wrdreg s22;
	s1 =	sor.u32 s28, s23;
	s4 =	sor.u32 s14, s23;
	v10 =	vld [tilespmem:s9+$0x0]  }
0x41d: {  	s6 =	sor.u32 s28, s7;
	s18 =	sor.u32 s14, s8;
	v12 =	vld [tilespmem:s4+$0x0];
	s9 =	sadd.s32 $0xD000, s26  }
0x41e: {  	s7 =	rddreg [dreg:$0x16];
	v7 =	vmax.f32 v7, v8;
	v8 =	vld [tilespmem:s18+$0x0];
	s11 =	sadd.s32 $0xD400, s26;
	s21 =	sor.u32 s14, s9  }
0x41f: {  	s22 =	sadd.s32 $0xD800, s26;
	s24 =	sadd.s32 $0xDC00, s26;
	s23 =	sor.u32 s14, s11;
	[tilespmem:s7+$0x0] =	vst v9;
	v7 =	vmax.f32 v7, v14;
	v9 =	vld [tilespmem:s21+$0x0]  }
0x420: {  	s18 =	sor.u32 s14, s24;
	s7 =	sor.u32 s14, s22;
	v7 =	vmax.f32 v7, v13;
	v13 =	vld [tilespmem:s23+$0x0]  }
0x421: {  	s4 =	sor.u32 s28, s24;
	s24 =	smov.u32 s13;
	s23 =	rddreg [dreg:$0xc];
	v7 =	vmax.f32 v7, v10;
	v10 =	vld [tilespmem:s7+$0x0]  }
0x422: {  	s5 =	sor.u32 s28, s8;
	[dreg:$0x16] =	wrdreg s24;
	s24 =	smov.u32 s19;
	[tilespmem:s23+$0x0] =	vst v7;
	v7 =	vmax.f32 v12, v11;
	v11 =	vld [tilespmem:s18+$0x0]  }
0x423: {  	s8 =	sor.u32 s28, s9;
	s9 =	sor.u32 s28, s11;
	s11 =	rddreg [dreg:$0x11];
	v12 =	vld [tilespmem:s1+$0x0];
	v7 =	vmax.f32 v7, v8  }
0x424: {  	s19 =	sadd.s32 $0xE400, s26;
	s21 =	sor.u32 s28, s22;
	s22 =	rddreg [dreg:$0x12];
	v8 =	vld [tilespmem:s6+$0x0];
	v7 =	vmax.f32 v7, v9  }
0x425: {  	s13 =	smov.u32 s11;
	[dreg:$0x12] =	wrdreg s24;
	s24 =	sadd.s32 $0xEC00, s26;
	v9 =	vld [tilespmem:s5+$0x0];
	v7 =	vmax.f32 v7, v13  }
0x426: {  	[dreg:$0x15] =	wrdreg s13;
	s13 =	sadd.s32 $0x1A400, s26;
	s18 =	smov.u32 s12;
	v13 =	vld [tilespmem:s8+$0x0];
	v7 =	vmax.f32 v7, v10  }
0x427: {  	[dreg:$0x11] =	wrdreg s18;
	s18 =	sadd.s32 $0xE000, s26;
	s5 =	sor.u32 s14, s13;
	v10 =	vld [tilespmem:s9+$0x0];
	v7 =	vmax.f32 v7, v11  }
0x428: {  	s7 =	rddreg [dreg:$0xe];
	s23 =	smov.u32 s22;
	v11 =	vld [tilespmem:s21+$0x0];
	s21 =	sor.u32 s14, s18;
	[tilespmem:s5+$0x0] =	vst v7  }
0x429: {  	s22 =	sadd.s32 $0xE800, s26;
	[dreg:$0x14] =	wrdreg s23;
	s23 =	sor.u32 s14, s19;
	v7 =	vmax.f32 v12, v8;
	v8 =	vld [tilespmem:s21+$0x0]  }
0x42a: {  	s11 =	smov.u32 s7;
	s12 =	smov.u32 s10;
	s6 =	sor.u32 s14, s22;
	v7 =	vmax.f32 v7, v9;
	v9 =	vld [tilespmem:s23+$0x0]  }
0x42b: {  	s7 =	sadd.s32 $0xF000, s26;
	s1 =	sor.u32 s28, s13;
	s9 =	sor.u32 s14, s24;
	v12 =	vld [tilespmem:s6+$0x0];
	v7 =	vmax.f32 v7, v13  }
0x42c: {  	s13 =	sadd.s32 $0xF400, s26;
	s8 =	sor.u32 s28, s18;
	s18 =	sor.u32 s14, s7;
	v7 =	vmax.f32 v7, v10;
	v10 =	vld [tilespmem:s9+$0x0]  }
0x42d: {  	s10 =	sor.u32 s28, s19;
	s19 =	sadd.s32 $0xF800, s26;
	s21 =	sor.u32 s14, s13;
	v7 =	vmax.f32 v7, v11;
	v11 =	vld [tilespmem:s18+$0x0]  }
0x42e: {  	[dreg:$0xe] =	wrdreg s12;
	s12 =	sor.u32 s28, s24;
	s24 =	sor.u32 s14, s19;
	v13 =	vld [tilespmem:s21+$0x0]  }
0x42f: {  	v8 =	vmax.f32 v8, v9;
	v9 =	vld [tilespmem:s24+$0x0]  }
0x430: {  	v14 =	vld [tilespmem:s4+$0x0];
	v8 =	vmax.f32 v8, v12  }
0x431: {  	v12 =	vld [tilespmem:s15+$0x0];
	v8 =	vmax.f32 v8, v10  }
0x432: {  	v10 =	vld [tilespmem:s2+$0x0];
	v8 =	vmax.f32 v8, v11  }
0x433: {  	[dreg:$0xc] =	wrdreg s11;
	s4 =	sadd.s32 $0x1A800, s26;
	v11 =	vld [tilespmem:s3+$0x0];
	v8 =	vmax.f32 v8, v13  }
0x434: {  	s11 =	sor.u32 s28, s22;
	s5 =	sadd.s32 $0xFC00, s26;
	s2 =	sor.u32 s14, s4;
	v8 =	vmax.f32 v8, v9;
	v9 =	vld [tilespmem:s16+$0x0]  }
0x435: {  	s22 =	sor.u32 s28, s7;
	s6 =	sadd.s32 $0x10000, s26;
	s7 =	sor.u32 s14, s5;
	v7 =	vmax.f32 v7, v14;
	[tilespmem:s2+$0x0] =	vst v8;
	v8 =	vld [tilespmem:s17+$0x0]  }
0x436: {  	s23 =	sor.u32 s28, s13;
	s13 =	sor.u32 s14, s6;
	s9 =	sadd.s32 $0x10400, s26;
	[tilespmem:s1+$0x0] =	vst v7;
	v7 =	vld [tilespmem:s7+$0x0]  }
0x437: {  	s15 =	sadd.s32 $0x10800, s26;
	s1 =	sor.u32 s14, s9;
	v13 =	vld [tilespmem:s13+$0x0]  }
0x438: {  	s16 =	sadd.s32 $0x10C00, s26;
	s17 =	sor.u32 s14, s15;
	v10 =	vmax.f32 v10, v11;
	v11 =	vld [tilespmem:s1+$0x0]  }
0x439: {  	s30 =	sor.u32 s28, s19;
	s18 =	sadd.s32 $0x11000, s26;
	s2 =	sor.u32 s14, s16;
	v10 =	vmax.f32 v10, v12;
	v12 =	vld [tilespmem:s17+$0x0]  }
0x43a: {  	s19 =	sor.u32 s28, s5;
	s5 =	sor.u32 s14, s18;
	s24 =	sadd.s32 $0x11400, s26;
	v9 =	vmax.f32 v10, v9;
	v10 =	vld [tilespmem:s2+$0x0]  }
0x43b: {  	s7 =	sor.u32 s14, s24;
	v8 =	vmax.f32 v9, v8;
	v9 =	vld [tilespmem:s5+$0x0]  }
0x43c: {  	v7 =	vmax.f32 v7, v13;
	v13 =	vld [tilespmem:s7+$0x0]  }
0x43d: {  	v14 =	vld [tilespmem:s8+$0x0];
	v7 =	vmax.f32 v7, v11  }
0x43e: {  	v11 =	vld [tilespmem:s10+$0x0];
	v7 =	vmax.f32 v7, v12  }
0x43f: {  	s21 =	sor.u32 s28, s9;
	s3 =	sor.u32 s28, s4;
	v12 =	vld [tilespmem:s11+$0x0];
	v7 =	vmax.f32 v7, v10  }
0x440: {  	s4 =	sor.u32 s28, s6;
	s9 =	sor.u32 s28, s15;
	s8 =	sadd.s32 $0x1AC00, s26;
	v10 =	vld [tilespmem:s12+$0x0];
	v7 =	vmax.f32 v7, v9  }
0x441: {  	s6 =	sor.u32 s28, s16;
	s2 =	sor.u32 s14, s8;
	s10 =	sadd.s32 $0x11800, s26;
	v9 =	vld [tilespmem:s22+$0x0];
	v7 =	vmax.f32 v7, v13  }
0x442: {  	s15 =	sadd.s32 $0x11C00, s26;
	s13 =	sor.u32 s28, s24;
	s16 =	sor.u32 s14, s10;
	v13 =	vld [tilespmem:s23+$0x0];
	[tilespmem:s2+$0x0] =	vst v7  }
0x443: {  	s1 =	sor.u32 s28, s18;
	s18 =	sor.u32 s14, s15;
	s17 =	sadd.s32 $0x12000, s26;
	v7 =	vmax.f32 v14, v11;
	v11 =	vld [tilespmem:s16+$0x0]  }
0x444: {  	s24 =	sadd.s32 $0x12400, s26;
	s5 =	sor.u32 s14, s17;
	s11 =	sor.u32 s28, s10;
	v7 =	vmax.f32 v7, v12;
	v12 =	vld [tilespmem:s18+$0x0]  }
0x445: {  	s7 =	sadd.s32 $0x12800, s26;
	[smem:$0x779] =	sst s11;
	s11 =	sor.u32 s14, s24;
	v7 =	vmax.f32 v7, v10;
	v10 =	vld [tilespmem:s5+$0x0]  }
0x446: {  	s22 =	sor.u32 s28, s15;
	s15 =	sadd.s32 $0x12C00, s26;
	s16 =	sor.u32 s14, s7;
	v7 =	vmax.f32 v7, v9;
	v9 =	vld [tilespmem:s11+$0x0]  }
0x447: {  	s23 =	sor.u32 s28, s17;
	s17 =	sadd.s32 $0x13000, s26;
	s18 =	sor.u32 s14, s15;
	v7 =	vmax.f32 v7, v13;
	v13 =	vld [tilespmem:s16+$0x0]  }
0x448: {  	s10 =	sor.u32 s28, s24;
	s24 =	sor.u32 s28, s7;
	s7 =	sor.u32 s14, s17;
	v14 =	vld [tilespmem:s18+$0x0]  }
0x449: {  	s16 =	sld [smem:$0x7AE];
	v11 =	vmax.f32 v11, v12;
	v12 =	vld [tilespmem:s7+$0x0]  }
0x44a: {  	v15 =	vld [tilespmem:s30+$0x0];
	s12 =	sor.u32 s28, s8;
	s8 =	sor.u32 s28, s15;
	s15 =	sld [smem:$0x7AC];
	v10 =	vmax.f32 v11, v10  }
0x44b: {  	s18 =	rddreg [dreg:$0x13];
	s7 =	smov.u32 s0;
	v9 =	vmax.f32 v10, v9  }
0x44c: {  	s11 =	sor.u32 s28, s17;
	s17 =	sadd.s32 $0x1B000, s26;
	v11 =	vld [tilespmem:s16+$0x0];
	[dreg:$0x13] =	wrdreg s7;
	v9 =	vmax.f32 v9, v13  }
0x44d: {  	s30 =	sor.u32 s28, s17;
	s16 =	sor.u32 s14, s17;
	s17 =	rddreg [dreg:$0x18];
	v10 =	vld [tilespmem:s15+$0x0];
	v9 =	vmax.f32 v9, v14  }
0x44e: {  	s7 =	rddreg [dreg:$0x17];
	s15 =	sadd.s32 $0x13400, s26;
	v13 =	vld [tilespmem:s18+$0x0];
	v9 =	vmax.f32 v9, v12  }
0x44f: {  	v7 =	vmax.f32 v7, v15;
	s2 =	sor.u32 s28, s15;
	s18 =	sadd.s32 $0x13800, s26;
	s0 =	sor.u32 s14, s15;
	v12 =	vld [tilespmem:s17+$0x0];
	[tilespmem:s16+$0x0] =	vst v9  }
0x450: {  	s17 =	sor.u32 s14, s18;
	v9 =	vld [tilespmem:s7+$0x0];
	[tilespmem:s3+$0x0] =	vst v7;
	s3 =	sor.u32 s28, s18;
	s16 =	sadd.s32 $0x13C00, s26  }
0x451: {  	s18 =	sadd.s32 $0x14000, s26;
	v14 =	vld [tilespmem:s0+$0x0];
	s15 =	sor.u32 s28, s16;
	s7 =	sor.u32 s14, s16  }
0x452: {  	v7 =	vmax.f32 v8, v10;
	v8 =	vld [tilespmem:s17+$0x0];
	s16 =	sor.u32 s28, s18;
	s0 =	sor.u32 s14, s18;
	s18 =	sld [smem:$0x7B0]  }
0x453: {  	s5 =	sadd.s32 $0x14400, s26;
	v10 =	vld [tilespmem:s7+$0x0]  }
0x454: {  	v7 =	vmax.f32 v7, v11;
	v11 =	vld [tilespmem:s0+$0x0];
	s0 =	sor.u32 s14, s5  }
0x455: {  	s17 =	sor.u32 s28, s5;
	s5 =	sadd.s32 $0x14C00, s26;
	[tilespmem:s18+$0x0] =	vst v7;
	s18 =	sadd.s32 $0x14800, s26;
	v7 =	vmax.f32 v13, v12;
	v12 =	vld [tilespmem:s0+$0x0]  }
0x456: {  	s7 =	sor.u32 s28, s18;
	s0 =	sor.u32 s14, s18;
	s18 =	sor.u32 s28, s5;
	v15 =	vld [tilespmem:s13+$0x0]  }
0x457: {  	v7 =	vmax.f32 v7, v9;
	[smem:$0x7AE] =	sst s18;
	v9 =	vld [tilespmem:s0+$0x0];
	s18 =	sor.u32 s14, s5  }
0x458: {  	v8 =	vmax.f32 v14, v8;
	v13 =	vld [tilespmem:s18+$0x0]  }
0x459: {  	v14 =	vld [tilespmem:s19+$0x0];
	v8 =	vmax.f32 v8, v10  }
0x45a: {  	[smem:$0x7AC] =	sst s7;
	v10 =	vld [tilespmem:s4+$0x0];
	v8 =	vmax.f32 v8, v11  }
0x45b: {  	s7 =	smov.u32 s31;
	s19 =	sadd.s32 $0x1B400, s26;
	s5 =	sadd.s32 $0x15000, s26;
	v11 =	vld [tilespmem:s21+$0x0];
	v8 =	vmax.f32 v8, v12  }
0x45c: {  	[dreg:$0x18] =	wrdreg s7;
	s18 =	smov.u32 s29;
	s0 =	sor.u32 s14, s19;
	v12 =	vld [tilespmem:s9+$0x0];
	v8 =	vmax.f32 v8, v9  }
0x45d: {  	[dreg:$0x17] =	wrdreg s18;
	s21 =	sor.u32 s28, s19;
	s18 =	sadd.s32 $0x15800, s26;
	v9 =	vld [tilespmem:s6+$0x0];
	v8 =	vmax.f32 v8, v13  }
0x45e: {  	[smem:$0x7B0] =	sst s21;
	s9 =	sor.u32 s14, s5;
	s6 =	sadd.s32 $0x15400, s26;
	v13 =	vld [tilespmem:s1+$0x0];
	[tilespmem:s0+$0x0] =	vst v8  }
0x45f: {  	s21 =	sadd.s32 $0x15C00, s26;
	s4 =	sor.u32 s14, s18;
	s19 =	sor.u32 s14, s6;
	v8 =	vmax.f32 v14, v10;
	v10 =	vld [tilespmem:s9+$0x0]  }
0x460: {  	s1 =	sor.u32 s28, s5;
	s7 =	sor.u32 s28, s6;
	s5 =	sor.u32 s28, s18;
	v8 =	vmax.f32 v8, v11;
	v11 =	vld [tilespmem:s19+$0x0]  }
0x461: {  	s18 =	sadd.s32 $0x16000, s26;
	s6 =	sadd.s32 $0x16400, s26;
	s19 =	sor.u32 s14, s21;
	v8 =	vmax.f32 v8, v12;
	v12 =	vld [tilespmem:s4+$0x0]  }
0x462: {  	s9 =	sor.u32 s28, s21;
	s21 =	sor.u32 s28, s18;
	s18 =	sor.u32 s14, s18;
	v8 =	vmax.f32 v8, v9;
	v9 =	vld [tilespmem:s19+$0x0]  }
0x463: {  	s19 =	sadd.s32 $0x16800, s26;
	v8 =	vmax.f32 v8, v13;
	v13 =	vld [tilespmem:s18+$0x0];
	s18 =	sor.u32 s14, s6  }
0x464: {  	s4 =	sor.u32 s28, s6;
	s6 =	sor.u32 s28, s19;
	s19 =	sor.u32 s14, s19;
	v14 =	vld [tilespmem:s18+$0x0]  }
0x465: {  	s13 =	sld [smem:$0x7B2];
	v10 =	vmax.f32 v10, v11;
	v11 =	vld [tilespmem:s19+$0x0]  }
0x466: {  	s18 =	rddreg [dreg:$0x1f];
	v10 =	vmax.f32 v10, v12  }
0x467: {  	s19 =	smov.u32 s1;
	v9 =	vmax.f32 v10, v9;
	v10 =	vld [tilespmem:s18+$0x0];
	s18 =	smov.u32 s7;
	s7 =	sld [smem:$0x7B3]  }
0x468: {  	[dreg:$0x1f] =	wrdreg s19;
	v9 =	vmax.f32 v9, v13  }
0x469: {  	s19 =	sadd.s32 $0x1B800, s26;
	[smem:$0x7B2] =	sst s18;
	v9 =	vmax.f32 v9, v14  }
0x46a: {  	s18 =	sor.u32 s14, s19;
	v13 =	vld [tilespmem:s7+$0x0];
	v9 =	vmax.f32 v9, v11;
	s7 =	sld [smem:$0x7B4]  }
0x46b: {  	v12 =	vld [tilespmem:s13+$0x0];
	[tilespmem:s18+$0x0] =	vst v9;
	s18 =	sld [smem:$0x7B5]  }
0x46c: {  	s1 =	sadd.s32 $0x16C00, s26  }
0x46d: {  	s13 =	smov.u32 s5;
	s0 =	sor.u32 s28, s1;
	s1 =	sor.u32 s14, s1;
	v11 =	vld [tilespmem:s7+$0x0]  }
0x46e: {  	v8 =	vmax.f32 v8, v15;
	[smem:$0x7B3] =	sst s13;
	s13 =	sor.u32 s28, s19;
	s19 =	sadd.s32 $0x17000, s26;
	v9 =	vld [tilespmem:s18+$0x0]  }
0x46f: {  	s7 =	sadd.s32 $0x17400, s26;
	[tilespmem:s12+$0x0] =	vst v8;
	v8 =	vld [tilespmem:s1+$0x0];
	s12 =	sor.u32 s14, s19  }
0x470: {  	s31 =	sor.u32 s28, s19;
	v10 =	vmax.f32 v10, v12;
	s18 =	sadd.s32 $0x17800, s26;
	s19 =	sor.u32 s14, s7;
	v14 =	vld [tilespmem:s12+$0x0]  }
0x471: {  	s5 =	sor.u32 s28, s18;
	v12 =	vld [tilespmem:s19+$0x0];
	s12 =	sor.u32 s14, s18;
	v10 =	vmax.f32 v10, v13;
	s18 =	sadd.s32 $0x18000, s26  }
0x472: {  	v13 =	vld [tilespmem:s12+$0x0];
	s12 =	sor.u32 s28, s18;
	s18 =	sor.u32 s14, s18;
	v10 =	vmax.f32 v10, v11  }
0x473: {  	s29 =	sor.u32 s28, s7;
	s7 =	sadd.s32 $0x17C00, s26;
	v9 =	vmax.f32 v10, v9;
	v10 =	vld [tilespmem:s18+$0x0];
	s18 =	smov.u32 s9  }
0x474: {  	s19 =	sor.u32 s14, s7;
	[smem:$0x7B4] =	sst s18  }
0x475: {  	s1 =	sor.u32 s28, s7;
	s7 =	sadd.s32 $0x18400, s26;
	v11 =	vld [tilespmem:s19+$0x0];
	s18 =	sld [smem:$0x779]  }
0x476: {  	v16 =	vld [tilespmem:s22+$0x0];
	s19 =	sor.u32 s28, s7;
	s7 =	sor.u32 s14, s7  }
0x477: {  	v8 =	vmax.f32 v8, v14;
	v14 =	vld [tilespmem:s7+$0x0]  }
0x478: {  	v8 =	vmax.f32 v8, v12;
	v15 =	vld [tilespmem:s18+$0x0]  }
0x479: {  	s20 =	sadd.s32 $0x2, s20;
	v17 =	vld [tilespmem:s23+$0x0];
	v8 =	vmax.f32 v8, v13  }
0x47a: {  	p1 =	slt.u32 s20, $0x3E;
	s22 =	sld [smem:$0x77A];
	v8 =	vmax.f32 v8, v11;
	v11 =	vld [tilespmem:s10+$0x0]  }
0x47b: {  	v18 =	vld [tilespmem:s24+$0x0];
	s23 =	sld [smem:$0x77B];
	s9 =	smov.u32 s21;
	s21 =	sadd.s32 $0x1BC00, s26;
	v8 =	vmax.f32 v8, v10  }
.Ltmp3:
0x47c: {  	s26 =	sld [smem:$0x77C];
	s7 =	sor.u32 s14, s21;
	v12 =	vld [tilespmem:s8+$0x0];
	v8 =	vmax.f32 v8, v14;
	(pc) =	sbr.rel @p1 .LBB2_9-.Ltmp3, $4  }
0x47d: {  	s24 =	rddreg [dreg:$0xf];
	v13 =	vld [tilespmem:s11+$0x0];
	[tilespmem:s7+$0x0] =	vst v8;
	v8 =	vmax.f32 v15, v16  }
0x47e: {  	s25 =	sadd.s32 $0x20, s25;
	[smem:$0x7B5] =	sst s9;
	v10 =	vld [tilespmem:s22+$0x0];
	v8 =	vmax.f32 v8, v17  }
0x47f: {  	s10 =	sor.u32 s28, s21;
	s21 =	smov.u32 s6;
	s28 =	smov.u32 s26;
	v8 =	vmax.f32 v8, v11;
	v11 =	vld [tilespmem:s23+$0x0]  }
0x480: {  	s6 =	smov.u32 s5;
	s22 =	smov.u32 s4;
	[dreg:$0xf] =	wrdreg s28;
	v14 =	vmax.f32 v8, v18;
	v8 =	vld [tilespmem:s24+$0x0]  }
0x481: {  	v12 =	vmax.f32 v14, v12  }
0x482: {  	v12 =	vmax.f32 v12, v13  }
0x483: {  	[tilespmem:s30+$0x0] =	vst v12  }
0x484: {  	v12 =	vld [tilespmem:s2+$0x0]  }
0x485: {  	v44 =	vld [tilespmem:s3+$0x0]  }
0x486: {  	v45 =	vld [tilespmem:s15+$0x0];
	s28 =	sld [smem:$0x7AC]  }
0x487: {  	v15 =	vld [tilespmem:s16+$0x0];
	s30 =	sld [smem:$0x7AE]  }
0x488: {  	v16 =	vld [tilespmem:s17+$0x0]  }
0x489: {  	s3 =	rddreg [dreg:$0xd];
	v17 =	vld [tilespmem:s28+$0x0]  }
0x48a: {  	v9 =	vmax.f32 v9, v10;
	s4 =	rddreg [dreg:$0x15];
	v18 =	vld [tilespmem:s30+$0x0];
	v12 =	vmax.f32 v12, v44  }
0x48b: {  	v9 =	vmax.f32 v9, v11;
	s7 =	rddreg [dreg:$0x16];
	v12 =	vmax.f32 v12, v45  }
0x48c: {  	s5 =	rddreg [dreg:$0x14];
	[tilespmem:s7+$0x0] =	vst v9;
	v12 =	vmax.f32 v12, v15  }
0x48d: {  	s8 =	sld [smem:$0x7B0];
	v47 =	vmax.f32 v12, v16  }
0x48e: {  	v10 =	vmax.f32 v47, v17  }
0x48f: {  	v50 =	vmax.f32 v10, v18  }
0x490: {  	v46 =	vld [tilespmem:s3+$0x0];
	s2 =	rddreg [dreg:$0x13];
	[tilespmem:s8+$0x0] =	vst v50  }
0x491: {  	v51 =	vld [tilespmem:s2+$0x0];
	s2 =	rddreg [dreg:$0x1f]  }
0x492: {  	v48 =	vld [tilespmem:s4+$0x0];
	s9 =	sld [smem:$0x7B2]  }
0x493: {  	v49 =	vld [tilespmem:s5+$0x0];
	s11 =	sld [smem:$0x7B3]  }
0x494: {  	s14 =	sld [smem:$0x7B4];
	v9 =	vld [tilespmem:s2+$0x0]  }
0x495: {  	s15 =	sld [smem:$0x7B5];
	v52 =	vld [tilespmem:s9+$0x0]  }
0x496: {  	v53 =	vld [tilespmem:s11+$0x0]  }
0x497: {  	v54 =	vld [tilespmem:s14+$0x0]  }
0x498: {  	v55 =	vld [tilespmem:s15+$0x0]  }
0x499: {  	v56 =	vld [tilespmem:s22+$0x0]  }
0x49a: {  	v19 =	vld [tilespmem:s21+$0x0];
	s16 =	rddreg [dreg:$0x18];
	v9 =	vmax.f32 v9, v52  }
0x49b: {  	s17 =	rddreg [dreg:$0x17];
	v57 =	vld [tilespmem:s16+$0x0];
	v9 =	vmax.f32 v9, v53  }
0x49c: {  	s18 =	rddreg [dreg:$0xf];
	v58 =	vld [tilespmem:s17+$0x0];
	v9 =	vmax.f32 v9, v54  }
0x49d: {  	s20 =	rddreg [dreg:$0x10];
	v59 =	vld [tilespmem:s18+$0x0];
	v9 =	vmax.f32 v9, v55  }
0x49e: {  	s21 =	rddreg [dreg:$0x11];
	v60 =	vld [tilespmem:s20+$0x0];
	v9 =	vmax.f32 v9, v56  }
0x49f: {  	s22 =	rddreg [dreg:$0x12];
	v61 =	vld [tilespmem:s21+$0x0];
	v9 =	vmax.f32 v9, v19  }
0x4a0: {  	v62 =	vld [tilespmem:s22+$0x0];
	[tilespmem:s13+$0x0] =	vst v9  }
0x4a1: {  	v9 =	vld [tilespmem:s0+$0x0]  }
0x4a2: {  	v20 =	vld [tilespmem:s31+$0x0]  }
0x4a3: {  	v21 =	vld [tilespmem:s29+$0x0]  }
0x4a4: {  	v22 =	vld [tilespmem:s6+$0x0]  }
0x4a5: {  	v23 =	vld [tilespmem:s1+$0x0]  }
0x4a6: {  	v7 =	vmax.f32 v7, v8;
	v10 =	vmax.f32 v51, v57;
	v24 =	vld [tilespmem:s12+$0x0]  }
0x4a7: {  	v7 =	vmax.f32 v7, v46;
	v8 =	vmax.f32 v10, v58;
	v63 =	vld [tilespmem:s19+$0x0];
	v9 =	vmax.f32 v9, v20  }
0x4a8: {  	v7 =	vmax.f32 v7, v48;
	v8 =	vmax.f32 v8, v59;
	v9 =	vmax.f32 v9, v21  }
0x4a9: {  	v7 =	vmax.f32 v7, v49;
	v8 =	vmax.f32 v8, v60;
	s23 =	rddreg [dreg:$0xc];
	v9 =	vmax.f32 v9, v22  }
0x4aa: {  	v8 =	vmax.f32 v8, v61;
	[tilespmem:s23+$0x0] =	vst v7;
	v9 =	vmax.f32 v9, v23  }
0x4ab: {  	v7 =	vmax.f32 v8, v62;
	s0 =	rddreg [dreg:$0xe];
	v8 =	vmax.f32 v9, v24  }
0x4ac: {  	[tilespmem:s0+$0x0] =	vst v7;
	v7 =	vmax.f32 v8, v63  }
0x4ad: {  	[tilespmem:s10+$0x0] =	vst v7  }
0x4ae: {  	s0 =	sld [smem:$0x77D]  }
0x4af: {  	s3 =	rddreg [dreg:$0x0]  }
0x4b0: {  	s2 =	simm.s32 @!p0 $0xC400;
	s24 =	sld [smem:$0x7FC]  }
0x4b1: {  	s1 =	simm.s32 @!p0 $0x31;
	s25 =	sld [smem:$0x77E];
	s0 =	sadd.s32 @!p0 $0x1C180, s0  }
0x4b2: {  	[tilespmem:s2], [sflag:$0x2] =	stream.indirect.gather @!p0 [hbm4b:s3+s1], $0x400, s0, s1, $0xb8;
	[tilespmem:$0x1EA00] =	vst v63  }
0x4b3: {  	s1 =	sld [smem:$0x7FA];
	_ =	sdelay $0x1  }
0x4b4: {  	s0 =	sadd.s32 s25, s24  }
0x4b5: {  	p0 =	slt.s32 s0, s1  }
0x4b6: {  	s31 =	sld [smem:$0x7EA];
	s1 =	smov.u32 @p0 s0  }
0x4b7: {  	p0 =	slt.s32 s1, $0x27FB  }
0x4b8: {  	s1 =	simm.s32 @!p0 $0x27FB  }
0x4b9: {  	s26 =	sshll.u32 s1, $0x7;
	s1 =	sadd.s32 $0x1, s31  }
0x4ba: {  	p0 =	sne.s32 s1, $0x17  }
.Ltmp4:
0x4bb: {  	_ = 	snop;
	(pc) =	sbr.rel @p0 .LBB2_6-.Ltmp4, $4  }
0x4bc: {  	_ = 	snop  }
0x4bd: {  	s28 =	rddreg [dreg:$0x3];
	s0 =	sand.u32 $0x1FFFFF80, s26  }
0x4be: {  	s30 =	simm.s32 $0x1A400;
	s29 =	simm.s32 $0x0;
	s0 =	sadd.s32 s28, s0  }
0x4bf: {  	[hbm4b:s0+s29] =	stream.linear.scatter [tilespmem:s30], [sflag:$0x4], $0x1C00, $0x38;
	[tilespmem:$0x1EA00] =	vst v63  }
0x4c0: {  	s0 =	simm.s32 $0x3  }
0x4c1: {  	_ =	swait.ge [sflag:s0], $0x1C00  }
0x4c2: {  	[sflag:s0] =	ssyncset.done $0x0  }
0x4c3: {  	s1 =	simm.s32 $0x4;
	[sflag:s0] =	ssyncadd.s32 $0xFFFFE400  }
0x4c4: {  	_ =	swait.ge [sflag:s1], $0x1C00  }
0x4c5: {  	s2 =	sld [smem:$0x7F3]  }
0x4c6: {  	s31 =	sld [smem:$0x7FD];
	_ =	sdelay $0x1  }
0x4c7: {  	s2 =	sadd.s32 $0x1, s2  }
0x4c8: {  	p0 =	sne.s32 s2, s31  }
.Ltmp5:
0x4c9: {  	_ = 	snop;
	(pc) =	sbr.rel @p0 .LBB2_1-.Ltmp5, $3  }
0x4ca: {  	_ =	sdelay $0x1  }
0x4cb: {  	[sflag:s1] =	ssyncset.done $0x0  }
0x4cc: {  	[sflag:s1] =	ssyncadd.s32 $0xFFFFE400  }
0x4cd: {  	_ =	sfence.sel $0x180000  }
0x4ce: {  	[bflag:$0x0] =	sbarrier.arrive $0xFFFF  }
0x4cf: {  	_ =	strace $0x90000047  }
0x4d0: {  	s0 =	stileid.u32;
	[bflag:$0x2] =	sbarrier.arrive $0xFFFF  }
0x4d1: {  	p0 =	sne.s32 s0, $0x0;
	s0 =	rddreg [dreg:$0x4]  }
0x4d2: {  	s0 =	sadd.s32 @!p0 $0x100000, s0  }
0x4d3: {  	[sflag:s0] =	ssyncadd.tile.s32 @!p0 $0x1;
	_ =	shalt  }
.Lfunc_end2:
_tile_overlayer_lowered:
.L_overlay_start_2:
0x4d4: {  	(tag) =	ssettag $0x2  }
0x4d5: {  	s0 =	rddreg [dreg:$0x0];
	s2 =	stileid.u32  }
0x4d6: {  	s1 =	rddreg [dreg:$0x1];
	p0 =	sne.s32 s2, $0x0  }
0x4d7: {  	s3 =	rddreg [dreg:$0x2];
	[bflag:$0x3] =	sbarrier.arrive $0xFFFF;
	s2 =	simm.s32 @!p0 $0x1C06  }
0x4d8: {  	[timem:s3], [sflag:s2] =	dma.local @!p0 [hbm:s0], s1  }
0x4d9: {  	s0 =	simm.s32 @!p0 $0x6  }
0x4da: {  	_ =	swait.ge @!p0 [sflag:s0], s1  }
0x4db: {  	s1 =	ssub.s32 @!p0 $0x0, s1;
	[sflag:s0] =	ssyncset.done @!p0 $0x0  }
0x4dc: {  	[sflag:s0] =	ssyncadd.s32 @!p0 s1  }
0x4dd: {  	[bflag:$0x3] =	sbarrier.arrive $0xFFFF  }
0x4de: {  	_ =	shalt  }

</sc_bundles>
